<compile_context>
chip_gen: v7x
topology: tpu7x:2x2x1
jax: 0.10.2.dev20260603
libtpu: 0.0.44.dev20260713+nightly
codegen_flags: <defaults>
</compile_context>

<pallas_src>
import functools

import jax
import jax.numpy as jnp
import numpy as np
from jax import lax
from jax.experimental import pallas as pl
from jax.experimental.pallas import tpu as pltpu
from jax.experimental.pallas import tpu_sc as plsc

N_ROWS = 64
N_COLS = 32768
K_RATIO = 0.1

_POS = np.float32(1.0 - K_RATIO) * np.float32(N_COLS - 1)
_LO_IDX = int(np.floor(_POS))
_GAMMA = float(np.float32(_POS) - np.float32(_LO_IDX))
_RANK = _LO_IDX + 1

_MAX_BITS = 0x7F7FFFFF

_NVEC = N_COLS // 16
_WORDS_PER_ROW = N_COLS // 4


def _locate(counts, rank, iota):

    def body(j, carry):
        found, bsel, below, c_at = carry
        c = counts[pl.ds(16 * j, 16)]
        tot = jnp.sum(c)
        cum = plsc.cumsum(c)
        hitv = jnp.logical_and(below + cum >= rank, found == 0)
        lane = jnp.max(plsc.all_reduce_ffs(hitv))
        is_hit = jnp.logical_and(found == 0, lane < 16)
        cumprev = jnp.sum(jnp.where(iota < lane, c, 0))
        c_lane = jnp.sum(jnp.where(iota == lane, c, 0))
        bsel = jnp.where(is_hit, 16 * j + lane, bsel)
        below = jnp.where(is_hit, below + cumprev,
                          jnp.where(found == 0, below + tot, below))
        c_at = jnp.where(is_hit, c_lane, c_at)
        found = jnp.where(is_hit, 1, found)
        return found, bsel, below, c_at

    zero = jnp.int32(0)
    _, b, below, c_at = lax.fori_loop(0, 64, body, (zero, zero, zero, zero))
    return b, below, c_at


def _row_tau(row, counts, iota, ones):

    def zero_counts():
        @plsc.parallel_loop(0, 64, unroll=4)
        def _(j):
            counts[pl.ds(16 * j, 16)] = jnp.zeros((16,), jnp.int32)

    def hist(shift, prefix_shift, prefix):
        pv = jnp.full((16,), 1, jnp.int32) * prefix

        @plsc.parallel_loop(0, _NVEC, unroll=16)
        def _(i):
            k = plsc.bitcast(row[pl.ds(16 * i, 16)], jnp.int32)
            bucket = jnp.bitwise_and(jnp.right_shift(k, shift), 1023)
            if prefix_shift >= 30:
                plsc.addupdate_scatter(counts, [bucket], ones)
            else:
                m = jnp.right_shift(k, prefix_shift) == pv
                plsc.addupdate_scatter(counts, [bucket], ones, mask=m)

    rank = jnp.int32(_RANK)
    zero_counts()
    hist(20, 30, jnp.int32(0))
    b0, below0, _ = _locate(counts, rank, iota)
    rank = rank - below0

    zero_counts()
    hist(10, 20, b0)
    b1, below1, _ = _locate(counts, rank, iota)
    rank = rank - below1

    zero_counts()
    prefix01 = jnp.bitwise_or(jnp.left_shift(b0, 10), b1)
    hist(0, 10, prefix01)
    b2, below2, c_eq = _locate(counts, rank, iota)
    rank = rank - below2

    s1_bits = jnp.bitwise_or(jnp.left_shift(prefix01, 10), b2)

    s1v = jnp.full((16,), 1, jnp.int32) * s1_bits
    maxv = jnp.full((16,), _MAX_BITS, jnp.int32)

    @plsc.parallel_loop(0, _NVEC, unroll=16,
                        carry=jnp.full((16,), _MAX_BITS, jnp.int32))
    def acc(i, a):
        k = plsc.bitcast(row[pl.ds(16 * i, 16)], jnp.int32)
        return jnp.minimum(a, jnp.where(k > s1v, k, maxv))

    nxt_bits = jnp.min(acc)
    s2_bits = jnp.where(rank < c_eq, s1_bits, nxt_bits)

    s1 = plsc.bitcast(jnp.full((16,), 1, jnp.int32) * s1_bits, jnp.float32)
    s2 = plsc.bitcast(jnp.full((16,), 1, jnp.int32) * s2_bits, jnp.float32)
    g = jnp.float32(_GAMMA)
    return s1 * (jnp.float32(1) - g) + s2 * g


def _sc_kernel(a_hbm, b_hbm, newp_hbm, disp_hbm,
               row_a, row_b, counts, mask_n, mask_d):
    wid = lax.axis_index("s") * 2 + lax.axis_index("c")
    iota = lax.iota(jnp.int32, 16)
    ones = jnp.full((16,), 1, jnp.int32)
    offs = [4 * iota + j for j in range(4)]

    def do_row(rr, _):
        r = 2 * wid + rr
        base = r * N_COLS
        pltpu.sync_copy(a_hbm.at[pl.ds(base, N_COLS)], row_a)
        pltpu.sync_copy(b_hbm.at[pl.ds(base, N_COLS)], row_b)

        tau_a = _row_tau(row_a, counts, iota, ones)
        tau_b = _row_tau(row_b, counts, iota, ones)

        @plsc.parallel_loop(0, _NVEC // 4, unroll=4)
        def mask_body(i):
            gbase = 64 * i
            nw = jnp.zeros((16,), jnp.int32)
            dw = jnp.zeros((16,), jnp.int32)
            for j in range(4):
                idx = gbase + offs[j]
                av = plsc.load_gather(row_a, [idx])
                bv = plsc.load_gather(row_b, [idx])
                a_hi = av > tau_a
                b_hi = bv > tau_b
                nm = jnp.where(jnp.logical_and(a_hi, jnp.logical_not(b_hi)),
                               1, 0)
                dm = jnp.where(jnp.logical_and(b_hi, jnp.logical_not(a_hi)),
                               1, 0)
                nw = jnp.bitwise_or(nw, jnp.left_shift(nm, 8 * j))
                dw = jnp.bitwise_or(dw, jnp.left_shift(dm, 8 * j))
            mask_n[pl.ds(16 * i, 16)] = nw
            mask_d[pl.ds(16 * i, 16)] = dw

        obase = r * _WORDS_PER_ROW
        pltpu.sync_copy(mask_n, newp_hbm.at[pl.ds(obase, _WORDS_PER_ROW)])
        pltpu.sync_copy(mask_d, disp_hbm.at[pl.ds(obase, _WORDS_PER_ROW)])
        return 0

    lax.fori_loop(0, 2, do_row, 0)


@jax.jit
def kernel(C_now2past, C_past2now):
    rows, cols = C_now2past.shape
    nwords = rows * cols // 4
    mesh = plsc.VectorSubcoreMesh(core_axis_name="c", subcore_axis_name="s")
    packed_struct = jax.ShapeDtypeStruct((nwords,), jnp.int32)
    run = functools.partial(
        pl.kernel,
        mesh=mesh,
        out_type=[packed_struct, packed_struct],
        compiler_params=pltpu.CompilerParams(needs_layout_passes=False),
        scratch_types=[
            pltpu.VMEM((N_COLS,), jnp.float32),
            pltpu.VMEM((N_COLS,), jnp.float32),
            pltpu.VMEM((1024,), jnp.int32),
            pltpu.VMEM((N_COLS // 4,), jnp.int32),
            pltpu.VMEM((N_COLS // 4,), jnp.int32),
        ],
    )(_sc_kernel)
    newp, disp = run(C_now2past.reshape(-1), C_past2now.reshape(-1))

    def unpack(p):
        bytes4 = lax.bitcast_convert_type(p.reshape(rows, cols // 4),
                                          jnp.uint8)
        return bytes4.reshape(rows, cols).astype(jnp.bool_)

    return (unpack(newp), unpack(disp))

# --- scband reference (transcript-rebuilt; emitter-appended) ---
"""Pipeline reference for scband-dynamic-otthresh-41790031790463 (READ-ONLY COPY).

The authoritative reference and input builder live on the scoring server;
editing this copy changes nothing except your own understanding.
"""

import jax, jax.numpy as jnp
import numpy as np

K_RATIO = 0.1

def setup_inputs(seed: int = 0) -> dict:
    key = jax.random.key(seed)
    k1, k2 = jax.random.split(key)
    C_now2past = jax.random.uniform(k1, (64, 32768), dtype=jnp.float32)
    C_past2now = jax.random.uniform(k2, (64, 32768), dtype=jnp.float32)
    return {"C_now2past": C_now2past, "C_past2now": C_past2now}

def reference(C_now2past, C_past2now):
    # mode == 'topk': per-row adaptive Top-K threshold via quantile
    tau_now = jnp.quantile(C_now2past, 1.0 - K_RATIO, axis=1, keepdims=True)
    tau_past = jnp.quantile(C_past2now, 1.0 - K_RATIO, axis=1, keepdims=True)
    new_mask = (C_now2past > tau_now) & (C_past2now <= tau_past)
    disappear_mask = (C_past2now > tau_past) & (C_now2past <= tau_now)
    return (new_mask, disappear_mask)

if __name__ == "__main__":
    import jax
    _d = setup_inputs()
    print(jax.jit(kernel)(*tuple(_d.values())))

</pallas_src>

<mosaic_0001>
#map = affine_map<(d0, d1) -> (0)>
module attributes {stable_mosaic.version = 14 : i64} {
  func.func @_sc_kernel(%arg0: i32, %arg1: i32, %arg2: memref<2097152xf32, #tpu.memory_space<hbm>>, %arg3: memref<2097152xf32, #tpu.memory_space<hbm>>, %arg4: memref<524288xi32, #tpu.memory_space<hbm>>, %arg5: memref<524288xi32, #tpu.memory_space<hbm>>, %arg6: memref<32768xf32, #tpu.memory_space<vmem>>, %arg7: memref<32768xf32, #tpu.memory_space<vmem>>, %arg8: memref<1024xi32, #tpu.memory_space<vmem>>, %arg9: memref<8192xi32, #tpu.memory_space<vmem>>, %arg10: memref<8192xi32, #tpu.memory_space<vmem>>) attributes {dimension_semantics = [#tpu.dimension_semantics<core_parallel>, #tpu.dimension_semantics<subcore_parallel>], iteration_bounds = array<i64: 2, 16>, scalar_prefetch = 0 : i64, scratch_operands = 5 : i64, tpu.core_type = #tpu.core_type<sc_vector_subcore>, window_params = [{transform_indices = #map}, {transform_indices = #map}, {transform_indices = #map}, {transform_indices = #map}]} {
    %mul3A = arith.constant 2 : i32
    %mul3A_0 = arith.muli %arg1, %mul3A : i32
    %add3A = arith.addi %mul3A_0, %arg0 : i32
    %iota3A = tpu.iota {dimensions = array<i32: 0>} : vector<16xi32>
    %broadcast_in_dim3A = arith.constant 1 : i32
    %broadcast_in_dim3A_1 = vector.broadcast %broadcast_in_dim3A : i32 to vector<16xi32>
    %mul3A_2 = arith.constant 4 : i32
    %mul3A_3 = vector.broadcast %mul3A_2 : i32 to vector<16xi32>
    %mul3A_4 = arith.muli %mul3A_3, %iota3A : vector<16xi32>
    %add3A_5 = arith.constant 0 : i32
    %add3A_6 = vector.broadcast %add3A_5 : i32 to vector<16xi32>
    %add3A_7 = arith.addi %mul3A_4, %add3A_6 : vector<16xi32>
    %mul3A_8 = arith.constant 4 : i32
    %mul3A_9 = vector.broadcast %mul3A_8 : i32 to vector<16xi32>
    %mul3A_10 = arith.muli %mul3A_9, %iota3A : vector<16xi32>
    %add3A_11 = arith.constant 1 : i32
    %add3A_12 = vector.broadcast %add3A_11 : i32 to vector<16xi32>
    %add3A_13 = arith.addi %mul3A_10, %add3A_12 : vector<16xi32>
    %mul3A_14 = arith.constant 4 : i32
    %mul3A_15 = vector.broadcast %mul3A_14 : i32 to vector<16xi32>
    %mul3A_16 = arith.muli %mul3A_15, %iota3A : vector<16xi32>
    %add3A_17 = arith.constant 2 : i32
    %add3A_18 = vector.broadcast %add3A_17 : i32 to vector<16xi32>
    %add3A_19 = arith.addi %mul3A_16, %add3A_18 : vector<16xi32>
    %mul3A_20 = arith.constant 4 : i32
    %mul3A_21 = vector.broadcast %mul3A_20 : i32 to vector<16xi32>
    %mul3A_22 = arith.muli %mul3A_21, %iota3A : vector<16xi32>
    %add3A_23 = arith.constant 3 : i32
    %add3A_24 = vector.broadcast %add3A_23 : i32 to vector<16xi32>
    %add3A_25 = arith.addi %mul3A_22, %add3A_24 : vector<16xi32>
    %scan3A = arith.constant 0 : i32
    %scan3A_26 = arith.constant 0 : i32
    %scan3A_27 = arith.constant 2 : i32
    %scan3A_28 = arith.addi %scan3A_26, %scan3A_27 : i32
    %scan3A_29 = arith.constant 1 : i32
    %scan3A_30 = scf.for %scan3A_32 = %scan3A_26 to %scan3A_28 step %scan3A_29 iter_args(%scan3A_33 = %scan3A) -> (i32)  : i32 {
      %mul3A_34 = arith.constant 2 : i32
      %mul3A_35 = arith.muli %mul3A_34, %add3A : i32
      %add3A_36 = arith.addi %mul3A_35, %scan3A_32 : i32
      %mul3A_37 = arith.constant 32768 : i32
      %mul3A_38 = arith.muli %add3A_36, %mul3A_37 : i32
      "tpu.region"() ({
        %run_scoped3A = tpu.sem_alloc : memref<!tpu.dma_semaphore, #tpu.memory_space<semaphore_mem>>
        %dma_start3A = tpu.memref_slice %arg2[%mul3A_38] : memref<2097152xf32, #tpu.memory_space<hbm>> -> memref<32768xf32, #tpu.memory_space<hbm>>
        %dma_start3A_263 = tpu.memref_slice %arg2[%mul3A_38] : memref<2097152xf32, #tpu.memory_space<hbm>> -> memref<32768xf32, #tpu.memory_space<hbm>>
        tpu.enqueue_dma source(%dma_start3A_263 : memref<32768xf32, #tpu.memory_space<hbm>>) target(%arg6 : memref<32768xf32, #tpu.memory_space<vmem>>) target_semaphore(%run_scoped3A : memref<!tpu.dma_semaphore, #tpu.memory_space<semaphore_mem>>)
        %dma_wait3A = tpu.memref_slice %arg2[%mul3A_38] : memref<2097152xf32, #tpu.memory_space<hbm>> -> memref<32768xf32, #tpu.memory_space<hbm>>
        %dma_wait3A_264 = tpu.memref_slice %arg2[%mul3A_38] : memref<2097152xf32, #tpu.memory_space<hbm>> -> memref<32768xf32, #tpu.memory_space<hbm>>
        tpu.wait_dma2 semaphore(%run_scoped3A : memref<!tpu.dma_semaphore, #tpu.memory_space<semaphore_mem>>) src(%dma_wait3A_264 : memref<32768xf32, #tpu.memory_space<hbm>>) dst(%arg6 : memref<32768xf32, #tpu.memory_space<vmem>>)
        tpu.yield
      }) : () -> ()
      "tpu.region"() ({
        %run_scoped3A = tpu.sem_alloc : memref<!tpu.dma_semaphore, #tpu.memory_space<semaphore_mem>>
        %dma_start3A = tpu.memref_slice %arg3[%mul3A_38] : memref<2097152xf32, #tpu.memory_space<hbm>> -> memref<32768xf32, #tpu.memory_space<hbm>>
        %dma_start3A_263 = tpu.memref_slice %arg3[%mul3A_38] : memref<2097152xf32, #tpu.memory_space<hbm>> -> memref<32768xf32, #tpu.memory_space<hbm>>
        tpu.enqueue_dma source(%dma_start3A_263 : memref<32768xf32, #tpu.memory_space<hbm>>) target(%arg7 : memref<32768xf32, #tpu.memory_space<vmem>>) target_semaphore(%run_scoped3A : memref<!tpu.dma_semaphore, #tpu.memory_space<semaphore_mem>>)
        %dma_wait3A = tpu.memref_slice %arg3[%mul3A_38] : memref<2097152xf32, #tpu.memory_space<hbm>> -> memref<32768xf32, #tpu.memory_space<hbm>>
        %dma_wait3A_264 = tpu.memref_slice %arg3[%mul3A_38] : memref<2097152xf32, #tpu.memory_space<hbm>> -> memref<32768xf32, #tpu.memory_space<hbm>>
        tpu.wait_dma2 semaphore(%run_scoped3A : memref<!tpu.dma_semaphore, #tpu.memory_space<semaphore_mem>>) src(%dma_wait3A_264 : memref<32768xf32, #tpu.memory_space<hbm>>) dst(%arg7 : memref<32768xf32, #tpu.memory_space<vmem>>)
        tpu.yield
      }) : () -> ()
      %parallel_loop3A = arith.constant 0 : i32
      %parallel_loop3A_39 = arith.constant 64 : i32
      %parallel_loop3A_40 = arith.constant 1 : i32
      scf.for %parallel_loop3A_263 = %parallel_loop3A to %parallel_loop3A_39 step %parallel_loop3A_40  : i32 {
        %parallel_loop3A_264 = arith.constant 0 : i32
        %parallel_loop3A_265 = vector.broadcast %parallel_loop3A_264 : i32 to vector<16xi32>
        %parallel_loop3A_266 = arith.constant 16 : i32
        %parallel_loop3A_267 = arith.muli %parallel_loop3A_266, %parallel_loop3A_263 : i32
        %parallel_loop3A_268 = arith.index_cast %parallel_loop3A_267 : i32 to index
        %parallel_loop3A_269 = tpu.vector_load %arg8[%parallel_loop3A_268] {strides = array<i32>} : memref<1024xi32, #tpu.memory_space<vmem>>, vector<16xi32>,
        tpu.vector_store %arg8[%parallel_loop3A_268], %parallel_loop3A_265 {strides = array<i32>} : memref<1024xi32, #tpu.memory_space<vmem>>, vector<16xi32>,
      } {sc.loop_unroll_factor = 4 : i64, sc.parallel_access}
      %broadcast_in_dim3A_41 = arith.constant 1 : i32
      %broadcast_in_dim3A_42 = vector.broadcast %broadcast_in_dim3A_41 : i32 to vector<16xi32>
      %mul3A_43 = arith.constant 0 : i32
      %mul3A_44 = vector.broadcast %mul3A_43 : i32 to vector<16xi32>
      %mul3A_45 = arith.muli %broadcast_in_dim3A_42, %mul3A_44 : vector<16xi32>
      %parallel_loop3A_46 = arith.constant 0 : i32
      %parallel_loop3A_47 = arith.constant 2048 : i32
      %parallel_loop3A_48 = arith.constant 1 : i32
      scf.for %parallel_loop3A_263 = %parallel_loop3A_46 to %parallel_loop3A_47 step %parallel_loop3A_48  : i32 {
        %parallel_loop3A_264 = arith.constant 16 : i32
        %parallel_loop3A_265 = arith.muli %parallel_loop3A_264, %parallel_loop3A_263 : i32
        %parallel_loop3A_266 = arith.index_cast %parallel_loop3A_265 : i32 to index
        %parallel_loop3A_267 = tpu.vector_load %arg6[%parallel_loop3A_266] {strides = array<i32>} : memref<32768xf32, #tpu.memory_space<vmem>>, vector<16xf32>,
        %parallel_loop3A_268 = vector.bitcast %parallel_loop3A_267 : vector<16xf32> to vector<16xi32>
        %parallel_loop3A_269 = arith.constant 20 : i32
        %parallel_loop3A_270 = vector.broadcast %parallel_loop3A_269 : i32 to vector<16xi32>
        %parallel_loop3A_271 = arith.shrsi %parallel_loop3A_268, %parallel_loop3A_270 : vector<16xi32>
        %parallel_loop3A_272 = arith.constant 1023 : i32
        %parallel_loop3A_273 = vector.broadcast %parallel_loop3A_272 : i32 to vector<16xi32>
        %parallel_loop3A_274 = arith.andi %parallel_loop3A_271, %parallel_loop3A_273 : vector<16xi32>
        tpu.vector_store_idx %arg8[%parallel_loop3A_274], %broadcast_in_dim3A_1 {add = true} : memref<1024xi32, #tpu.memory_space<vmem>>[vector<16xi32>], vector<16xi32>,
      } {sc.loop_unroll_factor = 16 : i64, sc.parallel_access}
      %scan3A_49 = arith.constant 29491 : i32
      %scan3A_50 = arith.constant 0 : i32
      %scan3A_51 = arith.constant 0 : i32
      %scan3A_52 = arith.constant 0 : i32
      %scan3A_53 = arith.constant 0 : i32
      %scan3A_54 = arith.constant 0 : i32
      %scan3A_55 = arith.constant 64 : i32
      %scan3A_56 = arith.addi %scan3A_54, %scan3A_55 : i32
      %scan3A_57 = arith.constant 1 : i32
      %scan3A_58:4 = scf.for %scan3A_263 = %scan3A_54 to %scan3A_56 step %scan3A_57 iter_args(%scan3A_264 = %scan3A_50, %scan3A_265 = %scan3A_51, %scan3A_266 = %scan3A_52, %scan3A_267 = %scan3A_53) -> (i32, i32, i32, i32)  : i32 {
        %mul3A_268 = arith.constant 16 : i32
        %mul3A_269 = arith.muli %mul3A_268, %scan3A_263 : i32
        %get3A = arith.index_cast %mul3A_269 : i32 to index
        %get3A_270 = tpu.vector_load %arg8[%get3A] {strides = array<i32>} : memref<1024xi32, #tpu.memory_space<vmem>>, vector<16xi32>,
        %reduce_sum3A = arith.constant true
        %reduce_sum3A_271 = vector.broadcast %reduce_sum3A : i1 to vector<16xi1>
        %reduce_sum3A_272 = tpu.scan <sum>, %get3A_270 masked %reduce_sum3A_271 : vector<16xi32>, vector<16xi1> -> vector<16xi32>
        %reduce_sum3A_273 = vector.extract %reduce_sum3A_272[15] : i32 from vector<16xi32>
        %broadcast_in_dim3A_274 = arith.constant true
        %broadcast_in_dim3A_275 = vector.broadcast %broadcast_in_dim3A_274 : i1 to vector<16xi1>
        %masked_cumsum3A = tpu.scan <sum>, %get3A_270 masked %broadcast_in_dim3A_275 : vector<16xi32>, vector<16xi1> -> vector<16xi32>
        %add3A_276 = vector.broadcast %scan3A_266 : i32 to vector<16xi32>
        %add3A_277 = arith.addi %add3A_276, %masked_cumsum3A : vector<16xi32>
        %ge3A = vector.broadcast %scan3A_49 : i32 to vector<16xi32>
        %ge3A_278 = arith.cmpi sge, %add3A_277, %ge3A : vector<16xi32>
        %eq3A = arith.constant 0 : i32
        %eq3A_279 = arith.cmpi eq, %scan3A_264, %eq3A : i32
        %and3A = vector.broadcast %eq3A_279 : i1 to vector<16xi1>
        %and3A_280 = arith.andi %ge3A_278, %and3A : vector<16xi1>
        %all_reduce_ffs3A = tpu.all_reduce %and3A_280 {dim = 0 : i64, kind = #tpu.reduction_kind<find_first_set>} : vector<16xi1> -> vector<16xi32>
        %reduce_max3A = arith.constant true
        %reduce_max3A_281 = vector.broadcast %reduce_max3A : i1 to vector<16xi1>
        %reduce_max3A_282 = arith.constant -2147483648 : i32
        %reduce_max3A_283 = vector.broadcast %reduce_max3A_282 : i32 to vector<16xi32>
        %reduce_max3A_284 = arith.xori %all_reduce_ffs3A, %reduce_max3A_283 : vector<16xi32>
        %reduce_max3A_285 = tpu.scan <max>, %reduce_max3A_284 masked %reduce_max3A_281 : vector<16xi32>, vector<16xi1> -> vector<16xi32>
        %reduce_max3A_286 = arith.xori %reduce_max3A_285, %reduce_max3A_283 : vector<16xi32>
        %reduce_max3A_287 = vector.extract %reduce_max3A_286[15] : i32 from vector<16xi32>
        %eq3A_288 = arith.constant 0 : i32
        %eq3A_289 = arith.cmpi eq, %scan3A_264, %eq3A_288 : i32
        %lt3A_290 = arith.constant 16 : i32
        %lt3A_291 = arith.cmpi slt, %reduce_max3A_287, %lt3A_290 : i32
        %and3A_292 = arith.andi %eq3A_289, %lt3A_291 : i1
        %lt3A_293 = vector.broadcast %reduce_max3A_287 : i32 to vector<16xi32>
        %lt3A_294 = arith.cmpi slt, %iota3A, %lt3A_293 : vector<16xi32>
        %jit3A = arith.constant 0 : i32
        %broadcast_in_dim3A_295 = vector.broadcast %jit3A : i32 to vector<16xi32>
        %select_n3A_296 = arith.select %lt3A_294, %get3A_270, %broadcast_in_dim3A_295 : vector<16xi1>, vector<16xi32>
        %reduce_sum3A_297 = arith.constant true
        %reduce_sum3A_298 = vector.broadcast %reduce_sum3A_297 : i1 to vector<16xi1>
        %reduce_sum3A_299 = tpu.scan <sum>, %select_n3A_296 masked %reduce_sum3A_298 : vector<16xi32>, vector<16xi1> -> vector<16xi32>
        %reduce_sum3A_300 = vector.extract %reduce_sum3A_299[15] : i32 from vector<16xi32>
        %eq3A_301 = vector.broadcast %reduce_max3A_287 : i32 to vector<16xi32>
        %eq3A_302 = arith.cmpi eq, %iota3A, %eq3A_301 : vector<16xi32>
        %jit3A_303 = arith.constant 0 : i32
        %broadcast_in_dim3A_304 = vector.broadcast %jit3A_303 : i32 to vector<16xi32>
        %select_n3A_305 = arith.select %eq3A_302, %get3A_270, %broadcast_in_dim3A_304 : vector<16xi1>, vector<16xi32>
        %reduce_sum3A_306 = arith.constant true
        %reduce_sum3A_307 = vector.broadcast %reduce_sum3A_306 : i1 to vector<16xi1>
        %reduce_sum3A_308 = tpu.scan <sum>, %select_n3A_305 masked %reduce_sum3A_307 : vector<16xi32>, vector<16xi1> -> vector<16xi32>
        %reduce_sum3A_309 = vector.extract %reduce_sum3A_308[15] : i32 from vector<16xi32>
        %mul3A_310 = arith.constant 16 : i32
        %mul3A_311 = arith.muli %mul3A_310, %scan3A_263 : i32
        %add3A_312 = arith.addi %mul3A_311, %reduce_max3A_287 : i32
        %select_n3A_313 = arith.select %and3A_292, %add3A_312, %scan3A_265 : i32
        %add3A_314 = arith.addi %scan3A_266, %reduce_sum3A_300 : i32
        %eq3A_315 = arith.constant 0 : i32
        %eq3A_316 = arith.cmpi eq, %scan3A_264, %eq3A_315 : i32
        %add3A_317 = arith.addi %scan3A_266, %reduce_sum3A_273 : i32
        %select_n3A_318 = arith.select %eq3A_316, %add3A_317, %scan3A_266 : i32
        %select_n3A_319 = arith.select %and3A_292, %add3A_314, %select_n3A_318 : i32
        %select_n3A_320 = arith.select %and3A_292, %reduce_sum3A_309, %scan3A_267 : i32
        %jit3A_321 = arith.constant 1 : i32
        %select_n3A_322 = arith.select %and3A_292, %jit3A_321, %scan3A_264 : i32
        scf.yield %select_n3A_322, %select_n3A_313, %select_n3A_319, %select_n3A_320 : i32, i32, i32, i32
      }
      %scan3A_59 = arith.constant 64 : i32
      %sub3A = arith.constant 29491 : i32
      %sub3A_60 = arith.subi %sub3A, %scan3A_58#2 : i32
      %parallel_loop3A_61 = arith.constant 0 : i32
      %parallel_loop3A_62 = arith.constant 64 : i32
      %parallel_loop3A_63 = arith.constant 1 : i32
      scf.for %parallel_loop3A_263 = %parallel_loop3A_61 to %parallel_loop3A_62 step %parallel_loop3A_63  : i32 {
        %parallel_loop3A_264 = arith.constant 0 : i32
        %parallel_loop3A_265 = vector.broadcast %parallel_loop3A_264 : i32 to vector<16xi32>
        %parallel_loop3A_266 = arith.constant 16 : i32
        %parallel_loop3A_267 = arith.muli %parallel_loop3A_266, %parallel_loop3A_263 : i32
        %parallel_loop3A_268 = arith.index_cast %parallel_loop3A_267 : i32 to index
        %parallel_loop3A_269 = tpu.vector_load %arg8[%parallel_loop3A_268] {strides = array<i32>} : memref<1024xi32, #tpu.memory_space<vmem>>, vector<16xi32>,
        tpu.vector_store %arg8[%parallel_loop3A_268], %parallel_loop3A_265 {strides = array<i32>} : memref<1024xi32, #tpu.memory_space<vmem>>, vector<16xi32>,
      } {sc.loop_unroll_factor = 4 : i64, sc.parallel_access}
      %broadcast_in_dim3A_64 = arith.constant 1 : i32
      %broadcast_in_dim3A_65 = vector.broadcast %broadcast_in_dim3A_64 : i32 to vector<16xi32>
      %mul3A_66 = vector.broadcast %scan3A_58#1 : i32 to vector<16xi32>
      %mul3A_67 = arith.muli %broadcast_in_dim3A_65, %mul3A_66 : vector<16xi32>
      %parallel_loop3A_68 = arith.constant 0 : i32
      %parallel_loop3A_69 = arith.constant 2048 : i32
      %parallel_loop3A_70 = arith.constant 1 : i32
      scf.for %parallel_loop3A_263 = %parallel_loop3A_68 to %parallel_loop3A_69 step %parallel_loop3A_70  : i32 {
        %parallel_loop3A_264 = arith.constant 16 : i32
        %parallel_loop3A_265 = arith.muli %parallel_loop3A_264, %parallel_loop3A_263 : i32
        %parallel_loop3A_266 = arith.index_cast %parallel_loop3A_265 : i32 to index
        %parallel_loop3A_267 = tpu.vector_load %arg6[%parallel_loop3A_266] {strides = array<i32>} : memref<32768xf32, #tpu.memory_space<vmem>>, vector<16xf32>,
        %parallel_loop3A_268 = vector.bitcast %parallel_loop3A_267 : vector<16xf32> to vector<16xi32>
        %parallel_loop3A_269 = arith.constant 10 : i32
        %parallel_loop3A_270 = vector.broadcast %parallel_loop3A_269 : i32 to vector<16xi32>
        %parallel_loop3A_271 = arith.shrsi %parallel_loop3A_268, %parallel_loop3A_270 : vector<16xi32>
        %parallel_loop3A_272 = arith.constant 1023 : i32
        %parallel_loop3A_273 = vector.broadcast %parallel_loop3A_272 : i32 to vector<16xi32>
        %parallel_loop3A_274 = arith.andi %parallel_loop3A_271, %parallel_loop3A_273 : vector<16xi32>
        %parallel_loop3A_275 = arith.constant 20 : i32
        %parallel_loop3A_276 = vector.broadcast %parallel_loop3A_275 : i32 to vector<16xi32>
        %parallel_loop3A_277 = arith.shrsi %parallel_loop3A_268, %parallel_loop3A_276 : vector<16xi32>
        %parallel_loop3A_278 = arith.cmpi eq, %parallel_loop3A_277, %mul3A_67 : vector<16xi32>
        tpu.vector_store_idx %arg8[%parallel_loop3A_274], %broadcast_in_dim3A_1 masked %parallel_loop3A_278 {add = true} : memref<1024xi32, #tpu.memory_space<vmem>>[vector<16xi32>], vector<16xi32>, vector<16xi1>
      } {sc.loop_unroll_factor = 16 : i64, sc.parallel_access}
      %scan3A_71 = arith.constant 0 : i32
      %scan3A_72 = arith.constant 0 : i32
      %scan3A_73 = arith.constant 0 : i32
      %scan3A_74 = arith.constant 0 : i32
      %scan3A_75 = arith.constant 0 : i32
      %scan3A_76 = arith.constant 64 : i32
      %scan3A_77 = arith.addi %scan3A_75, %scan3A_76 : i32
      %scan3A_78 = arith.constant 1 : i32
      %scan3A_79:4 = scf.for %scan3A_263 = %scan3A_75 to %scan3A_77 step %scan3A_78 iter_args(%scan3A_264 = %scan3A_71, %scan3A_265 = %scan3A_72, %scan3A_266 = %scan3A_73, %scan3A_267 = %scan3A_74) -> (i32, i32, i32, i32)  : i32 {
        %mul3A_268 = arith.constant 16 : i32
        %mul3A_269 = arith.muli %mul3A_268, %scan3A_263 : i32
        %get3A = arith.index_cast %mul3A_269 : i32 to index
        %get3A_270 = tpu.vector_load %arg8[%get3A] {strides = array<i32>} : memref<1024xi32, #tpu.memory_space<vmem>>, vector<16xi32>,
        %reduce_sum3A = arith.constant true
        %reduce_sum3A_271 = vector.broadcast %reduce_sum3A : i1 to vector<16xi1>
        %reduce_sum3A_272 = tpu.scan <sum>, %get3A_270 masked %reduce_sum3A_271 : vector<16xi32>, vector<16xi1> -> vector<16xi32>
        %reduce_sum3A_273 = vector.extract %reduce_sum3A_272[15] : i32 from vector<16xi32>
        %broadcast_in_dim3A_274 = arith.constant true
        %broadcast_in_dim3A_275 = vector.broadcast %broadcast_in_dim3A_274 : i1 to vector<16xi1>
        %masked_cumsum3A = tpu.scan <sum>, %get3A_270 masked %broadcast_in_dim3A_275 : vector<16xi32>, vector<16xi1> -> vector<16xi32>
        %add3A_276 = vector.broadcast %scan3A_266 : i32 to vector<16xi32>
        %add3A_277 = arith.addi %add3A_276, %masked_cumsum3A : vector<16xi32>
        %ge3A = vector.broadcast %sub3A_60 : i32 to vector<16xi32>
        %ge3A_278 = arith.cmpi sge, %add3A_277, %ge3A : vector<16xi32>
        %eq3A = arith.constant 0 : i32
        %eq3A_279 = arith.cmpi eq, %scan3A_264, %eq3A : i32
        %and3A = vector.broadcast %eq3A_279 : i1 to vector<16xi1>
        %and3A_280 = arith.andi %ge3A_278, %and3A : vector<16xi1>
        %all_reduce_ffs3A = tpu.all_reduce %and3A_280 {dim = 0 : i64, kind = #tpu.reduction_kind<find_first_set>} : vector<16xi1> -> vector<16xi32>
        %reduce_max3A = arith.constant true
        %reduce_max3A_281 = vector.broadcast %reduce_max3A : i1 to vector<16xi1>
        %reduce_max3A_282 = arith.constant -2147483648 : i32
        %reduce_max3A_283 = vector.broadcast %reduce_max3A_282 : i32 to vector<16xi32>
        %reduce_max3A_284 = arith.xori %all_reduce_ffs3A, %reduce_max3A_283 : vector<16xi32>
        %reduce_max3A_285 = tpu.scan <max>, %reduce_max3A_284 masked %reduce_max3A_281 : vector<16xi32>, vector<16xi1> -> vector<16xi32>
        %reduce_max3A_286 = arith.xori %reduce_max3A_285, %reduce_max3A_283 : vector<16xi32>
        %reduce_max3A_287 = vector.extract %reduce_max3A_286[15] : i32 from vector<16xi32>
        %eq3A_288 = arith.constant 0 : i32
        %eq3A_289 = arith.cmpi eq, %scan3A_264, %eq3A_288 : i32
        %lt3A_290 = arith.constant 16 : i32
        %lt3A_291 = arith.cmpi slt, %reduce_max3A_287, %lt3A_290 : i32
        %and3A_292 = arith.andi %eq3A_289, %lt3A_291 : i1
        %lt3A_293 = vector.broadcast %reduce_max3A_287 : i32 to vector<16xi32>
        %lt3A_294 = arith.cmpi slt, %iota3A, %lt3A_293 : vector<16xi32>
        %jit3A = arith.constant 0 : i32
        %broadcast_in_dim3A_295 = vector.broadcast %jit3A : i32 to vector<16xi32>
        %select_n3A_296 = arith.select %lt3A_294, %get3A_270, %broadcast_in_dim3A_295 : vector<16xi1>, vector<16xi32>
        %reduce_sum3A_297 = arith.constant true
        %reduce_sum3A_298 = vector.broadcast %reduce_sum3A_297 : i1 to vector<16xi1>
        %reduce_sum3A_299 = tpu.scan <sum>, %select_n3A_296 masked %reduce_sum3A_298 : vector<16xi32>, vector<16xi1> -> vector<16xi32>
        %reduce_sum3A_300 = vector.extract %reduce_sum3A_299[15] : i32 from vector<16xi32>
        %eq3A_301 = vector.broadcast %reduce_max3A_287 : i32 to vector<16xi32>
        %eq3A_302 = arith.cmpi eq, %iota3A, %eq3A_301 : vector<16xi32>
        %jit3A_303 = arith.constant 0 : i32
        %broadcast_in_dim3A_304 = vector.broadcast %jit3A_303 : i32 to vector<16xi32>
        %select_n3A_305 = arith.select %eq3A_302, %get3A_270, %broadcast_in_dim3A_304 : vector<16xi1>, vector<16xi32>
        %reduce_sum3A_306 = arith.constant true
        %reduce_sum3A_307 = vector.broadcast %reduce_sum3A_306 : i1 to vector<16xi1>
        %reduce_sum3A_308 = tpu.scan <sum>, %select_n3A_305 masked %reduce_sum3A_307 : vector<16xi32>, vector<16xi1> -> vector<16xi32>
        %reduce_sum3A_309 = vector.extract %reduce_sum3A_308[15] : i32 from vector<16xi32>
        %mul3A_310 = arith.constant 16 : i32
        %mul3A_311 = arith.muli %mul3A_310, %scan3A_263 : i32
        %add3A_312 = arith.addi %mul3A_311, %reduce_max3A_287 : i32
        %select_n3A_313 = arith.select %and3A_292, %add3A_312, %scan3A_265 : i32
        %add3A_314 = arith.addi %scan3A_266, %reduce_sum3A_300 : i32
        %eq3A_315 = arith.constant 0 : i32
        %eq3A_316 = arith.cmpi eq, %scan3A_264, %eq3A_315 : i32
        %add3A_317 = arith.addi %scan3A_266, %reduce_sum3A_273 : i32
        %select_n3A_318 = arith.select %eq3A_316, %add3A_317, %scan3A_266 : i32
        %select_n3A_319 = arith.select %and3A_292, %add3A_314, %select_n3A_318 : i32
        %select_n3A_320 = arith.select %and3A_292, %reduce_sum3A_309, %scan3A_267 : i32
        %jit3A_321 = arith.constant 1 : i32
        %select_n3A_322 = arith.select %and3A_292, %jit3A_321, %scan3A_264 : i32
        scf.yield %select_n3A_322, %select_n3A_313, %select_n3A_319, %select_n3A_320 : i32, i32, i32, i32
      }
      %scan3A_80 = arith.constant 64 : i32
      %sub3A_81 = arith.subi %sub3A_60, %scan3A_79#2 : i32
      %parallel_loop3A_82 = arith.constant 0 : i32
      %parallel_loop3A_83 = arith.constant 64 : i32
      %parallel_loop3A_84 = arith.constant 1 : i32
      scf.for %parallel_loop3A_263 = %parallel_loop3A_82 to %parallel_loop3A_83 step %parallel_loop3A_84  : i32 {
        %parallel_loop3A_264 = arith.constant 0 : i32
        %parallel_loop3A_265 = vector.broadcast %parallel_loop3A_264 : i32 to vector<16xi32>
        %parallel_loop3A_266 = arith.constant 16 : i32
        %parallel_loop3A_267 = arith.muli %parallel_loop3A_266, %parallel_loop3A_263 : i32
        %parallel_loop3A_268 = arith.index_cast %parallel_loop3A_267 : i32 to index
        %parallel_loop3A_269 = tpu.vector_load %arg8[%parallel_loop3A_268] {strides = array<i32>} : memref<1024xi32, #tpu.memory_space<vmem>>, vector<16xi32>,
        tpu.vector_store %arg8[%parallel_loop3A_268], %parallel_loop3A_265 {strides = array<i32>} : memref<1024xi32, #tpu.memory_space<vmem>>, vector<16xi32>,
      } {sc.loop_unroll_factor = 4 : i64, sc.parallel_access}
      %shift_left3A = arith.constant 10 : i32
      %shift_left3A_85 = arith.shli %scan3A_58#1, %shift_left3A : i32
      %or3A = arith.ori %shift_left3A_85, %scan3A_79#1 : i32
      %broadcast_in_dim3A_86 = arith.constant 1 : i32
      %broadcast_in_dim3A_87 = vector.broadcast %broadcast_in_dim3A_86 : i32 to vector<16xi32>
      %mul3A_88 = vector.broadcast %or3A : i32 to vector<16xi32>
      %mul3A_89 = arith.muli %broadcast_in_dim3A_87, %mul3A_88 : vector<16xi32>
      %parallel_loop3A_90 = arith.constant 0 : i32
      %parallel_loop3A_91 = arith.constant 2048 : i32
      %parallel_loop3A_92 = arith.constant 1 : i32
      scf.for %parallel_loop3A_263 = %parallel_loop3A_90 to %parallel_loop3A_91 step %parallel_loop3A_92  : i32 {
        %parallel_loop3A_264 = arith.constant 16 : i32
        %parallel_loop3A_265 = arith.muli %parallel_loop3A_264, %parallel_loop3A_263 : i32
        %parallel_loop3A_266 = arith.index_cast %parallel_loop3A_265 : i32 to index
        %parallel_loop3A_267 = tpu.vector_load %arg6[%parallel_loop3A_266] {strides = array<i32>} : memref<32768xf32, #tpu.memory_space<vmem>>, vector<16xf32>,
        %parallel_loop3A_268 = vector.bitcast %parallel_loop3A_267 : vector<16xf32> to vector<16xi32>
        %parallel_loop3A_269 = arith.constant 0 : i32
        %parallel_loop3A_270 = vector.broadcast %parallel_loop3A_269 : i32 to vector<16xi32>
        %parallel_loop3A_271 = arith.shrsi %parallel_loop3A_268, %parallel_loop3A_270 : vector<16xi32>
        %parallel_loop3A_272 = arith.constant 1023 : i32
        %parallel_loop3A_273 = vector.broadcast %parallel_loop3A_272 : i32 to vector<16xi32>
        %parallel_loop3A_274 = arith.andi %parallel_loop3A_271, %parallel_loop3A_273 : vector<16xi32>
        %parallel_loop3A_275 = arith.constant 10 : i32
        %parallel_loop3A_276 = vector.broadcast %parallel_loop3A_275 : i32 to vector<16xi32>
        %parallel_loop3A_277 = arith.shrsi %parallel_loop3A_268, %parallel_loop3A_276 : vector<16xi32>
        %parallel_loop3A_278 = arith.cmpi eq, %parallel_loop3A_277, %mul3A_89 : vector<16xi32>
        tpu.vector_store_idx %arg8[%parallel_loop3A_274], %broadcast_in_dim3A_1 masked %parallel_loop3A_278 {add = true} : memref<1024xi32, #tpu.memory_space<vmem>>[vector<16xi32>], vector<16xi32>, vector<16xi1>
      } {sc.loop_unroll_factor = 16 : i64, sc.parallel_access}
      %scan3A_93 = arith.constant 0 : i32
      %scan3A_94 = arith.constant 0 : i32
      %scan3A_95 = arith.constant 0 : i32
      %scan3A_96 = arith.constant 0 : i32
      %scan3A_97 = arith.constant 0 : i32
      %scan3A_98 = arith.constant 64 : i32
      %scan3A_99 = arith.addi %scan3A_97, %scan3A_98 : i32
      %scan3A_100 = arith.constant 1 : i32
      %scan3A_101:4 = scf.for %scan3A_263 = %scan3A_97 to %scan3A_99 step %scan3A_100 iter_args(%scan3A_264 = %scan3A_93, %scan3A_265 = %scan3A_94, %scan3A_266 = %scan3A_95, %scan3A_267 = %scan3A_96) -> (i32, i32, i32, i32)  : i32 {
        %mul3A_268 = arith.constant 16 : i32
        %mul3A_269 = arith.muli %mul3A_268, %scan3A_263 : i32
        %get3A = arith.index_cast %mul3A_269 : i32 to index
        %get3A_270 = tpu.vector_load %arg8[%get3A] {strides = array<i32>} : memref<1024xi32, #tpu.memory_space<vmem>>, vector<16xi32>,
        %reduce_sum3A = arith.constant true
        %reduce_sum3A_271 = vector.broadcast %reduce_sum3A : i1 to vector<16xi1>
        %reduce_sum3A_272 = tpu.scan <sum>, %get3A_270 masked %reduce_sum3A_271 : vector<16xi32>, vector<16xi1> -> vector<16xi32>
        %reduce_sum3A_273 = vector.extract %reduce_sum3A_272[15] : i32 from vector<16xi32>
        %broadcast_in_dim3A_274 = arith.constant true
        %broadcast_in_dim3A_275 = vector.broadcast %broadcast_in_dim3A_274 : i1 to vector<16xi1>
        %masked_cumsum3A = tpu.scan <sum>, %get3A_270 masked %broadcast_in_dim3A_275 : vector<16xi32>, vector<16xi1> -> vector<16xi32>
        %add3A_276 = vector.broadcast %scan3A_266 : i32 to vector<16xi32>
        %add3A_277 = arith.addi %add3A_276, %masked_cumsum3A : vector<16xi32>
        %ge3A = vector.broadcast %sub3A_81 : i32 to vector<16xi32>
        %ge3A_278 = arith.cmpi sge, %add3A_277, %ge3A : vector<16xi32>
        %eq3A = arith.constant 0 : i32
        %eq3A_279 = arith.cmpi eq, %scan3A_264, %eq3A : i32
        %and3A = vector.broadcast %eq3A_279 : i1 to vector<16xi1>
        %and3A_280 = arith.andi %ge3A_278, %and3A : vector<16xi1>
        %all_reduce_ffs3A = tpu.all_reduce %and3A_280 {dim = 0 : i64, kind = #tpu.reduction_kind<find_first_set>} : vector<16xi1> -> vector<16xi32>
        %reduce_max3A = arith.constant true
        %reduce_max3A_281 = vector.broadcast %reduce_max3A : i1 to vector<16xi1>
        %reduce_max3A_282 = arith.constant -2147483648 : i32
        %reduce_max3A_283 = vector.broadcast %reduce_max3A_282 : i32 to vector<16xi32>
        %reduce_max3A_284 = arith.xori %all_reduce_ffs3A, %reduce_max3A_283 : vector<16xi32>
        %reduce_max3A_285 = tpu.scan <max>, %reduce_max3A_284 masked %reduce_max3A_281 : vector<16xi32>, vector<16xi1> -> vector<16xi32>
        %reduce_max3A_286 = arith.xori %reduce_max3A_285, %reduce_max3A_283 : vector<16xi32>
        %reduce_max3A_287 = vector.extract %reduce_max3A_286[15] : i32 from vector<16xi32>
        %eq3A_288 = arith.constant 0 : i32
        %eq3A_289 = arith.cmpi eq, %scan3A_264, %eq3A_288 : i32
        %lt3A_290 = arith.constant 16 : i32
        %lt3A_291 = arith.cmpi slt, %reduce_max3A_287, %lt3A_290 : i32
        %and3A_292 = arith.andi %eq3A_289, %lt3A_291 : i1
        %lt3A_293 = vector.broadcast %reduce_max3A_287 : i32 to vector<16xi32>
        %lt3A_294 = arith.cmpi slt, %iota3A, %lt3A_293 : vector<16xi32>
        %jit3A = arith.constant 0 : i32
        %broadcast_in_dim3A_295 = vector.broadcast %jit3A : i32 to vector<16xi32>
        %select_n3A_296 = arith.select %lt3A_294, %get3A_270, %broadcast_in_dim3A_295 : vector<16xi1>, vector<16xi32>
        %reduce_sum3A_297 = arith.constant true
        %reduce_sum3A_298 = vector.broadcast %reduce_sum3A_297 : i1 to vector<16xi1>
        %reduce_sum3A_299 = tpu.scan <sum>, %select_n3A_296 masked %reduce_sum3A_298 : vector<16xi32>, vector<16xi1> -> vector<16xi32>
        %reduce_sum3A_300 = vector.extract %reduce_sum3A_299[15] : i32 from vector<16xi32>
        %eq3A_301 = vector.broadcast %reduce_max3A_287 : i32 to vector<16xi32>
        %eq3A_302 = arith.cmpi eq, %iota3A, %eq3A_301 : vector<16xi32>
        %jit3A_303 = arith.constant 0 : i32
        %broadcast_in_dim3A_304 = vector.broadcast %jit3A_303 : i32 to vector<16xi32>
        %select_n3A_305 = arith.select %eq3A_302, %get3A_270, %broadcast_in_dim3A_304 : vector<16xi1>, vector<16xi32>
        %reduce_sum3A_306 = arith.constant true
        %reduce_sum3A_307 = vector.broadcast %reduce_sum3A_306 : i1 to vector<16xi1>
        %reduce_sum3A_308 = tpu.scan <sum>, %select_n3A_305 masked %reduce_sum3A_307 : vector<16xi32>, vector<16xi1> -> vector<16xi32>
        %reduce_sum3A_309 = vector.extract %reduce_sum3A_308[15] : i32 from vector<16xi32>
        %mul3A_310 = arith.constant 16 : i32
        %mul3A_311 = arith.muli %mul3A_310, %scan3A_263 : i32
        %add3A_312 = arith.addi %mul3A_311, %reduce_max3A_287 : i32
        %select_n3A_313 = arith.select %and3A_292, %add3A_312, %scan3A_265 : i32
        %add3A_314 = arith.addi %scan3A_266, %reduce_sum3A_300 : i32
        %eq3A_315 = arith.constant 0 : i32
        %eq3A_316 = arith.cmpi eq, %scan3A_264, %eq3A_315 : i32
        %add3A_317 = arith.addi %scan3A_266, %reduce_sum3A_273 : i32
        %select_n3A_318 = arith.select %eq3A_316, %add3A_317, %scan3A_266 : i32
        %select_n3A_319 = arith.select %and3A_292, %add3A_314, %select_n3A_318 : i32
        %select_n3A_320 = arith.select %and3A_292, %reduce_sum3A_309, %scan3A_267 : i32
        %jit3A_321 = arith.constant 1 : i32
        %select_n3A_322 = arith.select %and3A_292, %jit3A_321, %scan3A_264 : i32
        scf.yield %select_n3A_322, %select_n3A_313, %select_n3A_319, %select_n3A_320 : i32, i32, i32, i32
      }
      %scan3A_102 = arith.constant 64 : i32
      %sub3A_103 = arith.subi %sub3A_81, %scan3A_101#2 : i32
      %shift_left3A_104 = arith.constant 10 : i32
      %shift_left3A_105 = arith.shli %or3A, %shift_left3A_104 : i32
      %or3A_106 = arith.ori %shift_left3A_105, %scan3A_101#1 : i32
      %broadcast_in_dim3A_107 = arith.constant 1 : i32
      %broadcast_in_dim3A_108 = vector.broadcast %broadcast_in_dim3A_107 : i32 to vector<16xi32>
      %mul3A_109 = vector.broadcast %or3A_106 : i32 to vector<16xi32>
      %mul3A_110 = arith.muli %broadcast_in_dim3A_108, %mul3A_109 : vector<16xi32>
      %broadcast_in_dim3A_111 = arith.constant 2139095039 : i32
      %broadcast_in_dim3A_112 = vector.broadcast %broadcast_in_dim3A_111 : i32 to vector<16xi32>
      %broadcast_in_dim3A_113 = arith.constant 2139095039 : i32
      %broadcast_in_dim3A_114 = vector.broadcast %broadcast_in_dim3A_113 : i32 to vector<16xi32>
      %parallel_loop3A_115 = arith.constant 0 : i32
      %parallel_loop3A_116 = arith.constant 2048 : i32
      %parallel_loop3A_117 = arith.constant 1 : i32
      %parallel_loop3A_118 = scf.for %parallel_loop3A_263 = %parallel_loop3A_115 to %parallel_loop3A_116 step %parallel_loop3A_117 iter_args(%parallel_loop3A_264 = %broadcast_in_dim3A_114) -> (vector<16xi32>)  : i32 {
        %parallel_loop3A_265 = arith.constant 16 : i32
        %parallel_loop3A_266 = arith.muli %parallel_loop3A_265, %parallel_loop3A_263 : i32
        %parallel_loop3A_267 = arith.index_cast %parallel_loop3A_266 : i32 to index
        %parallel_loop3A_268 = tpu.vector_load %arg6[%parallel_loop3A_267] {strides = array<i32>} : memref<32768xf32, #tpu.memory_space<vmem>>, vector<16xf32>,
        %parallel_loop3A_269 = vector.bitcast %parallel_loop3A_268 : vector<16xf32> to vector<16xi32>
        %parallel_loop3A_270 = arith.cmpi sgt, %parallel_loop3A_269, %mul3A_110 : vector<16xi32>
        %parallel_loop3A_271 = arith.select %parallel_loop3A_270, %parallel_loop3A_269, %broadcast_in_dim3A_112 : vector<16xi1>, vector<16xi32>
        %parallel_loop3A_272 = arith.minsi %parallel_loop3A_264, %parallel_loop3A_271 : vector<16xi32>
        scf.yield %parallel_loop3A_272 : vector<16xi32>
      } {sc.loop_unroll_factor = 16 : i64, sc.parallel_access}
      %reduce_min3A = arith.constant true
      %reduce_min3A_119 = vector.broadcast %reduce_min3A : i1 to vector<16xi1>
      %reduce_min3A_120 = arith.constant -2147483648 : i32
      %reduce_min3A_121 = vector.broadcast %reduce_min3A_120 : i32 to vector<16xi32>
      %reduce_min3A_122 = arith.xori %parallel_loop3A_118, %reduce_min3A_121 : vector<16xi32>
      %reduce_min3A_123 = tpu.scan <min>, %reduce_min3A_122 masked %reduce_min3A_119 : vector<16xi32>, vector<16xi1> -> vector<16xi32>
      %reduce_min3A_124 = arith.xori %reduce_min3A_123, %reduce_min3A_121 : vector<16xi32>
      %reduce_min3A_125 = vector.extract %reduce_min3A_124[15] : i32 from vector<16xi32>
      %lt3A = arith.cmpi slt, %sub3A_103, %scan3A_101#3 : i32
      %select_n3A = arith.select %lt3A, %or3A_106, %reduce_min3A_125 : i32
      %broadcast_in_dim3A_126 = arith.constant 1 : i32
      %broadcast_in_dim3A_127 = vector.broadcast %broadcast_in_dim3A_126 : i32 to vector<16xi32>
      %mul3A_128 = vector.broadcast %or3A_106 : i32 to vector<16xi32>
      %mul3A_129 = arith.muli %broadcast_in_dim3A_127, %mul3A_128 : vector<16xi32>
      %bitcast3A = vector.bitcast %mul3A_129 : vector<16xi32> to vector<16xf32>
      %broadcast_in_dim3A_130 = arith.constant 1 : i32
      %broadcast_in_dim3A_131 = vector.broadcast %broadcast_in_dim3A_130 : i32 to vector<16xi32>
      %mul3A_132 = vector.broadcast %select_n3A : i32 to vector<16xi32>
      %mul3A_133 = arith.muli %broadcast_in_dim3A_131, %mul3A_132 : vector<16xi32>
      %bitcast3A_134 = vector.bitcast %mul3A_133 : vector<16xi32> to vector<16xf32>
      %sub3A_135 = arith.constant 1.000000e+00 : f32
      %sub3A_136 = arith.constant 0.298828125 : f32
      %sub3A_137 = arith.subf %sub3A_135, %sub3A_136 : f32
      %mul3A_138 = vector.broadcast %sub3A_137 : f32 to vector<16xf32>
      %mul3A_139 = arith.mulf %bitcast3A, %mul3A_138 : vector<16xf32>
      %mul3A_140 = arith.constant 0.298828125 : f32
      %mul3A_141 = vector.broadcast %mul3A_140 : f32 to vector<16xf32>
      %mul3A_142 = arith.mulf %bitcast3A_134, %mul3A_141 : vector<16xf32>
      %add3A_143 = arith.addf %mul3A_139, %mul3A_142 : vector<16xf32>
      %parallel_loop3A_144 = arith.constant 0 : i32
      %parallel_loop3A_145 = arith.constant 64 : i32
      %parallel_loop3A_146 = arith.constant 1 : i32
      scf.for %parallel_loop3A_263 = %parallel_loop3A_144 to %parallel_loop3A_145 step %parallel_loop3A_146  : i32 {
        %parallel_loop3A_264 = arith.constant 0 : i32
        %parallel_loop3A_265 = vector.broadcast %parallel_loop3A_264 : i32 to vector<16xi32>
        %parallel_loop3A_266 = arith.constant 16 : i32
        %parallel_loop3A_267 = arith.muli %parallel_loop3A_266, %parallel_loop3A_263 : i32
        %parallel_loop3A_268 = arith.index_cast %parallel_loop3A_267 : i32 to index
        %parallel_loop3A_269 = tpu.vector_load %arg8[%parallel_loop3A_268] {strides = array<i32>} : memref<1024xi32, #tpu.memory_space<vmem>>, vector<16xi32>,
        tpu.vector_store %arg8[%parallel_loop3A_268], %parallel_loop3A_265 {strides = array<i32>} : memref<1024xi32, #tpu.memory_space<vmem>>, vector<16xi32>,
      } {sc.loop_unroll_factor = 4 : i64, sc.parallel_access}
      %broadcast_in_dim3A_147 = arith.constant 1 : i32
      %broadcast_in_dim3A_148 = vector.broadcast %broadcast_in_dim3A_147 : i32 to vector<16xi32>
      %mul3A_149 = arith.constant 0 : i32
      %mul3A_150 = vector.broadcast %mul3A_149 : i32 to vector<16xi32>
      %mul3A_151 = arith.muli %broadcast_in_dim3A_148, %mul3A_150 : vector<16xi32>
      %parallel_loop3A_152 = arith.constant 0 : i32
      %parallel_loop3A_153 = arith.constant 2048 : i32
      %parallel_loop3A_154 = arith.constant 1 : i32
      scf.for %parallel_loop3A_263 = %parallel_loop3A_152 to %parallel_loop3A_153 step %parallel_loop3A_154  : i32 {
        %parallel_loop3A_264 = arith.constant 16 : i32
        %parallel_loop3A_265 = arith.muli %parallel_loop3A_264, %parallel_loop3A_263 : i32
        %parallel_loop3A_266 = arith.index_cast %parallel_loop3A_265 : i32 to index
        %parallel_loop3A_267 = tpu.vector_load %arg7[%parallel_loop3A_266] {strides = array<i32>} : memref<32768xf32, #tpu.memory_space<vmem>>, vector<16xf32>,
        %parallel_loop3A_268 = vector.bitcast %parallel_loop3A_267 : vector<16xf32> to vector<16xi32>
        %parallel_loop3A_269 = arith.constant 20 : i32
        %parallel_loop3A_270 = vector.broadcast %parallel_loop3A_269 : i32 to vector<16xi32>
        %parallel_loop3A_271 = arith.shrsi %parallel_loop3A_268, %parallel_loop3A_270 : vector<16xi32>
        %parallel_loop3A_272 = arith.constant 1023 : i32
        %parallel_loop3A_273 = vector.broadcast %parallel_loop3A_272 : i32 to vector<16xi32>
        %parallel_loop3A_274 = arith.andi %parallel_loop3A_271, %parallel_loop3A_273 : vector<16xi32>
        tpu.vector_store_idx %arg8[%parallel_loop3A_274], %broadcast_in_dim3A_1 {add = true} : memref<1024xi32, #tpu.memory_space<vmem>>[vector<16xi32>], vector<16xi32>,
      } {sc.loop_unroll_factor = 16 : i64, sc.parallel_access}
      %scan3A_155 = arith.constant 29491 : i32
      %scan3A_156 = arith.constant 0 : i32
      %scan3A_157 = arith.constant 0 : i32
      %scan3A_158 = arith.constant 0 : i32
      %scan3A_159 = arith.constant 0 : i32
      %scan3A_160 = arith.constant 0 : i32
      %scan3A_161 = arith.constant 64 : i32
      %scan3A_162 = arith.addi %scan3A_160, %scan3A_161 : i32
      %scan3A_163 = arith.constant 1 : i32
      %scan3A_164:4 = scf.for %scan3A_263 = %scan3A_160 to %scan3A_162 step %scan3A_163 iter_args(%scan3A_264 = %scan3A_156, %scan3A_265 = %scan3A_157, %scan3A_266 = %scan3A_158, %scan3A_267 = %scan3A_159) -> (i32, i32, i32, i32)  : i32 {
        %mul3A_268 = arith.constant 16 : i32
        %mul3A_269 = arith.muli %mul3A_268, %scan3A_263 : i32
        %get3A = arith.index_cast %mul3A_269 : i32 to index
        %get3A_270 = tpu.vector_load %arg8[%get3A] {strides = array<i32>} : memref<1024xi32, #tpu.memory_space<vmem>>, vector<16xi32>,
        %reduce_sum3A = arith.constant true
        %reduce_sum3A_271 = vector.broadcast %reduce_sum3A : i1 to vector<16xi1>
        %reduce_sum3A_272 = tpu.scan <sum>, %get3A_270 masked %reduce_sum3A_271 : vector<16xi32>, vector<16xi1> -> vector<16xi32>
        %reduce_sum3A_273 = vector.extract %reduce_sum3A_272[15] : i32 from vector<16xi32>
        %broadcast_in_dim3A_274 = arith.constant true
        %broadcast_in_dim3A_275 = vector.broadcast %broadcast_in_dim3A_274 : i1 to vector<16xi1>
        %masked_cumsum3A = tpu.scan <sum>, %get3A_270 masked %broadcast_in_dim3A_275 : vector<16xi32>, vector<16xi1> -> vector<16xi32>
        %add3A_276 = vector.broadcast %scan3A_266 : i32 to vector<16xi32>
        %add3A_277 = arith.addi %add3A_276, %masked_cumsum3A : vector<16xi32>
        %ge3A = vector.broadcast %scan3A_155 : i32 to vector<16xi32>
        %ge3A_278 = arith.cmpi sge, %add3A_277, %ge3A : vector<16xi32>
        %eq3A = arith.constant 0 : i32
        %eq3A_279 = arith.cmpi eq, %scan3A_264, %eq3A : i32
        %and3A = vector.broadcast %eq3A_279 : i1 to vector<16xi1>
        %and3A_280 = arith.andi %ge3A_278, %and3A : vector<16xi1>
        %all_reduce_ffs3A = tpu.all_reduce %and3A_280 {dim = 0 : i64, kind = #tpu.reduction_kind<find_first_set>} : vector<16xi1> -> vector<16xi32>
        %reduce_max3A = arith.constant true
        %reduce_max3A_281 = vector.broadcast %reduce_max3A : i1 to vector<16xi1>
        %reduce_max3A_282 = arith.constant -2147483648 : i32
        %reduce_max3A_283 = vector.broadcast %reduce_max3A_282 : i32 to vector<16xi32>
        %reduce_max3A_284 = arith.xori %all_reduce_ffs3A, %reduce_max3A_283 : vector<16xi32>
        %reduce_max3A_285 = tpu.scan <max>, %reduce_max3A_284 masked %reduce_max3A_281 : vector<16xi32>, vector<16xi1> -> vector<16xi32>
        %reduce_max3A_286 = arith.xori %reduce_max3A_285, %reduce_max3A_283 : vector<16xi32>
        %reduce_max3A_287 = vector.extract %reduce_max3A_286[15] : i32 from vector<16xi32>
        %eq3A_288 = arith.constant 0 : i32
        %eq3A_289 = arith.cmpi eq, %scan3A_264, %eq3A_288 : i32
        %lt3A_290 = arith.constant 16 : i32
        %lt3A_291 = arith.cmpi slt, %reduce_max3A_287, %lt3A_290 : i32
        %and3A_292 = arith.andi %eq3A_289, %lt3A_291 : i1
        %lt3A_293 = vector.broadcast %reduce_max3A_287 : i32 to vector<16xi32>
        %lt3A_294 = arith.cmpi slt, %iota3A, %lt3A_293 : vector<16xi32>
        %jit3A = arith.constant 0 : i32
        %broadcast_in_dim3A_295 = vector.broadcast %jit3A : i32 to vector<16xi32>
        %select_n3A_296 = arith.select %lt3A_294, %get3A_270, %broadcast_in_dim3A_295 : vector<16xi1>, vector<16xi32>
        %reduce_sum3A_297 = arith.constant true
        %reduce_sum3A_298 = vector.broadcast %reduce_sum3A_297 : i1 to vector<16xi1>
        %reduce_sum3A_299 = tpu.scan <sum>, %select_n3A_296 masked %reduce_sum3A_298 : vector<16xi32>, vector<16xi1> -> vector<16xi32>
        %reduce_sum3A_300 = vector.extract %reduce_sum3A_299[15] : i32 from vector<16xi32>
        %eq3A_301 = vector.broadcast %reduce_max3A_287 : i32 to vector<16xi32>
        %eq3A_302 = arith.cmpi eq, %iota3A, %eq3A_301 : vector<16xi32>
        %jit3A_303 = arith.constant 0 : i32
        %broadcast_in_dim3A_304 = vector.broadcast %jit3A_303 : i32 to vector<16xi32>
        %select_n3A_305 = arith.select %eq3A_302, %get3A_270, %broadcast_in_dim3A_304 : vector<16xi1>, vector<16xi32>
        %reduce_sum3A_306 = arith.constant true
        %reduce_sum3A_307 = vector.broadcast %reduce_sum3A_306 : i1 to vector<16xi1>
        %reduce_sum3A_308 = tpu.scan <sum>, %select_n3A_305 masked %reduce_sum3A_307 : vector<16xi32>, vector<16xi1> -> vector<16xi32>
        %reduce_sum3A_309 = vector.extract %reduce_sum3A_308[15] : i32 from vector<16xi32>
        %mul3A_310 = arith.constant 16 : i32
        %mul3A_311 = arith.muli %mul3A_310, %scan3A_263 : i32
        %add3A_312 = arith.addi %mul3A_311, %reduce_max3A_287 : i32
        %select_n3A_313 = arith.select %and3A_292, %add3A_312, %scan3A_265 : i32
        %add3A_314 = arith.addi %scan3A_266, %reduce_sum3A_300 : i32
        %eq3A_315 = arith.constant 0 : i32
        %eq3A_316 = arith.cmpi eq, %scan3A_264, %eq3A_315 : i32
        %add3A_317 = arith.addi %scan3A_266, %reduce_sum3A_273 : i32
        %select_n3A_318 = arith.select %eq3A_316, %add3A_317, %scan3A_266 : i32
        %select_n3A_319 = arith.select %and3A_292, %add3A_314, %select_n3A_318 : i32
        %select_n3A_320 = arith.select %and3A_292, %reduce_sum3A_309, %scan3A_267 : i32
        %jit3A_321 = arith.constant 1 : i32
        %select_n3A_322 = arith.select %and3A_292, %jit3A_321, %scan3A_264 : i32
        scf.yield %select_n3A_322, %select_n3A_313, %select_n3A_319, %select_n3A_320 : i32, i32, i32, i32
      }
      %scan3A_165 = arith.constant 64 : i32
      %sub3A_166 = arith.constant 29491 : i32
      %sub3A_167 = arith.subi %sub3A_166, %scan3A_164#2 : i32
      %parallel_loop3A_168 = arith.constant 0 : i32
      %parallel_loop3A_169 = arith.constant 64 : i32
      %parallel_loop3A_170 = arith.constant 1 : i32
      scf.for %parallel_loop3A_263 = %parallel_loop3A_168 to %parallel_loop3A_169 step %parallel_loop3A_170  : i32 {
        %parallel_loop3A_264 = arith.constant 0 : i32
        %parallel_loop3A_265 = vector.broadcast %parallel_loop3A_264 : i32 to vector<16xi32>
        %parallel_loop3A_266 = arith.constant 16 : i32
        %parallel_loop3A_267 = arith.muli %parallel_loop3A_266, %parallel_loop3A_263 : i32
        %parallel_loop3A_268 = arith.index_cast %parallel_loop3A_267 : i32 to index
        %parallel_loop3A_269 = tpu.vector_load %arg8[%parallel_loop3A_268] {strides = array<i32>} : memref<1024xi32, #tpu.memory_space<vmem>>, vector<16xi32>,
        tpu.vector_store %arg8[%parallel_loop3A_268], %parallel_loop3A_265 {strides = array<i32>} : memref<1024xi32, #tpu.memory_space<vmem>>, vector<16xi32>,
      } {sc.loop_unroll_factor = 4 : i64, sc.parallel_access}
      %broadcast_in_dim3A_171 = arith.constant 1 : i32
      %broadcast_in_dim3A_172 = vector.broadcast %broadcast_in_dim3A_171 : i32 to vector<16xi32>
      %mul3A_173 = vector.broadcast %scan3A_164#1 : i32 to vector<16xi32>
      %mul3A_174 = arith.muli %broadcast_in_dim3A_172, %mul3A_173 : vector<16xi32>
      %parallel_loop3A_175 = arith.constant 0 : i32
      %parallel_loop3A_176 = arith.constant 2048 : i32
      %parallel_loop3A_177 = arith.constant 1 : i32
      scf.for %parallel_loop3A_263 = %parallel_loop3A_175 to %parallel_loop3A_176 step %parallel_loop3A_177  : i32 {
        %parallel_loop3A_264 = arith.constant 16 : i32
        %parallel_loop3A_265 = arith.muli %parallel_loop3A_264, %parallel_loop3A_263 : i32
        %parallel_loop3A_266 = arith.index_cast %parallel_loop3A_265 : i32 to index
        %parallel_loop3A_267 = tpu.vector_load %arg7[%parallel_loop3A_266] {strides = array<i32>} : memref<32768xf32, #tpu.memory_space<vmem>>, vector<16xf32>,
        %parallel_loop3A_268 = vector.bitcast %parallel_loop3A_267 : vector<16xf32> to vector<16xi32>
        %parallel_loop3A_269 = arith.constant 10 : i32
        %parallel_loop3A_270 = vector.broadcast %parallel_loop3A_269 : i32 to vector<16xi32>
        %parallel_loop3A_271 = arith.shrsi %parallel_loop3A_268, %parallel_loop3A_270 : vector<16xi32>
        %parallel_loop3A_272 = arith.constant 1023 : i32
        %parallel_loop3A_273 = vector.broadcast %parallel_loop3A_272 : i32 to vector<16xi32>
        %parallel_loop3A_274 = arith.andi %parallel_loop3A_271, %parallel_loop3A_273 : vector<16xi32>
        %parallel_loop3A_275 = arith.constant 20 : i32
        %parallel_loop3A_276 = vector.broadcast %parallel_loop3A_275 : i32 to vector<16xi32>
        %parallel_loop3A_277 = arith.shrsi %parallel_loop3A_268, %parallel_loop3A_276 : vector<16xi32>
        %parallel_loop3A_278 = arith.cmpi eq, %parallel_loop3A_277, %mul3A_174 : vector<16xi32>
        tpu.vector_store_idx %arg8[%parallel_loop3A_274], %broadcast_in_dim3A_1 masked %parallel_loop3A_278 {add = true} : memref<1024xi32, #tpu.memory_space<vmem>>[vector<16xi32>], vector<16xi32>, vector<16xi1>
      } {sc.loop_unroll_factor = 16 : i64, sc.parallel_access}
      %scan3A_178 = arith.constant 0 : i32
      %scan3A_179 = arith.constant 0 : i32
      %scan3A_180 = arith.constant 0 : i32
      %scan3A_181 = arith.constant 0 : i32
      %scan3A_182 = arith.constant 0 : i32
      %scan3A_183 = arith.constant 64 : i32
      %scan3A_184 = arith.addi %scan3A_182, %scan3A_183 : i32
      %scan3A_185 = arith.constant 1 : i32
      %scan3A_186:4 = scf.for %scan3A_263 = %scan3A_182 to %scan3A_184 step %scan3A_185 iter_args(%scan3A_264 = %scan3A_178, %scan3A_265 = %scan3A_179, %scan3A_266 = %scan3A_180, %scan3A_267 = %scan3A_181) -> (i32, i32, i32, i32)  : i32 {
        %mul3A_268 = arith.constant 16 : i32
        %mul3A_269 = arith.muli %mul3A_268, %scan3A_263 : i32
        %get3A = arith.index_cast %mul3A_269 : i32 to index
        %get3A_270 = tpu.vector_load %arg8[%get3A] {strides = array<i32>} : memref<1024xi32, #tpu.memory_space<vmem>>, vector<16xi32>,
        %reduce_sum3A = arith.constant true
        %reduce_sum3A_271 = vector.broadcast %reduce_sum3A : i1 to vector<16xi1>
        %reduce_sum3A_272 = tpu.scan <sum>, %get3A_270 masked %reduce_sum3A_271 : vector<16xi32>, vector<16xi1> -> vector<16xi32>
        %reduce_sum3A_273 = vector.extract %reduce_sum3A_272[15] : i32 from vector<16xi32>
        %broadcast_in_dim3A_274 = arith.constant true
        %broadcast_in_dim3A_275 = vector.broadcast %broadcast_in_dim3A_274 : i1 to vector<16xi1>
        %masked_cumsum3A = tpu.scan <sum>, %get3A_270 masked %broadcast_in_dim3A_275 : vector<16xi32>, vector<16xi1> -> vector<16xi32>
        %add3A_276 = vector.broadcast %scan3A_266 : i32 to vector<16xi32>
        %add3A_277 = arith.addi %add3A_276, %masked_cumsum3A : vector<16xi32>
        %ge3A = vector.broadcast %sub3A_167 : i32 to vector<16xi32>
        %ge3A_278 = arith.cmpi sge, %add3A_277, %ge3A : vector<16xi32>
        %eq3A = arith.constant 0 : i32
        %eq3A_279 = arith.cmpi eq, %scan3A_264, %eq3A : i32
        %and3A = vector.broadcast %eq3A_279 : i1 to vector<16xi1>
        %and3A_280 = arith.andi %ge3A_278, %and3A : vector<16xi1>
        %all_reduce_ffs3A = tpu.all_reduce %and3A_280 {dim = 0 : i64, kind = #tpu.reduction_kind<find_first_set>} : vector<16xi1> -> vector<16xi32>
        %reduce_max3A = arith.constant true
        %reduce_max3A_281 = vector.broadcast %reduce_max3A : i1 to vector<16xi1>
        %reduce_max3A_282 = arith.constant -2147483648 : i32
        %reduce_max3A_283 = vector.broadcast %reduce_max3A_282 : i32 to vector<16xi32>
        %reduce_max3A_284 = arith.xori %all_reduce_ffs3A, %reduce_max3A_283 : vector<16xi32>
        %reduce_max3A_285 = tpu.scan <max>, %reduce_max3A_284 masked %reduce_max3A_281 : vector<16xi32>, vector<16xi1> -> vector<16xi32>
        %reduce_max3A_286 = arith.xori %reduce_max3A_285, %reduce_max3A_283 : vector<16xi32>
        %reduce_max3A_287 = vector.extract %reduce_max3A_286[15] : i32 from vector<16xi32>
        %eq3A_288 = arith.constant 0 : i32
        %eq3A_289 = arith.cmpi eq, %scan3A_264, %eq3A_288 : i32
        %lt3A_290 = arith.constant 16 : i32
        %lt3A_291 = arith.cmpi slt, %reduce_max3A_287, %lt3A_290 : i32
        %and3A_292 = arith.andi %eq3A_289, %lt3A_291 : i1
        %lt3A_293 = vector.broadcast %reduce_max3A_287 : i32 to vector<16xi32>
        %lt3A_294 = arith.cmpi slt, %iota3A, %lt3A_293 : vector<16xi32>
        %jit3A = arith.constant 0 : i32
        %broadcast_in_dim3A_295 = vector.broadcast %jit3A : i32 to vector<16xi32>
        %select_n3A_296 = arith.select %lt3A_294, %get3A_270, %broadcast_in_dim3A_295 : vector<16xi1>, vector<16xi32>
        %reduce_sum3A_297 = arith.constant true
        %reduce_sum3A_298 = vector.broadcast %reduce_sum3A_297 : i1 to vector<16xi1>
        %reduce_sum3A_299 = tpu.scan <sum>, %select_n3A_296 masked %reduce_sum3A_298 : vector<16xi32>, vector<16xi1> -> vector<16xi32>
        %reduce_sum3A_300 = vector.extract %reduce_sum3A_299[15] : i32 from vector<16xi32>
        %eq3A_301 = vector.broadcast %reduce_max3A_287 : i32 to vector<16xi32>
        %eq3A_302 = arith.cmpi eq, %iota3A, %eq3A_301 : vector<16xi32>
        %jit3A_303 = arith.constant 0 : i32
        %broadcast_in_dim3A_304 = vector.broadcast %jit3A_303 : i32 to vector<16xi32>
        %select_n3A_305 = arith.select %eq3A_302, %get3A_270, %broadcast_in_dim3A_304 : vector<16xi1>, vector<16xi32>
        %reduce_sum3A_306 = arith.constant true
        %reduce_sum3A_307 = vector.broadcast %reduce_sum3A_306 : i1 to vector<16xi1>
        %reduce_sum3A_308 = tpu.scan <sum>, %select_n3A_305 masked %reduce_sum3A_307 : vector<16xi32>, vector<16xi1> -> vector<16xi32>
        %reduce_sum3A_309 = vector.extract %reduce_sum3A_308[15] : i32 from vector<16xi32>
        %mul3A_310 = arith.constant 16 : i32
        %mul3A_311 = arith.muli %mul3A_310, %scan3A_263 : i32
        %add3A_312 = arith.addi %mul3A_311, %reduce_max3A_287 : i32
        %select_n3A_313 = arith.select %and3A_292, %add3A_312, %scan3A_265 : i32
        %add3A_314 = arith.addi %scan3A_266, %reduce_sum3A_300 : i32
        %eq3A_315 = arith.constant 0 : i32
        %eq3A_316 = arith.cmpi eq, %scan3A_264, %eq3A_315 : i32
        %add3A_317 = arith.addi %scan3A_266, %reduce_sum3A_273 : i32
        %select_n3A_318 = arith.select %eq3A_316, %add3A_317, %scan3A_266 : i32
        %select_n3A_319 = arith.select %and3A_292, %add3A_314, %select_n3A_318 : i32
        %select_n3A_320 = arith.select %and3A_292, %reduce_sum3A_309, %scan3A_267 : i32
        %jit3A_321 = arith.constant 1 : i32
        %select_n3A_322 = arith.select %and3A_292, %jit3A_321, %scan3A_264 : i32
        scf.yield %select_n3A_322, %select_n3A_313, %select_n3A_319, %select_n3A_320 : i32, i32, i32, i32
      }
      %scan3A_187 = arith.constant 64 : i32
      %sub3A_188 = arith.subi %sub3A_167, %scan3A_186#2 : i32
      %parallel_loop3A_189 = arith.constant 0 : i32
      %parallel_loop3A_190 = arith.constant 64 : i32
      %parallel_loop3A_191 = arith.constant 1 : i32
      scf.for %parallel_loop3A_263 = %parallel_loop3A_189 to %parallel_loop3A_190 step %parallel_loop3A_191  : i32 {
        %parallel_loop3A_264 = arith.constant 0 : i32
        %parallel_loop3A_265 = vector.broadcast %parallel_loop3A_264 : i32 to vector<16xi32>
        %parallel_loop3A_266 = arith.constant 16 : i32
        %parallel_loop3A_267 = arith.muli %parallel_loop3A_266, %parallel_loop3A_263 : i32
        %parallel_loop3A_268 = arith.index_cast %parallel_loop3A_267 : i32 to index
        %parallel_loop3A_269 = tpu.vector_load %arg8[%parallel_loop3A_268] {strides = array<i32>} : memref<1024xi32, #tpu.memory_space<vmem>>, vector<16xi32>,
        tpu.vector_store %arg8[%parallel_loop3A_268], %parallel_loop3A_265 {strides = array<i32>} : memref<1024xi32, #tpu.memory_space<vmem>>, vector<16xi32>,
      } {sc.loop_unroll_factor = 4 : i64, sc.parallel_access}
      %shift_left3A_192 = arith.constant 10 : i32
      %shift_left3A_193 = arith.shli %scan3A_164#1, %shift_left3A_192 : i32
      %or3A_194 = arith.ori %shift_left3A_193, %scan3A_186#1 : i32
      %broadcast_in_dim3A_195 = arith.constant 1 : i32
      %broadcast_in_dim3A_196 = vector.broadcast %broadcast_in_dim3A_195 : i32 to vector<16xi32>
      %mul3A_197 = vector.broadcast %or3A_194 : i32 to vector<16xi32>
      %mul3A_198 = arith.muli %broadcast_in_dim3A_196, %mul3A_197 : vector<16xi32>
      %parallel_loop3A_199 = arith.constant 0 : i32
      %parallel_loop3A_200 = arith.constant 2048 : i32
      %parallel_loop3A_201 = arith.constant 1 : i32
      scf.for %parallel_loop3A_263 = %parallel_loop3A_199 to %parallel_loop3A_200 step %parallel_loop3A_201  : i32 {
        %parallel_loop3A_264 = arith.constant 16 : i32
        %parallel_loop3A_265 = arith.muli %parallel_loop3A_264, %parallel_loop3A_263 : i32
        %parallel_loop3A_266 = arith.index_cast %parallel_loop3A_265 : i32 to index
        %parallel_loop3A_267 = tpu.vector_load %arg7[%parallel_loop3A_266] {strides = array<i32>} : memref<32768xf32, #tpu.memory_space<vmem>>, vector<16xf32>,
        %parallel_loop3A_268 = vector.bitcast %parallel_loop3A_267 : vector<16xf32> to vector<16xi32>
        %parallel_loop3A_269 = arith.constant 0 : i32
        %parallel_loop3A_270 = vector.broadcast %parallel_loop3A_269 : i32 to vector<16xi32>
        %parallel_loop3A_271 = arith.shrsi %parallel_loop3A_268, %parallel_loop3A_270 : vector<16xi32>
        %parallel_loop3A_272 = arith.constant 1023 : i32
        %parallel_loop3A_273 = vector.broadcast %parallel_loop3A_272 : i32 to vector<16xi32>
        %parallel_loop3A_274 = arith.andi %parallel_loop3A_271, %parallel_loop3A_273 : vector<16xi32>
        %parallel_loop3A_275 = arith.constant 10 : i32
        %parallel_loop3A_276 = vector.broadcast %parallel_loop3A_275 : i32 to vector<16xi32>
        %parallel_loop3A_277 = arith.shrsi %parallel_loop3A_268, %parallel_loop3A_276 : vector<16xi32>
        %parallel_loop3A_278 = arith.cmpi eq, %parallel_loop3A_277, %mul3A_198 : vector<16xi32>
        tpu.vector_store_idx %arg8[%parallel_loop3A_274], %broadcast_in_dim3A_1 masked %parallel_loop3A_278 {add = true} : memref<1024xi32, #tpu.memory_space<vmem>>[vector<16xi32>], vector<16xi32>, vector<16xi1>
      } {sc.loop_unroll_factor = 16 : i64, sc.parallel_access}
      %scan3A_202 = arith.constant 0 : i32
      %scan3A_203 = arith.constant 0 : i32
      %scan3A_204 = arith.constant 0 : i32
      %scan3A_205 = arith.constant 0 : i32
      %scan3A_206 = arith.constant 0 : i32
      %scan3A_207 = arith.constant 64 : i32
      %scan3A_208 = arith.addi %scan3A_206, %scan3A_207 : i32
      %scan3A_209 = arith.constant 1 : i32
      %scan3A_210:4 = scf.for %scan3A_263 = %scan3A_206 to %scan3A_208 step %scan3A_209 iter_args(%scan3A_264 = %scan3A_202, %scan3A_265 = %scan3A_203, %scan3A_266 = %scan3A_204, %scan3A_267 = %scan3A_205) -> (i32, i32, i32, i32)  : i32 {
        %mul3A_268 = arith.constant 16 : i32
        %mul3A_269 = arith.muli %mul3A_268, %scan3A_263 : i32
        %get3A = arith.index_cast %mul3A_269 : i32 to index
        %get3A_270 = tpu.vector_load %arg8[%get3A] {strides = array<i32>} : memref<1024xi32, #tpu.memory_space<vmem>>, vector<16xi32>,
        %reduce_sum3A = arith.constant true
        %reduce_sum3A_271 = vector.broadcast %reduce_sum3A : i1 to vector<16xi1>
        %reduce_sum3A_272 = tpu.scan <sum>, %get3A_270 masked %reduce_sum3A_271 : vector<16xi32>, vector<16xi1> -> vector<16xi32>
        %reduce_sum3A_273 = vector.extract %reduce_sum3A_272[15] : i32 from vector<16xi32>
        %broadcast_in_dim3A_274 = arith.constant true
        %broadcast_in_dim3A_275 = vector.broadcast %broadcast_in_dim3A_274 : i1 to vector<16xi1>
        %masked_cumsum3A = tpu.scan <sum>, %get3A_270 masked %broadcast_in_dim3A_275 : vector<16xi32>, vector<16xi1> -> vector<16xi32>
        %add3A_276 = vector.broadcast %scan3A_266 : i32 to vector<16xi32>
        %add3A_277 = arith.addi %add3A_276, %masked_cumsum3A : vector<16xi32>
        %ge3A = vector.broadcast %sub3A_188 : i32 to vector<16xi32>
        %ge3A_278 = arith.cmpi sge, %add3A_277, %ge3A : vector<16xi32>
        %eq3A = arith.constant 0 : i32
        %eq3A_279 = arith.cmpi eq, %scan3A_264, %eq3A : i32
        %and3A = vector.broadcast %eq3A_279 : i1 to vector<16xi1>
        %and3A_280 = arith.andi %ge3A_278, %and3A : vector<16xi1>
        %all_reduce_ffs3A = tpu.all_reduce %and3A_280 {dim = 0 : i64, kind = #tpu.reduction_kind<find_first_set>} : vector<16xi1> -> vector<16xi32>
        %reduce_max3A = arith.constant true
        %reduce_max3A_281 = vector.broadcast %reduce_max3A : i1 to vector<16xi1>
        %reduce_max3A_282 = arith.constant -2147483648 : i32
        %reduce_max3A_283 = vector.broadcast %reduce_max3A_282 : i32 to vector<16xi32>
        %reduce_max3A_284 = arith.xori %all_reduce_ffs3A, %reduce_max3A_283 : vector<16xi32>
        %reduce_max3A_285 = tpu.scan <max>, %reduce_max3A_284 masked %reduce_max3A_281 : vector<16xi32>, vector<16xi1> -> vector<16xi32>
        %reduce_max3A_286 = arith.xori %reduce_max3A_285, %reduce_max3A_283 : vector<16xi32>
        %reduce_max3A_287 = vector.extract %reduce_max3A_286[15] : i32 from vector<16xi32>
        %eq3A_288 = arith.constant 0 : i32
        %eq3A_289 = arith.cmpi eq, %scan3A_264, %eq3A_288 : i32
        %lt3A_290 = arith.constant 16 : i32
        %lt3A_291 = arith.cmpi slt, %reduce_max3A_287, %lt3A_290 : i32
        %and3A_292 = arith.andi %eq3A_289, %lt3A_291 : i1
        %lt3A_293 = vector.broadcast %reduce_max3A_287 : i32 to vector<16xi32>
        %lt3A_294 = arith.cmpi slt, %iota3A, %lt3A_293 : vector<16xi32>
        %jit3A = arith.constant 0 : i32
        %broadcast_in_dim3A_295 = vector.broadcast %jit3A : i32 to vector<16xi32>
        %select_n3A_296 = arith.select %lt3A_294, %get3A_270, %broadcast_in_dim3A_295 : vector<16xi1>, vector<16xi32>
        %reduce_sum3A_297 = arith.constant true
        %reduce_sum3A_298 = vector.broadcast %reduce_sum3A_297 : i1 to vector<16xi1>
        %reduce_sum3A_299 = tpu.scan <sum>, %select_n3A_296 masked %reduce_sum3A_298 : vector<16xi32>, vector<16xi1> -> vector<16xi32>
        %reduce_sum3A_300 = vector.extract %reduce_sum3A_299[15] : i32 from vector<16xi32>
        %eq3A_301 = vector.broadcast %reduce_max3A_287 : i32 to vector<16xi32>
        %eq3A_302 = arith.cmpi eq, %iota3A, %eq3A_301 : vector<16xi32>
        %jit3A_303 = arith.constant 0 : i32
        %broadcast_in_dim3A_304 = vector.broadcast %jit3A_303 : i32 to vector<16xi32>
        %select_n3A_305 = arith.select %eq3A_302, %get3A_270, %broadcast_in_dim3A_304 : vector<16xi1>, vector<16xi32>
        %reduce_sum3A_306 = arith.constant true
        %reduce_sum3A_307 = vector.broadcast %reduce_sum3A_306 : i1 to vector<16xi1>
        %reduce_sum3A_308 = tpu.scan <sum>, %select_n3A_305 masked %reduce_sum3A_307 : vector<16xi32>, vector<16xi1> -> vector<16xi32>
        %reduce_sum3A_309 = vector.extract %reduce_sum3A_308[15] : i32 from vector<16xi32>
        %mul3A_310 = arith.constant 16 : i32
        %mul3A_311 = arith.muli %mul3A_310, %scan3A_263 : i32
        %add3A_312 = arith.addi %mul3A_311, %reduce_max3A_287 : i32
        %select_n3A_313 = arith.select %and3A_292, %add3A_312, %scan3A_265 : i32
        %add3A_314 = arith.addi %scan3A_266, %reduce_sum3A_300 : i32
        %eq3A_315 = arith.constant 0 : i32
        %eq3A_316 = arith.cmpi eq, %scan3A_264, %eq3A_315 : i32
        %add3A_317 = arith.addi %scan3A_266, %reduce_sum3A_273 : i32
        %select_n3A_318 = arith.select %eq3A_316, %add3A_317, %scan3A_266 : i32
        %select_n3A_319 = arith.select %and3A_292, %add3A_314, %select_n3A_318 : i32
        %select_n3A_320 = arith.select %and3A_292, %reduce_sum3A_309, %scan3A_267 : i32
        %jit3A_321 = arith.constant 1 : i32
        %select_n3A_322 = arith.select %and3A_292, %jit3A_321, %scan3A_264 : i32
        scf.yield %select_n3A_322, %select_n3A_313, %select_n3A_319, %select_n3A_320 : i32, i32, i32, i32
      }
      %scan3A_211 = arith.constant 64 : i32
      %sub3A_212 = arith.subi %sub3A_188, %scan3A_210#2 : i32
      %shift_left3A_213 = arith.constant 10 : i32
      %shift_left3A_214 = arith.shli %or3A_194, %shift_left3A_213 : i32
      %or3A_215 = arith.ori %shift_left3A_214, %scan3A_210#1 : i32
      %broadcast_in_dim3A_216 = arith.constant 1 : i32
      %broadcast_in_dim3A_217 = vector.broadcast %broadcast_in_dim3A_216 : i32 to vector<16xi32>
      %mul3A_218 = vector.broadcast %or3A_215 : i32 to vector<16xi32>
      %mul3A_219 = arith.muli %broadcast_in_dim3A_217, %mul3A_218 : vector<16xi32>
      %broadcast_in_dim3A_220 = arith.constant 2139095039 : i32
      %broadcast_in_dim3A_221 = vector.broadcast %broadcast_in_dim3A_220 : i32 to vector<16xi32>
      %broadcast_in_dim3A_222 = arith.constant 2139095039 : i32
      %broadcast_in_dim3A_223 = vector.broadcast %broadcast_in_dim3A_222 : i32 to vector<16xi32>
      %parallel_loop3A_224 = arith.constant 0 : i32
      %parallel_loop3A_225 = arith.constant 2048 : i32
      %parallel_loop3A_226 = arith.constant 1 : i32
      %parallel_loop3A_227 = scf.for %parallel_loop3A_263 = %parallel_loop3A_224 to %parallel_loop3A_225 step %parallel_loop3A_226 iter_args(%parallel_loop3A_264 = %broadcast_in_dim3A_223) -> (vector<16xi32>)  : i32 {
        %parallel_loop3A_265 = arith.constant 16 : i32
        %parallel_loop3A_266 = arith.muli %parallel_loop3A_265, %parallel_loop3A_263 : i32
        %parallel_loop3A_267 = arith.index_cast %parallel_loop3A_266 : i32 to index
        %parallel_loop3A_268 = tpu.vector_load %arg7[%parallel_loop3A_267] {strides = array<i32>} : memref<32768xf32, #tpu.memory_space<vmem>>, vector<16xf32>,
        %parallel_loop3A_269 = vector.bitcast %parallel_loop3A_268 : vector<16xf32> to vector<16xi32>
        %parallel_loop3A_270 = arith.cmpi sgt, %parallel_loop3A_269, %mul3A_219 : vector<16xi32>
        %parallel_loop3A_271 = arith.select %parallel_loop3A_270, %parallel_loop3A_269, %broadcast_in_dim3A_221 : vector<16xi1>, vector<16xi32>
        %parallel_loop3A_272 = arith.minsi %parallel_loop3A_264, %parallel_loop3A_271 : vector<16xi32>
        scf.yield %parallel_loop3A_272 : vector<16xi32>
      } {sc.loop_unroll_factor = 16 : i64, sc.parallel_access}
      %reduce_min3A_228 = arith.constant true
      %reduce_min3A_229 = vector.broadcast %reduce_min3A_228 : i1 to vector<16xi1>
      %reduce_min3A_230 = arith.constant -2147483648 : i32
      %reduce_min3A_231 = vector.broadcast %reduce_min3A_230 : i32 to vector<16xi32>
      %reduce_min3A_232 = arith.xori %parallel_loop3A_227, %reduce_min3A_231 : vector<16xi32>
      %reduce_min3A_233 = tpu.scan <min>, %reduce_min3A_232 masked %reduce_min3A_229 : vector<16xi32>, vector<16xi1> -> vector<16xi32>
      %reduce_min3A_234 = arith.xori %reduce_min3A_233, %reduce_min3A_231 : vector<16xi32>
      %reduce_min3A_235 = vector.extract %reduce_min3A_234[15] : i32 from vector<16xi32>
      %lt3A_236 = arith.cmpi slt, %sub3A_212, %scan3A_210#3 : i32
      %select_n3A_237 = arith.select %lt3A_236, %or3A_215, %reduce_min3A_235 : i32
      %broadcast_in_dim3A_238 = arith.constant 1 : i32
      %broadcast_in_dim3A_239 = vector.broadcast %broadcast_in_dim3A_238 : i32 to vector<16xi32>
      %mul3A_240 = vector.broadcast %or3A_215 : i32 to vector<16xi32>
      %mul3A_241 = arith.muli %broadcast_in_dim3A_239, %mul3A_240 : vector<16xi32>
      %bitcast3A_242 = vector.bitcast %mul3A_241 : vector<16xi32> to vector<16xf32>
      %broadcast_in_dim3A_243 = arith.constant 1 : i32
      %broadcast_in_dim3A_244 = vector.broadcast %broadcast_in_dim3A_243 : i32 to vector<16xi32>
      %mul3A_245 = vector.broadcast %select_n3A_237 : i32 to vector<16xi32>
      %mul3A_246 = arith.muli %broadcast_in_dim3A_244, %mul3A_245 : vector<16xi32>
      %bitcast3A_247 = vector.bitcast %mul3A_246 : vector<16xi32> to vector<16xf32>
      %sub3A_248 = arith.constant 1.000000e+00 : f32
      %sub3A_249 = arith.constant 0.298828125 : f32
      %sub3A_250 = arith.subf %sub3A_248, %sub3A_249 : f32
      %mul3A_251 = vector.broadcast %sub3A_250 : f32 to vector<16xf32>
      %mul3A_252 = arith.mulf %bitcast3A_242, %mul3A_251 : vector<16xf32>
      %mul3A_253 = arith.constant 0.298828125 : f32
      %mul3A_254 = vector.broadcast %mul3A_253 : f32 to vector<16xf32>
      %mul3A_255 = arith.mulf %bitcast3A_247, %mul3A_254 : vector<16xf32>
      %add3A_256 = arith.addf %mul3A_252, %mul3A_255 : vector<16xf32>
      %parallel_loop3A_257 = arith.constant 0 : i32
      %parallel_loop3A_258 = arith.constant 512 : i32
      %parallel_loop3A_259 = arith.constant 1 : i32
      scf.for %parallel_loop3A_263 = %parallel_loop3A_257 to %parallel_loop3A_258 step %parallel_loop3A_259  : i32 {
        %parallel_loop3A_264 = arith.constant 64 : i32
        %parallel_loop3A_265 = arith.muli %parallel_loop3A_264, %parallel_loop3A_263 : i32
        %parallel_loop3A_266 = arith.constant 0 : i32
        %parallel_loop3A_267 = vector.broadcast %parallel_loop3A_266 : i32 to vector<16xi32>
        %parallel_loop3A_268 = arith.constant 0 : i32
        %parallel_loop3A_269 = vector.broadcast %parallel_loop3A_268 : i32 to vector<16xi32>
        %parallel_loop3A_270 = vector.broadcast %parallel_loop3A_265 : i32 to vector<16xi32>
        %parallel_loop3A_271 = arith.addi %parallel_loop3A_270, %add3A_7 : vector<16xi32>
        %parallel_loop3A_272 = tpu.vector_load_idx %arg6[%parallel_loop3A_271] : memref<32768xf32, #tpu.memory_space<vmem>>[vector<16xi32>], vector<16xf32>,
        %parallel_loop3A_273 = tpu.vector_load_idx %arg7[%parallel_loop3A_271] : memref<32768xf32, #tpu.memory_space<vmem>>[vector<16xi32>], vector<16xf32>,
        %parallel_loop3A_274 = arith.cmpf ogt, %parallel_loop3A_272, %add3A_143 : vector<16xf32>
        %parallel_loop3A_275 = arith.cmpf ogt, %parallel_loop3A_273, %add3A_256 : vector<16xf32>
        %parallel_loop3A_276 = arith.constant dense<true> : vector<16xi1>
        %parallel_loop3A_277 = arith.xori %parallel_loop3A_275, %parallel_loop3A_276 : vector<16xi1>
        %parallel_loop3A_278 = arith.andi %parallel_loop3A_274, %parallel_loop3A_277 : vector<16xi1>
        %parallel_loop3A_279 = arith.constant 1 : i32
        %parallel_loop3A_280 = arith.constant 0 : i32
        %parallel_loop3A_281 = vector.broadcast %parallel_loop3A_279 : i32 to vector<16xi32>
        %parallel_loop3A_282 = vector.broadcast %parallel_loop3A_280 : i32 to vector<16xi32>
        %parallel_loop3A_283 = arith.select %parallel_loop3A_278, %parallel_loop3A_281, %parallel_loop3A_282 : vector<16xi1>, vector<16xi32>
        %parallel_loop3A_284 = arith.constant dense<true> : vector<16xi1>
        %parallel_loop3A_285 = arith.xori %parallel_loop3A_274, %parallel_loop3A_284 : vector<16xi1>
        %parallel_loop3A_286 = arith.andi %parallel_loop3A_275, %parallel_loop3A_285 : vector<16xi1>
        %parallel_loop3A_287 = arith.constant 1 : i32
        %parallel_loop3A_288 = arith.constant 0 : i32
        %parallel_loop3A_289 = vector.broadcast %parallel_loop3A_287 : i32 to vector<16xi32>
        %parallel_loop3A_290 = vector.broadcast %parallel_loop3A_288 : i32 to vector<16xi32>
        %parallel_loop3A_291 = arith.select %parallel_loop3A_286, %parallel_loop3A_289, %parallel_loop3A_290 : vector<16xi1>, vector<16xi32>
        %parallel_loop3A_292 = arith.constant 0 : i32
        %parallel_loop3A_293 = vector.broadcast %parallel_loop3A_292 : i32 to vector<16xi32>
        %parallel_loop3A_294 = arith.shli %parallel_loop3A_283, %parallel_loop3A_293 : vector<16xi32>
        %parallel_loop3A_295 = arith.ori %parallel_loop3A_267, %parallel_loop3A_294 : vector<16xi32>
        %parallel_loop3A_296 = arith.constant 0 : i32
        %parallel_loop3A_297 = vector.broadcast %parallel_loop3A_296 : i32 to vector<16xi32>
        %parallel_loop3A_298 = arith.shli %parallel_loop3A_291, %parallel_loop3A_297 : vector<16xi32>
        %parallel_loop3A_299 = arith.ori %parallel_loop3A_269, %parallel_loop3A_298 : vector<16xi32>
        %parallel_loop3A_300 = vector.broadcast %parallel_loop3A_265 : i32 to vector<16xi32>
        %parallel_loop3A_301 = arith.addi %parallel_loop3A_300, %add3A_13 : vector<16xi32>
        %parallel_loop3A_302 = tpu.vector_load_idx %arg6[%parallel_loop3A_301] : memref<32768xf32, #tpu.memory_space<vmem>>[vector<16xi32>], vector<16xf32>,
        %parallel_loop3A_303 = tpu.vector_load_idx %arg7[%parallel_loop3A_301] : memref<32768xf32, #tpu.memory_space<vmem>>[vector<16xi32>], vector<16xf32>,
        %parallel_loop3A_304 = arith.cmpf ogt, %parallel_loop3A_302, %add3A_143 : vector<16xf32>
        %parallel_loop3A_305 = arith.cmpf ogt, %parallel_loop3A_303, %add3A_256 : vector<16xf32>
        %parallel_loop3A_306 = arith.constant dense<true> : vector<16xi1>
        %parallel_loop3A_307 = arith.xori %parallel_loop3A_305, %parallel_loop3A_306 : vector<16xi1>
        %parallel_loop3A_308 = arith.andi %parallel_loop3A_304, %parallel_loop3A_307 : vector<16xi1>
        %parallel_loop3A_309 = arith.constant 1 : i32
        %parallel_loop3A_310 = arith.constant 0 : i32
        %parallel_loop3A_311 = vector.broadcast %parallel_loop3A_309 : i32 to vector<16xi32>
        %parallel_loop3A_312 = vector.broadcast %parallel_loop3A_310 : i32 to vector<16xi32>
        %parallel_loop3A_313 = arith.select %parallel_loop3A_308, %parallel_loop3A_311, %parallel_loop3A_312 : vector<16xi1>, vector<16xi32>
        %parallel_loop3A_314 = arith.constant dense<true> : vector<16xi1>
        %parallel_loop3A_315 = arith.xori %parallel_loop3A_304, %parallel_loop3A_314 : vector<16xi1>
        %parallel_loop3A_316 = arith.andi %parallel_loop3A_305, %parallel_loop3A_315 : vector<16xi1>
        %parallel_loop3A_317 = arith.constant 1 : i32
        %parallel_loop3A_318 = arith.constant 0 : i32
        %parallel_loop3A_319 = vector.broadcast %parallel_loop3A_317 : i32 to vector<16xi32>
        %parallel_loop3A_320 = vector.broadcast %parallel_loop3A_318 : i32 to vector<16xi32>
        %parallel_loop3A_321 = arith.select %parallel_loop3A_316, %parallel_loop3A_319, %parallel_loop3A_320 : vector<16xi1>, vector<16xi32>
        %parallel_loop3A_322 = arith.constant 8 : i32
        %parallel_loop3A_323 = vector.broadcast %parallel_loop3A_322 : i32 to vector<16xi32>
        %parallel_loop3A_324 = arith.shli %parallel_loop3A_313, %parallel_loop3A_323 : vector<16xi32>
        %parallel_loop3A_325 = arith.ori %parallel_loop3A_295, %parallel_loop3A_324 : vector<16xi32>
        %parallel_loop3A_326 = arith.constant 8 : i32
        %parallel_loop3A_327 = vector.broadcast %parallel_loop3A_326 : i32 to vector<16xi32>
        %parallel_loop3A_328 = arith.shli %parallel_loop3A_321, %parallel_loop3A_327 : vector<16xi32>
        %parallel_loop3A_329 = arith.ori %parallel_loop3A_299, %parallel_loop3A_328 : vector<16xi32>
        %parallel_loop3A_330 = vector.broadcast %parallel_loop3A_265 : i32 to vector<16xi32>
        %parallel_loop3A_331 = arith.addi %parallel_loop3A_330, %add3A_19 : vector<16xi32>
        %parallel_loop3A_332 = tpu.vector_load_idx %arg6[%parallel_loop3A_331] : memref<32768xf32, #tpu.memory_space<vmem>>[vector<16xi32>], vector<16xf32>,
        %parallel_loop3A_333 = tpu.vector_load_idx %arg7[%parallel_loop3A_331] : memref<32768xf32, #tpu.memory_space<vmem>>[vector<16xi32>], vector<16xf32>,
        %parallel_loop3A_334 = arith.cmpf ogt, %parallel_loop3A_332, %add3A_143 : vector<16xf32>
        %parallel_loop3A_335 = arith.cmpf ogt, %parallel_loop3A_333, %add3A_256 : vector<16xf32>
        %parallel_loop3A_336 = arith.constant dense<true> : vector<16xi1>
        %parallel_loop3A_337 = arith.xori %parallel_loop3A_335, %parallel_loop3A_336 : vector<16xi1>
        %parallel_loop3A_338 = arith.andi %parallel_loop3A_334, %parallel_loop3A_337 : vector<16xi1>
        %parallel_loop3A_339 = arith.constant 1 : i32
        %parallel_loop3A_340 = arith.constant 0 : i32
        %parallel_loop3A_341 = vector.broadcast %parallel_loop3A_339 : i32 to vector<16xi32>
        %parallel_loop3A_342 = vector.broadcast %parallel_loop3A_340 : i32 to vector<16xi32>
        %parallel_loop3A_343 = arith.select %parallel_loop3A_338, %parallel_loop3A_341, %parallel_loop3A_342 : vector<16xi1>, vector<16xi32>
        %parallel_loop3A_344 = arith.constant dense<true> : vector<16xi1>
        %parallel_loop3A_345 = arith.xori %parallel_loop3A_334, %parallel_loop3A_344 : vector<16xi1>
        %parallel_loop3A_346 = arith.andi %parallel_loop3A_335, %parallel_loop3A_345 : vector<16xi1>
        %parallel_loop3A_347 = arith.constant 1 : i32
        %parallel_loop3A_348 = arith.constant 0 : i32
        %parallel_loop3A_349 = vector.broadcast %parallel_loop3A_347 : i32 to vector<16xi32>
        %parallel_loop3A_350 = vector.broadcast %parallel_loop3A_348 : i32 to vector<16xi32>
        %parallel_loop3A_351 = arith.select %parallel_loop3A_346, %parallel_loop3A_349, %parallel_loop3A_350 : vector<16xi1>, vector<16xi32>
        %parallel_loop3A_352 = arith.constant 16 : i32
        %parallel_loop3A_353 = vector.broadcast %parallel_loop3A_352 : i32 to vector<16xi32>
        %parallel_loop3A_354 = arith.shli %parallel_loop3A_343, %parallel_loop3A_353 : vector<16xi32>
        %parallel_loop3A_355 = arith.ori %parallel_loop3A_325, %parallel_loop3A_354 : vector<16xi32>
        %parallel_loop3A_356 = arith.constant 16 : i32
        %parallel_loop3A_357 = vector.broadcast %parallel_loop3A_356 : i32 to vector<16xi32>
        %parallel_loop3A_358 = arith.shli %parallel_loop3A_351, %parallel_loop3A_357 : vector<16xi32>
        %parallel_loop3A_359 = arith.ori %parallel_loop3A_329, %parallel_loop3A_358 : vector<16xi32>
        %parallel_loop3A_360 = vector.broadcast %parallel_loop3A_265 : i32 to vector<16xi32>
        %parallel_loop3A_361 = arith.addi %parallel_loop3A_360, %add3A_25 : vector<16xi32>
        %parallel_loop3A_362 = tpu.vector_load_idx %arg6[%parallel_loop3A_361] : memref<32768xf32, #tpu.memory_space<vmem>>[vector<16xi32>], vector<16xf32>,
        %parallel_loop3A_363 = tpu.vector_load_idx %arg7[%parallel_loop3A_361] : memref<32768xf32, #tpu.memory_space<vmem>>[vector<16xi32>], vector<16xf32>,
        %parallel_loop3A_364 = arith.cmpf ogt, %parallel_loop3A_362, %add3A_143 : vector<16xf32>
        %parallel_loop3A_365 = arith.cmpf ogt, %parallel_loop3A_363, %add3A_256 : vector<16xf32>
        %parallel_loop3A_366 = arith.constant dense<true> : vector<16xi1>
        %parallel_loop3A_367 = arith.xori %parallel_loop3A_365, %parallel_loop3A_366 : vector<16xi1>
        %parallel_loop3A_368 = arith.andi %parallel_loop3A_364, %parallel_loop3A_367 : vector<16xi1>
        %parallel_loop3A_369 = arith.constant 1 : i32
        %parallel_loop3A_370 = arith.constant 0 : i32
        %parallel_loop3A_371 = vector.broadcast %parallel_loop3A_369 : i32 to vector<16xi32>
        %parallel_loop3A_372 = vector.broadcast %parallel_loop3A_370 : i32 to vector<16xi32>
        %parallel_loop3A_373 = arith.select %parallel_loop3A_368, %parallel_loop3A_371, %parallel_loop3A_372 : vector<16xi1>, vector<16xi32>
        %parallel_loop3A_374 = arith.constant dense<true> : vector<16xi1>
        %parallel_loop3A_375 = arith.xori %parallel_loop3A_364, %parallel_loop3A_374 : vector<16xi1>
        %parallel_loop3A_376 = arith.andi %parallel_loop3A_365, %parallel_loop3A_375 : vector<16xi1>
        %parallel_loop3A_377 = arith.constant 1 : i32
        %parallel_loop3A_378 = arith.constant 0 : i32
        %parallel_loop3A_379 = vector.broadcast %parallel_loop3A_377 : i32 to vector<16xi32>
        %parallel_loop3A_380 = vector.broadcast %parallel_loop3A_378 : i32 to vector<16xi32>
        %parallel_loop3A_381 = arith.select %parallel_loop3A_376, %parallel_loop3A_379, %parallel_loop3A_380 : vector<16xi1>, vector<16xi32>
        %parallel_loop3A_382 = arith.constant 24 : i32
        %parallel_loop3A_383 = vector.broadcast %parallel_loop3A_382 : i32 to vector<16xi32>
        %parallel_loop3A_384 = arith.shli %parallel_loop3A_373, %parallel_loop3A_383 : vector<16xi32>
        %parallel_loop3A_385 = arith.ori %parallel_loop3A_355, %parallel_loop3A_384 : vector<16xi32>
        %parallel_loop3A_386 = arith.constant 24 : i32
        %parallel_loop3A_387 = vector.broadcast %parallel_loop3A_386 : i32 to vector<16xi32>
        %parallel_loop3A_388 = arith.shli %parallel_loop3A_381, %parallel_loop3A_387 : vector<16xi32>
        %parallel_loop3A_389 = arith.ori %parallel_loop3A_359, %parallel_loop3A_388 : vector<16xi32>
        %parallel_loop3A_390 = arith.constant 16 : i32
        %parallel_loop3A_391 = arith.muli %parallel_loop3A_390, %parallel_loop3A_263 : i32
        %parallel_loop3A_392 = arith.index_cast %parallel_loop3A_391 : i32 to index
        %parallel_loop3A_393 = tpu.vector_load %arg9[%parallel_loop3A_392] {strides = array<i32>} : memref<8192xi32, #tpu.memory_space<vmem>>, vector<16xi32>,
        tpu.vector_store %arg9[%parallel_loop3A_392], %parallel_loop3A_385 {strides = array<i32>} : memref<8192xi32, #tpu.memory_space<vmem>>, vector<16xi32>,
        %parallel_loop3A_394 = arith.constant 16 : i32
        %parallel_loop3A_395 = arith.muli %parallel_loop3A_394, %parallel_loop3A_263 : i32
        %parallel_loop3A_396 = arith.index_cast %parallel_loop3A_395 : i32 to index
        %parallel_loop3A_397 = tpu.vector_load %arg10[%parallel_loop3A_396] {strides = array<i32>} : memref<8192xi32, #tpu.memory_space<vmem>>, vector<16xi32>,
        tpu.vector_store %arg10[%parallel_loop3A_396], %parallel_loop3A_389 {strides = array<i32>} : memref<8192xi32, #tpu.memory_space<vmem>>, vector<16xi32>,
      } {sc.loop_unroll_factor = 4 : i64, sc.parallel_access}
      %mul3A_260 = arith.constant 8192 : i32
      %mul3A_261 = arith.muli %add3A_36, %mul3A_260 : i32
      "tpu.region"() ({
        %run_scoped3A = tpu.sem_alloc : memref<!tpu.dma_semaphore, #tpu.memory_space<semaphore_mem>>
        %dma_start3A = tpu.memref_slice %arg4[%mul3A_261] : memref<524288xi32, #tpu.memory_space<hbm>> -> memref<8192xi32, #tpu.memory_space<hbm>>
        %dma_start3A_263 = tpu.memref_slice %arg4[%mul3A_261] : memref<524288xi32, #tpu.memory_space<hbm>> -> memref<8192xi32, #tpu.memory_space<hbm>>
        tpu.enqueue_dma source(%arg9 : memref<8192xi32, #tpu.memory_space<vmem>>) target(%dma_start3A_263 : memref<8192xi32, #tpu.memory_space<hbm>>) target_semaphore(%run_scoped3A : memref<!tpu.dma_semaphore, #tpu.memory_space<semaphore_mem>>)
        %dma_wait3A = tpu.memref_slice %arg4[%mul3A_261] : memref<524288xi32, #tpu.memory_space<hbm>> -> memref<8192xi32, #tpu.memory_space<hbm>>
        %dma_wait3A_264 = tpu.memref_slice %arg4[%mul3A_261] : memref<524288xi32, #tpu.memory_space<hbm>> -> memref<8192xi32, #tpu.memory_space<hbm>>
        tpu.wait_dma2 semaphore(%run_scoped3A : memref<!tpu.dma_semaphore, #tpu.memory_space<semaphore_mem>>) src(%arg9 : memref<8192xi32, #tpu.memory_space<vmem>>) dst(%dma_wait3A_264 : memref<8192xi32, #tpu.memory_space<hbm>>)
        tpu.yield
      }) : () -> ()
      "tpu.region"() ({
        %run_scoped3A = tpu.sem_alloc : memref<!tpu.dma_semaphore, #tpu.memory_space<semaphore_mem>>
        %dma_start3A = tpu.memref_slice %arg5[%mul3A_261] : memref<524288xi32, #tpu.memory_space<hbm>> -> memref<8192xi32, #tpu.memory_space<hbm>>
        %dma_start3A_263 = tpu.memref_slice %arg5[%mul3A_261] : memref<524288xi32, #tpu.memory_space<hbm>> -> memref<8192xi32, #tpu.memory_space<hbm>>
        tpu.enqueue_dma source(%arg10 : memref<8192xi32, #tpu.memory_space<vmem>>) target(%dma_start3A_263 : memref<8192xi32, #tpu.memory_space<hbm>>) target_semaphore(%run_scoped3A : memref<!tpu.dma_semaphore, #tpu.memory_space<semaphore_mem>>)
        %dma_wait3A = tpu.memref_slice %arg5[%mul3A_261] : memref<524288xi32, #tpu.memory_space<hbm>> -> memref<8192xi32, #tpu.memory_space<hbm>>
        %dma_wait3A_264 = tpu.memref_slice %arg5[%mul3A_261] : memref<524288xi32, #tpu.memory_space<hbm>> -> memref<8192xi32, #tpu.memory_space<hbm>>
        tpu.wait_dma2 semaphore(%run_scoped3A : memref<!tpu.dma_semaphore, #tpu.memory_space<semaphore_mem>>) src(%arg10 : memref<8192xi32, #tpu.memory_space<vmem>>) dst(%dma_wait3A_264 : memref<8192xi32, #tpu.memory_space<hbm>>)
        tpu.yield
      }) : () -> ()
      %scan3A_262 = arith.constant 0 : i32
      scf.yield %scan3A_262 : i32
    }
    %scan3A_31 = arith.constant 2 : i32
    return
  }
}

</mosaic_0001>

<sc_bundles>
// kernel: kernel.3.cloned.1.call-start
scs
__scs_entry_jumppad:
0x0: {  	(pc) =	sbr.rel $0x88, $3  }
0x1: {  	(tag) =	ssettag $0x0;
	lr =	simm.s32 $0x1  }
0x2: {  	[smem:$0x3F9F] =	sst lr;
	_ =	strace $0xD0000000  }
0x3: {  	_ = 	snop  }
0x4: {  	_ = 	snop  }
0x5: {  	_ = 	snop  }
0x6: {  	_ = 	snop  }
0x7: {  	_ = 	snop  }
__scs_overlays_trampoline_lowered:
0x8: {  	[smem:$0x3FAE] =	sst s0  }
0x9: {  	[smem:$0x3FAF] =	sst s1  }
0xa: {  	[smem:$0x3FB0] =	sst s2  }
0xb: {  	[smem:$0x3FB1] =	sst s3  }
0xc: {  	[smem:$0x3FB2] =	sst s4  }
0xd: {  	[smem:$0x3FB3] =	sst s5  }
0xe: {  	[smem:$0x3FB4] =	sst s6  }
0xf: {  	[smem:$0x3FB5] =	sst s7  }
0x10: {  	[smem:$0x3FB6] =	sst s8  }
0x11: {  	[smem:$0x3FB7] =	sst s9;
	s0 =	simm.s32 @!p0 $0x0  }
0x12: {  	s1 =	sld [smem:$0x3F9D];
	s0 =	simm.s32 @p0 $0x1  }
0x13: {  	[smem:$0x3FB8] =	sst s0;
	s0 =	simm.s32 @!p1 $0x0  }
0x14: {  	s2 =	sld [smem:$0x3F9C];
	s0 =	simm.s32 @p1 $0x1  }
0x15: {  	[smem:$0x3FB9] =	sst s0;
	s0 =	simm.s32 @!p2 $0x0  }
0x16: {  	s3 =	sld [smem:$0x3FDB];
	s0 =	simm.s32 @p2 $0x1  }
0x17: {  	s4 =	simm.s32 $0x1BF5;
	[smem:$0x3FBB] =	sst s0  }
0x18: {  	s0 =	sld [smem:$0x3F9E];
	_ =	swait.ge [sflag:s4], $0x0  }
0x19: {  	s7 =	sld [smem:$0x3F9F]  }
0x1a: {  	s8 =	sadd.s32 $0xFFFFE003, lr  }
0x1b: {  	s9 =	sadd.s32 $0xFFFFFEF7, lr;
	s5 =	simm.s32 $0xFFFFFFFF;
	p2 =	slt.u32 s8, $0xFFFFF086  }
0x1c: {  	p1 =	slt.u32 s9, $0xF7A;
	s5 =	simm.s32 @!p2 $0x0  }
0x1d: {  	s5 =	simm.s32 @p1 $0x1;
	p0 =	seq.s32 s7, s2  }
0x1e: {  	s7 =	smul.u32 @!p0 $0xF7A, s2;
	p2 =	seq.s32 @!p0 s5, $0x0  }
0x1f: {  	s9 =	smul.u32 $0xF7A, s1;
	s8 =	simm.s32 @!p0 $0x1BF5;
	p2 =	por !p2, p0  }
0x20: {  	[sflag:s8] =	ssyncset.s32 @!p0 $0xFFFFF086;
	s6 =	sadd.s32 @!p0 s3, s7;
	s7 =	simm.s32 @!p0 $0x108  }
0x21: {  	s3 =	sadd.s32 s3, s9;
	s6 =	sadd.s32 @!p0 $0x88, s6;
	s7 =	simm.s32 @p2 $0x1082  }
0x22: {  	[simem:s7], [sflag:s8] =	dma.local @!p0 [hbm:s6], $0xF7A  }
0x23: {  	s9 =	sor.u32 $0xD0000000, s2;
	s6 =	simm.s32 $0x108;
	_ =	swait.ge @!p0 [sflag:s8], $0x0  }
0x24: {  	s3 =	sadd.s32 $0x88, s3;
	s6 =	simm.s32 @!p1 $0x1082;
	[sflag:s4] =	ssyncset.s32 $0xFFFFF086  }
0x25: {  	[simem:s6], [sflag:s4] =	dma.local [hbm:s3], $0xF7A  }
0x26: {  	[smem:$0x3F9F] =	sst s1;
	(tag) =	ssettag s2;
	_ =	strace s9  }
0x27: {  	s1 =	sld [smem:$0x3FAF]  }
0x28: {  	s2 =	sld [smem:$0x3FB0]  }
0x29: {  	s4 =	sld [smem:$0x3FB2]  }
0x2a: {  	p0 =	seq.s32 s5, $0x0;
	s5 =	sld [smem:$0x3FB3]  }
0x2b: {  	s6 =	sld [smem:$0x3FB4]  }
0x2c: {  	s7 =	sld [smem:$0x3FB5]  }
0x2d: {  	s3 =	simm.s32 $0x108;
	s8 =	sld [smem:$0x3FB6]  }
0x2e: {  	s3 =	simm.s32 @!p0 $0x1082;
	s9 =	sld [smem:$0x3FB7]  }
0x2f: {  	lr =	sadd.s32 s0, s3;
	s0 =	sld [smem:$0x3FAE]  }
0x30: {  	s3 =	sld [smem:$0x3FB1]  }
0x31: {  	[smem:$0x3FBA] =	sst s10  }
0x32: {  	s10 =	sld [smem:$0x3FB8];
	_ =	sdelay $0x3  }
0x33: {  	p0 =	seq.s32 s10, $0x1;
	s10 =	sld [smem:$0x3FBA];
	_ =	sdelay $0x3  }
0x34: {  	[smem:$0x3FBA] =	sst s10  }
0x35: {  	s10 =	sld [smem:$0x3FB9];
	_ =	sdelay $0x3  }
0x36: {  	p1 =	seq.s32 s10, $0x1;
	s10 =	sld [smem:$0x3FBA];
	_ =	sdelay $0x3  }
0x37: {  	[smem:$0x3FBA] =	sst s10  }
0x38: {  	s10 =	sld [smem:$0x3FBB]  }
0x39: {  	_ = 	snop;
	(pc) =	sbr.ind lr, $3  }
0x3a: {  	_ = 	snop  }
0x3b: {  	_ = 	snop  }
0x3c: {  	p2 =	seq.s32 s10, $0x1;
	s10 =	sld [smem:$0x3FBA]  }
0x3d: {  	_ =	shalt  }
0x3e: {  	_ =	shalt  }
0x3f: {  	_ =	shalt  }
0x40: {  	_ =	shalt  }
0x41: {  	_ =	shalt  }
0x42: {  	_ =	shalt  }
0x43: {  	_ =	shalt  }
0x44: {  	_ =	shalt  }
0x45: {  	_ =	shalt  }
0x46: {  	_ =	shalt  }
0x47: {  	_ =	shalt  }
0x48: {  	_ =	shalt  }
0x49: {  	_ =	shalt  }
0x4a: {  	_ =	shalt  }
0x4b: {  	_ =	shalt  }
0x4c: {  	_ =	shalt  }
0x4d: {  	_ =	shalt  }
0x4e: {  	_ =	shalt  }
0x4f: {  	_ =	shalt  }
0x50: {  	_ =	shalt  }
0x51: {  	_ =	shalt  }
0x52: {  	_ =	shalt  }
0x53: {  	_ =	shalt  }
0x54: {  	_ =	shalt  }
0x55: {  	_ =	shalt  }
0x56: {  	_ =	shalt  }
0x57: {  	_ =	shalt  }
0x58: {  	_ =	shalt  }
0x59: {  	_ =	shalt  }
0x5a: {  	_ =	shalt  }
0x5b: {  	_ =	shalt  }
0x5c: {  	_ =	shalt  }
0x5d: {  	_ =	shalt  }
0x5e: {  	_ =	shalt  }
0x5f: {  	_ =	shalt  }
0x60: {  	_ =	shalt  }
0x61: {  	_ =	shalt  }
0x62: {  	_ =	shalt  }
0x63: {  	_ =	shalt  }
0x64: {  	_ =	shalt  }
0x65: {  	_ =	shalt  }
0x66: {  	_ =	shalt  }
0x67: {  	_ =	shalt  }
0x68: {  	_ =	shalt  }
0x69: {  	_ =	shalt  }
0x6a: {  	_ =	shalt  }
0x6b: {  	_ =	shalt  }
0x6c: {  	_ =	shalt  }
0x6d: {  	_ =	shalt  }
0x6e: {  	_ =	shalt  }
0x6f: {  	_ =	shalt  }
0x70: {  	_ =	shalt  }
0x71: {  	_ =	shalt  }
0x72: {  	_ =	shalt  }
0x73: {  	_ =	shalt  }
0x74: {  	_ =	shalt  }
0x75: {  	_ =	shalt  }
0x76: {  	_ =	shalt  }
0x77: {  	_ =	shalt  }
0x78: {  	_ =	shalt  }
0x79: {  	_ =	shalt  }
0x7a: {  	_ =	shalt  }
0x7b: {  	_ =	shalt  }
0x7c: {  	_ =	shalt  }
0x7d: {  	_ =	shalt  }
0x7e: {  	_ =	shalt  }
0x7f: {  	_ =	shalt  }
0x80: {  	_ =	shalt  }
0x81: {  	_ =	shalt  }
0x82: {  	_ =	shalt  }
0x83: {  	_ =	shalt  }
0x84: {  	_ =	shalt  }
0x85: {  	_ =	shalt  }
0x86: {  	_ =	shalt  }
0x87: {  	_ =	shalt  }
.Lfunc_end0:
.L_simem_size_0:
called_computation_lowered:
.L_overlay_start_0:
0x88: {  	s2 =	sld [smem:$0x3FD9]  }
0x89: {  	s3 =	sld [smem:$0x3FFE];
	_ =	sdelay $0x1  }
0x8a: {  	s1 =	srdreg.scid  }
0x8b: {  	s0 =	sand.u32 $0x1, s1  }
0x8c: {  	s14 =	sshll.u32 s0, $0xA;
	s2 =	sadd.s32 s3, s2  }
0x8d: {  	s2 =	sadd.s32 s2, s14  }
0x8e: {  	[smem:$0x3FC6] =	sst s2  }
0x8f: {  	_ = 	snop  }
0x90: {  	s2 =	sld [smem:$0x3FD0];
	_ =	sdelay $0x2  }
0x91: {  	s15 =	simm.s32 $0xA;
	s4 =	simm.s32 $0x10  }
0x92: {  	[smem:s4], [sflag:s15] =	dma.local [hbm:s2], $0x1  }
0x93: {  	_ =	swait.eq [sflag:s15], $0x1  }
0x94: {  	[sflag:s15] =	ssyncset.done $0x0  }
0x95: {  	s16 =	sld [smem:$0x10];
	[sflag:s15] =	ssyncadd.s32 $0xFFFFFFFF  }
0x96: {  	s17 =	sld [smem:$0x11];
	(tm) =	ssettm $0x1  }
0x97: {  	s18 =	sld [smem:$0x3FFB];
	_ =	sdelay $0x3  }
0x98: {  	_ =	strace s18  }
0x99: {  	s4 =	sld [smem:$0x3FFC];
	_ =	sdelay $0x3  }
0x9a: {  	_ =	strace s4  }
0x9b: {  	s4 =	sld [smem:$0x3FFD];
	_ =	sdelay $0x3  }
0x9c: {  	_ =	strace s4  }
0x9d: {  	_ =	strace $0x8FFFFFFF  }
0x9e: {  	s19 =	sld [smem:$0x3FDB];
	_ =	sdelay $0x1  }
0x9f: {  	s5 =	simm.s32 $_scs_section_size  }
0xa0: {  	s6 =	simm.s32 $_size__tile_overlayer_lowered;
	s7 =	simm.s32 $_tile_overlayer_lowered  }
0xa1: {  	s22 =	simm.s32 $0x1BFF;
	s21 =	sshll.u32 s7, $0x1;
	s4 =	sadd.s32 s5, s19  }
0xa2: {  	s8 =	simm.s32 $0x0;
	s20 =	sshll.u32 s6, $0x1;
	s6 =	sadd.s32 s21, s4  }
0xa3: {  	[timem:s8], [sflag:s22] =	dma.local [hbm:s6], s20  }
0xa4: {  	_ =	swait.ge [sflag:s22], s20  }
0xa5: {  	s5 =	ssub.s32 $0x0, s20;
	[sflag:s22] =	ssyncset.done $0x0  }
0xa6: {  	[sflag:s22] =	ssyncadd.s32 s5;
	_ =	sdelay $0x1  }
0xa7: {  	s23 =	simm.s32 $0x1B8B  }
0xa8: {  	_ =	swait.ge [sflag:s23], $0x1  }
0xa9: {  	[sflag:s23] =	ssyncset.done $0x0  }
0xaa: {  	s25 =	simm.s32 $0x1B8E;
	s24 =	sld [smem:$0x3FFE];
	[sflag:s23] =	ssyncadd.s32 $0xFFFFFFFF  }
0xab: {  	s26 =	simm.s32 $execute0_lowered;
	[smem:$0x3FD2] =	sst s25  }
0xac: {  	s6 =	sshll.u32 s26, $0x1;
	_ =	strace $0x80000046;
	[dreg:$0x1] =	wrdreg $0xFFFFFFFF  }
0xad: {  	s28 =	simm.s32 $_size_execute0_lowered;
	s4 =	sadd.s32 s4, s6;
	[dreg:$0x0] =	wrdreg $0x0  }
0xae: {  	s6 =	sshll.u32 s28, $0x1;
	[dreg:$0x2] =	wrdreg s4  }
0xaf: {  	[dreg:$0x3] =	wrdreg s6  }
0xb0: {  	[dreg:$0x4] =	wrdreg $0xC0  }
0xb1: {  	_ =	task [dreg:s8], $0x5FFFF  }
0xb2: {  	[dreg:$0x1] =	wrdreg $0xFFFFFFFF  }
0xb3: {  	[dreg:$0x0] =	wrdreg $0x60  }
0xb4: {  	[dreg:$0x2] =	wrdreg s24  }
0xb5: {  	[dreg:$0x3] =	wrdreg s17  }
0xb6: {  	[dreg:$0x4] =	wrdreg s16  }
0xb7: {  	[dreg:$0x5] =	wrdreg $0x9  }
0xb8: {  	_ =	task.clear_ibuf [dreg:s8], $0x6FFFF;
	_ =	strace $0x90000046  }
0xb9: {  	s29 =	simm.s32 $0x9;
	_ =	strace $0x80000048  }
0xba: {  	_ =	swait.ge [sflag:s29], $0x1  }
0xbb: {  	[sflag:s29] =	ssyncadd.s32 $0xFFFFFFFF  }
0xbc: {  	_ =	strace $0x90000048  }
0xbd: {  	_ =	sfence  }
0xbe: {  	s30 =	sld [smem:$0x0];
	_ =	sdelay $0x2  }
0xbf: {  	s31 =	sshll.u32 s1, $0xD;
	s1 =	sshrl.u32 s1, $0x2  }
0xc0: {  	s3 =	sand.u32 $0x4000, s31;
	s1 =	sadd.s32 s1, s30  }
0xc1: {  	s0 =	sor.u32 s3, s0;
	s1 =	sshll.u32 s1, $0x11  }
0xc2: {  	s0 =	sor.u32 s1, s0  }
0xc3: {  	s0 =	sadd.s32 $0x8F2B, s0  }
0xc4: {  	[sflag:s0] =	ssyncadd.remote.s32 $0x1  }
0xc5: {  	_ =	sfence.sel $0xFFFF  }
0xc6: {  	[dreg:$0x0] =	wrdreg $0xFFFFFFFF;
	(pc) =	sbr.abs _section_cstart, $3  }
0xc7: {  	[dreg:$0x1] =	wrdreg $0xFFFFFFFF  }
0xc8: {  	_ =	task.clear_ibuf [dreg:s8], $0x2FFFF;
	_ =	strace $0x9FFFFFFF  }
0xc9: {  	(tm) =	ssettm $0x7FFFFFFF  }
tec
execute0_lowered:
.L_overlay_start_1:
0x0: {  	(tag) =	ssettag $0x1  }
0x1: {  	s6 =	rddreg [dreg:$0x0]  }
0x2: {  	s1 =	rddreg [dreg:$0x1]  }
0x3: {  	s2 =	rddreg [dreg:$0x2]  }
0x4: {  	s3 =	simm.s32 $0x0;
	s4 =	srdreg.scid;
	s10 =	simm.s32 $0x8000  }
0x5: {  	s11 =	simm.s32 $0x10000;
	s12 =	simm.s32 $0x10400;
	s13 =	simm.s32 $0x12400  }
0x6: {  	s14 =	simm.s32 $0x0;
	[smem:$0x7FF] =	sst s3;
	s7 =	sand.u32 $0x1, s4  }
0x7: {  	s5 =	sadd.s32 $0xE00, s6;
	s4 =	stileid.u32;
	s8 =	ssub.s32 $0x2, s7  }
0x8: {  	v0 =	vimm.s32 $0x0;
	s6 =	sadd.s32 $0x40E00, s6;
	_ =	strace $0x80000047;
	s9 =	sshrl.u32 s8, $0x1  }
0x9: {  	v1 =	vimm.s32 $0x1;
	vm10 =	vmxor vm10, vm10;
	v2 =	vlaneseq.u32;
	s31 =	sshll.u32 s4, $0x2;
	s7 =	sshll.u32 s7, $0x1;
	s8 =	ssub.s32 s8, s9  }
0xa: {  	v3 =	vimm.s32 $0x100;
	v4 =	vimm.s32 $0x10000;
	v5 =	vimm.s32 $0x1000000;
	s7 =	sor.u32 s7, s31;
	s9 =	simm.s32 $0x1;
	s8 =	smax.u32 s8, $0x1  }
.LBB2_1:
0xb: {  	p1 =	por $0x1, $0x1;
	s15 =	simm.s32 $0x0  }
.LBB2_2:
0xc: {  	s15 =	sor.u32 s7, s15  }
0xd: {  	s16 =	sshll.u32 s15, $0xC  }
0xe: {  	s17 =	sadd.s32 s5, s16  }
0xf: {  	[tilespmem:s3], [sflag:$0x1] =	stream.linear.gather [hbm4b:s17+s3], $0x8000, $0x38;
	[tilespmem:$0x14400] =	vst v63  }
0x10: {  	_ =	swait.ge [sflag:s9], $0x8000  }
0x11: {  	[sflag:s9] =	ssyncset.done $0x0  }
0x12: {  	s16 =	sadd.s32 s6, s16;
	[sflag:s9] =	ssyncadd.s32 $0xFFFF8000  }
0x13: {  	[tilespmem:s10], [sflag:$0x1] =	stream.linear.gather [hbm4b:s16+s3], $0x8000, $0x38;
	[tilespmem:$0x14400] =	vst v63  }
0x14: {  	_ =	swait.ge [sflag:s9], $0x8000  }
0x15: {  	[sflag:s9] =	ssyncset.done $0x0  }
0x16: {  	s17 =	simm.s32 $0x10020;
	[sflag:s9] =	ssyncadd.s32 $0xFFFF8000  }
0x17: {  	[tilespmem:s17+$0xFFFFFFE0] =	vst v0  }
0x18: {  	[tilespmem:s17+$0x10] =	vst v0  }
0x19: {  	p0 =	por p1, p1;
	s18 =	simm.s32 $0x0;
	s16 =	simm.s32 $0x80;
	[tilespmem:s17+$0x0] =	vst v0  }
.LBB2_3:
0x1a: {  	s18 =	sadd.s32 $0x4, s18  }
0x1b: {  	[tilespmem:s17+$0xFFFFFFF0] =	vst v0;
	s17 =	sadd.s32 $0x40, s17;
	p1 =	slt.u32 s18, $0x3C  }
.Ltmp0:
0x1c: {  	[tilespmem:s17+$0xFFFFFFE0] =	vst v0;
	(pc) =	sbr.rel @p1 .LBB2_3-.Ltmp0, $3  }
0x1d: {  	_ =	sdelay $0x1  }
0x1e: {  	[tilespmem:s17+$0x10] =	vst v0  }
0x1f: {  	[tilespmem:s17+$0x0] =	vst v0  }
0x20: {  	[tilespmem:s17+$0xFFFFFFF0] =	vst v0  }
0x21: {  	v6 =	vld [tilespmem:s16+$0x0]  }
0x22: {  	v7 =	vld [tilespmem:s16+$0xFFFFFFF0]  }
0x23: {  	v8 =	vld [tilespmem:s16+$0xFFFFFF80]  }
0x24: {  	v9 =	vld [tilespmem:s16+$0x70]  }
0x25: {  	v10 =	vld [tilespmem:s16+$0xFFFFFF90]  }
0x26: {  	v11 =	vld [tilespmem:s16+$0xFFFFFFA0]  }
0x27: {  	v13 =	vld [tilespmem:s16+$0x60]  }
0x28: {  	v15 =	vld [tilespmem:s16+$0x40]  }
0x29: {  	v16 =	vld [tilespmem:s16+$0x30]  }
0x2a: {  	v17 =	vld [tilespmem:s16+$0x20]  }
0x2b: {  	v18 =	vld [tilespmem:s16+$0x10];
	v8 =	vshrl.u32 v8, $0x14  }
0x2c: {  	v12 =	vld [tilespmem:s16+$0xFFFFFFB0];
	v9 =	vshrl.u32 v9, $0x14;
	v8 =	vand.u32 $0x3FF, v8  }
0x2d: {  	v14 =	vld [tilespmem:s16+$0x50];
	v13 =	vshrl.u32 v13, $0x14;
	v9 =	vand.u32 $0x3FF, v9  }
0x2e: {  	v59 =	vld [tilespmem:s16+$0xFFFFFFE0];
	v60 =	vshrl.u32 v16, $0x14;
	v13 =	vand.u32 $0x3FF, v13  }
0x2f: {  	v61 =	vld [tilespmem:s16+$0xFFFFFFD0];
	v58 =	vshrl.u32 v15, $0x14;
	v17 =	vshrl.u32 v17, $0x14;
	v15 =	vand.u32 $0x3FF, v60  }
0x30: {  	s17 =	simm.s32 $0x10000;
	v19 =	vld [tilespmem:s16+$0xFFFFFFC0];
	v18 =	vshrl.u32 v18, $0x14;
	v17 =	vand.u32 $0x3FF, v17  }
0x31: {  	v6 =	vshrl.u32 v6, $0x14;
	v18 =	vand.u32 $0x3FF, v18;
	[tilespmem:v8+s17+$0x0] =	vst.idx.add.s32.msk $0xffff, v1  }
0x32: {  	v7 =	vshrl.u32 v7, $0x14;
	v6 =	vand.u32 $0x3FF, v6;
	[tilespmem:v9+s17+$0x0] =	vst.idx.add.s32.msk $0xffff, v1  }
0x33: {  	v7 =	vand.u32 $0x3FF, v7;
	v8 =	vshrl.u32 v14, $0x14;
	[tilespmem:v13+s17+$0x0] =	vst.idx.add.s32.msk $0xffff, v1  }
0x34: {  	v12 =	vshrl.u32 v12, $0x14;
	[tilespmem:v15+s17+$0x0] =	vst.idx.add.s32.msk $0xffff, v1;
	v8 =	vand.u32 $0x3FF, v8  }
0x35: {  	v11 =	vshrl.u32 v11, $0x14;
	v12 =	vand.u32 $0x3FF, v12;
	[tilespmem:v17+s17+$0x0] =	vst.idx.add.s32.msk $0xffff, v1  }
0x36: {  	v11 =	vand.u32 $0x3FF, v11;
	[tilespmem:v18+s17+$0x0] =	vst.idx.add.s32.msk $0xffff, v1  }
0x37: {  	v62 =	vshrl.u32 v61, $0x14;
	v14 =	vand.u32 $0x3FF, v58;
	[tilespmem:v6+s17+$0x0] =	vst.idx.add.s32.msk $0xffff, v1  }
0x38: {  	v63 =	vshrl.u32 v19, $0x14;
	v9 =	vand.u32 $0x3FF, v62;
	[tilespmem:v7+s17+$0x0] =	vst.idx.add.s32.msk $0xffff, v1  }
0x39: {  	v13 =	vand.u32 $0x3FF, v63;
	[tilespmem:v8+s17+$0x0] =	vst.idx.add.s32.msk $0xffff, v1;
	v8 =	vshrl.u32 v59, $0x14  }
0x3a: {  	v6 =	vshrl.u32 v10, $0x14;
	[tilespmem:v12+s17+$0x0] =	vst.idx.add.s32.msk $0xffff, v1;
	v8 =	vand.u32 $0x3FF, v8  }
0x3b: {  	[tilespmem:v11+s17+$0x0] =	vst.idx.add.s32.msk $0xffff, v1;
	v6 =	vand.u32 $0x3FF, v6  }
0x3c: {  	[tilespmem:v14+s17+$0x0] =	vst.idx.add.s32.msk $0xffff, v1  }
0x3d: {  	[tilespmem:v9+s17+$0x0] =	vst.idx.add.s32.msk $0xffff, v1  }
0x3e: {  	[tilespmem:v13+s17+$0x0] =	vst.idx.add.s32.msk $0xffff, v1  }
0x3f: {  	s18 =	simm.s32 $0x0;
	[tilespmem:v8+s17+$0x0] =	vst.idx.add.s32.msk $0xffff, v1  }
.LBB2_5:
0x40: {  	s18 =	sadd.s32 $0x10, s18;
	[tilespmem:v6+s17+$0x0] =	vst.idx.add.s32.msk $0xffff, v1;
	s16 =	sadd.s32 $0x100, s16  }
0x41: {  	v6 =	vld [tilespmem:s16+$0x0];
	p1 =	slt.u32 s18, $0x7F0  }
0x42: {  	v7 =	vld [tilespmem:s16+$0xFFFFFFF0]  }
0x43: {  	v8 =	vld [tilespmem:s16+$0xFFFFFF80]  }
0x44: {  	v9 =	vld [tilespmem:s16+$0x70]  }
0x45: {  	v10 =	vld [tilespmem:s16+$0xFFFFFF90]  }
0x46: {  	v11 =	vld [tilespmem:s16+$0xFFFFFFA0]  }
0x47: {  	v12 =	vld [tilespmem:s16+$0xFFFFFFB0]  }
0x48: {  	v8 =	vshrl.u32 v8, $0x14;
	v13 =	vld [tilespmem:s16+$0x60]  }
0x49: {  	v8 =	vand.u32 $0x3FF, v8;
	v14 =	vld [tilespmem:s16+$0x50];
	v9 =	vshrl.u32 v9, $0x14  }
0x4a: {  	v15 =	vld [tilespmem:s16+$0x40];
	v9 =	vand.u32 $0x3FF, v9  }
0x4b: {  	v16 =	vld [tilespmem:s16+$0x30]  }
0x4c: {  	v17 =	vld [tilespmem:s16+$0x20]  }
0x4d: {  	v18 =	vld [tilespmem:s16+$0x10];
	v13 =	vshrl.u32 v13, $0x14  }
0x4e: {  	[tilespmem:v8+s17+$0x0] =	vst.idx.add.s32.msk $0xffff, v1;
	v8 =	vshrl.u32 v14, $0x14;
	v13 =	vand.u32 $0x3FF, v13  }
0x4f: {  	v14 =	vshrl.u32 v15, $0x14;
	v8 =	vand.u32 $0x3FF, v8;
	[tilespmem:v9+s17+$0x0] =	vst.idx.add.s32.msk $0xffff, v1  }
0x50: {  	v9 =	vld [tilespmem:s16+$0xFFFFFFE0];
	v15 =	vshrl.u32 v16, $0x14;
	v14 =	vand.u32 $0x3FF, v14  }
0x51: {  	v16 =	vld [tilespmem:s16+$0xFFFFFFD0];
	v17 =	vshrl.u32 v17, $0x14;
	v15 =	vand.u32 $0x3FF, v15  }
0x52: {  	v19 =	vld [tilespmem:s16+$0xFFFFFFC0];
	v18 =	vshrl.u32 v18, $0x14;
	v17 =	vand.u32 $0x3FF, v17  }
0x53: {  	v6 =	vshrl.u32 v6, $0x14;
	v18 =	vand.u32 $0x3FF, v18;
	[tilespmem:v13+s17+$0x0] =	vst.idx.add.s32.msk $0xffff, v1  }
0x54: {  	v7 =	vshrl.u32 v7, $0x14;
	v6 =	vand.u32 $0x3FF, v6;
	[tilespmem:v8+s17+$0x0] =	vst.idx.add.s32.msk $0xffff, v1  }
0x55: {  	v7 =	vand.u32 $0x3FF, v7;
	v8 =	vshrl.u32 v9, $0x14;
	[tilespmem:v14+s17+$0x0] =	vst.idx.add.s32.msk $0xffff, v1  }
0x56: {  	v9 =	vshrl.u32 v16, $0x14;
	v8 =	vand.u32 $0x3FF, v8;
	[tilespmem:v15+s17+$0x0] =	vst.idx.add.s32.msk $0xffff, v1  }
0x57: {  	v13 =	vshrl.u32 v19, $0x14;
	v9 =	vand.u32 $0x3FF, v9;
	[tilespmem:v17+s17+$0x0] =	vst.idx.add.s32.msk $0xffff, v1  }
0x58: {  	v12 =	vshrl.u32 v12, $0x14;
	v13 =	vand.u32 $0x3FF, v13;
	[tilespmem:v18+s17+$0x0] =	vst.idx.add.s32.msk $0xffff, v1  }
0x59: {  	v11 =	vshrl.u32 v11, $0x14;
	v12 =	vand.u32 $0x3FF, v12;
	[tilespmem:v6+s17+$0x0] =	vst.idx.add.s32.msk $0xffff, v1  }
0x5a: {  	v6 =	vshrl.u32 v10, $0x14;
	v10 =	vand.u32 $0x3FF, v11;
	[tilespmem:v7+s17+$0x0] =	vst.idx.add.s32.msk $0xffff, v1  }
.Ltmp1:
0x5b: {  	v6 =	vand.u32 $0x3FF, v6;
	[tilespmem:v8+s17+$0x0] =	vst.idx.add.s32.msk $0xffff, v1;
	(pc) =	sbr.rel @p1 .LBB2_5-.Ltmp1, $4  }
0x5c: {  	[tilespmem:v9+s17+$0x0] =	vst.idx.add.s32.msk $0xffff, v1  }
0x5d: {  	[tilespmem:v13+s17+$0x0] =	vst.idx.add.s32.msk $0xffff, v1  }
0x5e: {  	[tilespmem:v12+s17+$0x0] =	vst.idx.add.s32.msk $0xffff, v1  }
0x5f: {  	[tilespmem:v10+s17+$0x0] =	vst.idx.add.s32.msk $0xffff, v1  }
0x60: {  	_ =	sdelay $0x3  }
0x61: {  	[tilespmem:v6+s17+$0x0] =	vst.idx.add.s32.msk $0xffff, v1  }
0x62: {  	v6 =	vld [tilespmem:s17+$0x0];
	_ =	sdelay $0x4  }
0x63: {  	(xrf0) =	vadd.scan.msk.s32 $0xffff, v6;
	_ =	sdelay $0x5  }
0x64: {  	s16 =	simm.s32 $0x0;
	v7, _, _ =	vpop (xrf0)  }
0x65: {  	p1 =	por $0x1, $0x1;
	vm0 =	vmmov vm10;
	v8 =	vadd.s32 s16, v7  }
0x66: {  	vm0 =	vmneg @p1 vm0;
	vm1 =	vgt.s32 v8, $0x7332  }
0x67: {  	vm0 =	vmand vm0, vm1  }
0x68: {  	v8 =	vmctz.xlane vm0;
	_ =	sdelay $0x1  }
0x69: {  	v8 =	vxor.u32 $0x80000000, v8  }
0x6a: {  	(xrf0) =	vmax.scan.msk.u32 $0xffff, v8;
	_ =	sdelay $0x5  }
0x6b: {  	v8, _, _ =	vpop (xrf0)  }
0x6c: {  	(v2sf) =	vpush v8, $0xF;
	_ =	sdelay $0xe  }
0x6d: {  	s18 =	spop (v2sf)  }
0x6e: {  	s23 =	sxor.u32 $0x80000000, s18  }
0x6f: {  	v8 =	vmov s23  }
0x70: {  	vm15 =	vgt.s32 v8, v2  }
0x71: {  	v6 =	vnsel vm15, $0x0, v6  }
0x72: {  	(xrf0) =	vadd.scan.msk.s32 $0xffff, v6;
	_ =	sdelay $0x5  }
0x73: {  	(v2sf) =	vpush v7, $0xF;
	v6, _, _ =	vpop (xrf0)  }
0x74: {  	(v2sf) =	vpush v6, $0xF;
	_ =	sdelay $0x5  }
0x75: {  	s20 =	simm.s32 $0x10010;
	s21 =	simm.s32 $0x80000020;
	s19 =	simm.s32 $0x0  }
0x76: {  	s17 =	simm.s32 $0x80000010;
	s22 =	sadd.s32 $0x80000000, s18;
	s18 =	simm.s32 $0x0;
	v6 =	vld [tilespmem:s20+$0x0]  }
.LBB2_7:
0x77: {  	p2 =	sne.s32 s21, $0x800003F0;
	_ =	sdelay $0x3  }
0x78: {  	(xrf0) =	vadd.scan.msk.s32 $0xffff, v6;
	_ =	sdelay $0x1  }
0x79: {  	s24 =	spop (v2sf)  }
0x7a: {  	p3 =	slt.s32 s23, $0x10;
	s23 =	spop (v2sf)  }
0x7b: {  	p4 =	por !p1, !p3;
	s24 =	smov.u32 @p3 s23  }
0x7c: {  	p3 =	por !p4, !p4;
	s24 =	simm.s32 @!p1 $0x0  }
0x7d: {  	s16 =	smov.u32 @p3 s22;
	s18 =	simm.s32 @p3 $0x1;
	v7, _, _ =	vpop (xrf0);
	s19 =	sadd.s32 s19, s24  }
0x7e: {  	vm1 =	vmmov vm10;
	p1 =	seq.s32 s18, $0x0;
	v8 =	vadd.s32 s19, v7  }
0x7f: {  	vm1 =	vmneg @p1 vm1;
	vm0 =	vgt.s32 v8, $0x7332  }
0x80: {  	vm0 =	vmand vm1, vm0  }
0x81: {  	v8 =	vmctz.xlane vm0;
	_ =	sdelay $0x1  }
0x82: {  	v8 =	vxor.u32 $0x80000000, v8  }
0x83: {  	(xrf0) =	vmax.scan.msk.u32 $0xffff, v8;
	_ =	sdelay $0x5  }
0x84: {  	v8, _, _ =	vpop (xrf0)  }
0x85: {  	(v2sf) =	vpush v8, $0xF;
	_ =	sdelay $0xe  }
0x86: {  	s22 =	spop (v2sf)  }
0x87: {  	s23 =	sxor.u32 $0x80000000, s22;
	s22 =	sadd.s32 s17, s22;
	s17 =	smov.u32 s21  }
0x88: {  	v8 =	vmov s23  }
0x89: {  	vm0 =	vgt.s32 v8, v2  }
0x8a: {  	v6 =	vnsel vm0, $0x0, v6  }
0x8b: {  	(xrf0) =	vadd.scan.msk.s32 $0xffff, v6;
	_ =	sdelay $0x5  }
0x8c: {  	(v2sf) =	vpush v7, $0xF;
	v6, _, _ =	vpop (xrf0)  }
0x8d: {  	(v2sf) =	vpush v6, $0xF;
	_ =	sdelay $0x2  }
.Ltmp2:
0x8e: {  	(pc) =	sbr.rel @p2 .LBB2_7-.Ltmp2, $3  }
0x8f: {  	_ =	sdelay $0x1  }
0x90: {  	s20 =	sadd.s32 $0x10, s20  }
0x91: {  	s21 =	sadd.s32 $0x10, s21;
	v6 =	vld [tilespmem:s20+$0x0]  }
0x92: {  	_ =	sdelay $0x3  }
0x93: {  	(xrf0) =	vadd.scan.msk.s32 $0xffff, v6;
	_ =	sdelay $0x1  }
0x94: {  	s20 =	spop (v2sf)  }
0x95: {  	p2 =	slt.s32 s23, $0x10;
	s21 =	spop (v2sf)  }
0x96: {  	p3 =	por !p1, !p2;
	s20 =	smov.u32 @p2 s21  }
0x97: {  	p2 =	por !p3, !p3;
	s20 =	simm.s32 @!p1 $0x0  }
0x98: {  	s18 =	simm.s32 @p2 $0x1;
	v7, _, _ =	vpop (xrf0);
	s19 =	sadd.s32 s19, s20  }
0x99: {  	vm0 =	vmmov vm10;
	p1 =	seq.s32 s18, $0x0;
	v8 =	vadd.s32 s19, v7  }
0x9a: {  	vm0 =	vmneg @p1 vm0;
	vm1 =	vgt.s32 v8, $0x7332  }
0x9b: {  	vm0 =	vmand vm0, vm1  }
0x9c: {  	v62 =	vmctz.xlane vm0;
	_ =	sdelay $0x1  }
0x9d: {  	v8 =	vxor.u32 $0x80000000, v62  }
0x9e: {  	(xrf0) =	vmax.scan.msk.u32 $0xffff, v8;
	_ =	sdelay $0x5  }
0x9f: {  	v8, _, _ =	vpop (xrf0)  }
0xa0: {  	(v2sf) =	vpush v8, $0xF;
	_ =	sdelay $0xe  }
0xa1: {  	s30 =	spop (v2sf)  }
0xa2: {  	s31 =	sxor.u32 $0x80000000, s30  }
0xa3: {  	v63 =	vmov s31  }
0xa4: {  	vm15 =	vgt.s32 v63, v2  }
0xa5: {  	v6 =	vnsel vm15, $0x0, v6  }
0xa6: {  	(xrf0) =	vadd.scan.msk.s32 $0xffff, v6;
	_ =	sdelay $0x5  }
0xa7: {  	(v2sf) =	vpush v7, $0xF;
	v6, _, _ =	vpop (xrf0)  }
0xa8: {  	(v2sf) =	vpush v6, $0xF;
	_ =	sdelay $0xd  }
0xa9: {  	s21 =	spop (v2sf)  }
0xaa: {  	s18 =	simm.s32 $0x10020;
	p3 =	slt.s32 s31, $0x10;
	s23 =	spop (v2sf)  }
0xab: {  	s16 =	smov.u32 @p2 s22;
	[tilespmem:s18+$0xFFFFFFE0] =	vst v0;
	p6 =	por !p1, !p3;
	s21 =	smov.u32 @p3 s23  }
0xac: {  	[tilespmem:s18+$0x10] =	vst v0;
	s17 =	sadd.s32 s17, s30;
	p2 =	por !p6, !p6;
	s21 =	simm.s32 @!p1 $0x0  }
0xad: {  	[tilespmem:s18+$0x0] =	vst v0;
	s16 =	smov.u32 @p2 s17;
	s17 =	sadd.s32 s19, s21;
	s19 =	simm.s32 $0x0  }
.LBB2_9:
0xae: {  	s19 =	sadd.s32 $0x4, s19  }
0xaf: {  	[tilespmem:s18+$0xFFFFFFF0] =	vst v0;
	s18 =	sadd.s32 $0x40, s18;
	p1 =	slt.u32 s19, $0x3C  }
.Ltmp3:
0xb0: {  	[tilespmem:s18+$0xFFFFFFE0] =	vst v0;
	(pc) =	sbr.rel @p1 .LBB2_9-.Ltmp3, $3  }
0xb1: {  	_ =	sdelay $0x1  }
0xb2: {  	[tilespmem:s18+$0x10] =	vst v0  }
0xb3: {  	[tilespmem:s18+$0x0] =	vst v0  }
0xb4: {  	[tilespmem:s18+$0xFFFFFFF0] =	vst v0;
	s19 =	simm.s32 $0x80  }
0xb5: {  	v7 =	vld [tilespmem:s19+$0xFFFFFF80]  }
0xb6: {  	v10 =	vld [tilespmem:s19+$0x20]  }
0xb7: {  	v12 =	vld [tilespmem:s19+$0xFFFFFFB0]  }
0xb8: {  	v13 =	vld [tilespmem:s19+$0xFFFFFFC0]  }
0xb9: {  	v14 =	vld [tilespmem:s19+$0x30]  }
0xba: {  	v8 =	vld [tilespmem:s19+$0xFFFFFF90]  }
0xbb: {  	v26 =	vld [tilespmem:s19+$0xFFFFFFE0]  }
0xbc: {  	v6 =	vmov s16;
	v11 =	vld [tilespmem:s19+$0x0];
	v9 =	vshra.s32 v7, $0x14  }
0xbd: {  	v7 =	vshrl.u32 v7, $0xA;
	v25 =	vshrl.u32 v10, $0xA;
	v20 =	vshrl.u32 v13, $0xA  }
0xbe: {  	v18 =	vshrl.u32 v12, $0xA;
	v19 =	vshra.s32 v14, $0x14;
	v21 =	vshra.s32 v12, $0x14  }
0xbf: {  	v15 =	vld [tilespmem:s19+$0x40];
	v12 =	vshra.s32 v8, $0x14;
	v8 =	vshrl.u32 v8, $0xA;
	v24 =	vshrl.u32 v14, $0xA  }
0xc0: {  	v14 =	vshra.s32 v26, $0x14;
	vm0 =	veq.s32 v9, v6;
	v17 =	vand.u32 $0x3FF, v7  }
0xc1: {  	v16 =	vld [tilespmem:s19+$0xFFFFFFA0];
	v9 =	vshra.s32 v11, $0x14;
	v11 =	vshrl.u32 v11, $0xA;
	v7 =	vshra.s32 v13, $0x14  }
0xc2: {  	v13 =	vshra.s32 v10, $0x14;
	v10 =	vld [tilespmem:s19+$0xFFFFFFD0];
	vm4 =	veq.s32 v19, v6;
	vm1 =	veq.s32 v12, v6  }
0xc3: {  	v22 =	vld [tilespmem:s19+$0xFFFFFFF0];
	v8 =	vand.u32 $0x3FF, v8;
	vm3 =	veq.s32 v21, v6;
	v20 =	vand.u32 $0x3FF, v20  }
0xc4: {  	v23 =	vld [tilespmem:s19+$0x60];
	vm5 =	veq.s32 v7, v6;
	v7 =	vand.u32 $0x3FF, v18;
	v18 =	vshrl.u32 v15, $0xA  }
0xc5: {  	v19 =	vld [tilespmem:s19+$0x70];
	v15 =	vshra.s32 v15, $0x14;
	vm6 =	veq.s32 v13, v6;
	v13 =	vshrl.u32 v26, $0xA  }
0xc6: {  	v18 =	vand.u32 $0x3FF, v18;
	vm7 =	veq.s32 v15, v6;
	[tilespmem:v17+s11+$0x0] =	vst.idx.add.s32.msk vm0, v1;
	v17 =	vshra.s32 v16, $0x14  }
0xc7: {  	v21 =	vld [tilespmem:s19+$0x10];
	v12 =	vshrl.u32 v10, $0xA;
	vm2 =	veq.s32 v17, v6;
	v17 =	vshrl.u32 v16, $0xA  }
0xc8: {  	s18 =	simm.s32 $0x0;
	v15 =	vshra.s32 v10, $0x14;
	v16 =	vld [tilespmem:s19+$0x50];
	s19 =	simm.s32 $0x180;
	v10 =	vand.u32 $0x3FF, v17;
	v17 =	vand.u32 $0x3FF, v25  }
.LBB2_11:
0xc9: {  	v25 =	vld [tilespmem:s19+$0xFFFFFF90];
	s18 =	sadd.s32 $0x10, s18;
	v26 =	vshra.s32 v22, $0x14  }
0xca: {  	v22 =	vshrl.u32 v22, $0xA;
	v24 =	vand.u32 $0x3FF, v24;
	v27 =	vld [tilespmem:s19+$0xFFFFFFD0];
	p1 =	slt.u32 s18, $0x7F0;
	vm0 =	veq.s32 v26, v6  }
0xcb: {  	v11 =	vand.u32 $0x3FF, v11;
	v22 =	vand.u32 $0x3FF, v22;
	v26 =	vld [tilespmem:s19+$0x20]  }
0xcc: {  	v28 =	vshrl.u32 v19, $0xA;
	v19 =	vshra.s32 v19, $0x14;
	[tilespmem:v18+s11+$0x0] =	vst.idx.add.s32.msk vm7, v1;
	v18 =	vshrl.u32 v23, $0xA  }
0xcd: {  	v30 =	vshrl.u32 v16, $0xA;
	v16 =	vshra.s32 v16, $0x14;
	v29 =	vld [tilespmem:s19+$0x40];
	v18 =	vand.u32 $0x3FF, v18  }
0xce: {  	vm7 =	veq.s32 v16, v6;
	[tilespmem:v20+s11+$0x0] =	vst.idx.add.s32.msk vm5, v1;
	vm5 =	veq.s32 v15, v6;
	v15 =	vshra.s32 v23, $0x14  }
0xcf: {  	v12 =	vand.u32 $0x3FF, v12;
	v16 =	vand.u32 $0x3FF, v30;
	[tilespmem:v24+s11+$0x0] =	vst.idx.add.s32.msk vm4, v1;
	vm4 =	veq.s32 v15, v6  }
0xd0: {  	vm8 =	veq.s32 v19, v6;
	v20 =	vshrl.u32 v21, $0xA;
	v21 =	vshra.s32 v21, $0x14;
	v15 =	vld [tilespmem:s19+$0xFFFFFFA0]  }
0xd1: {  	v19 =	vand.u32 $0x3FF, v28;
	[tilespmem:v22+s11+$0x0] =	vst.idx.add.s32.msk vm0, v1;
	vm0 =	veq.s32 v21, v6  }
0xd2: {  	vm9 =	veq.s32 v9, v6;
	v9 =	vand.u32 $0x3FF, v20;
	[tilespmem:v17+s11+$0x0] =	vst.idx.add.s32.msk vm6, v1  }
0xd3: {  	v17 =	vld [tilespmem:s19+$0xFFFFFFB0]  }
0xd4: {  	v20 =	vld [tilespmem:s19+$0xFFFFFFC0]  }
0xd5: {  	v21 =	vld [tilespmem:s19+$0xFFFFFF80]  }
0xd6: {  	vm6 =	veq.s32 v14, v6;
	[tilespmem:v18+s11+$0x0] =	vst.idx.add.s32.msk vm4, v1  }
0xd7: {  	v13 =	vand.u32 $0x3FF, v13;
	v14 =	vld [tilespmem:s19+$0x0]  }
0xd8: {  	[tilespmem:v9+s11+$0x0] =	vst.idx.add.s32.msk vm0, v1  }
0xd9: {  	[tilespmem:v11+s11+$0x0] =	vst.idx.add.s32.msk vm9, v1  }
0xda: {  	v9 =	vshra.s32 v21, $0x14;
	[tilespmem:v19+s11+$0x0] =	vst.idx.add.s32.msk vm8, v1  }
0xdb: {  	v11 =	vshrl.u32 v21, $0xA;
	vm0 =	veq.s32 v9, v6;
	v19 =	vld [tilespmem:s19+$0x30]  }
0xdc: {  	v18 =	vand.u32 $0x3FF, v11;
	v9 =	vshra.s32 v14, $0x14;
	[tilespmem:v13+s11+$0x0] =	vst.idx.add.s32.msk vm6, v1  }
0xdd: {  	v11 =	vshrl.u32 v14, $0xA;
	[tilespmem:v16+s11+$0x0] =	vst.idx.add.s32.msk vm7, v1  }
0xde: {  	v28 =	vshrl.u32 v26, $0xA;
	[tilespmem:v12+s11+$0x0] =	vst.idx.add.s32.msk vm5, v1  }
0xdf: {  	v13 =	vshrl.u32 v20, $0xA;
	v14 =	vshra.s32 v26, $0x14;
	v12 =	vshra.s32 v20, $0x14;
	[tilespmem:v8+s11+$0x0] =	vst.idx.add.s32.msk vm1, v1  }
0xe0: {  	v8 =	vshrl.u32 v17, $0xA;
	vm5 =	veq.s32 v12, v6;
	v12 =	vshra.s32 v19, $0x14;
	[tilespmem:v10+s11+$0x0] =	vst.idx.add.s32.msk vm2, v1  }
0xe1: {  	v10 =	vshra.s32 v17, $0x14;
	vm4 =	veq.s32 v12, v6;
	[tilespmem:v7+s11+$0x0] =	vst.idx.add.s32.msk vm3, v1;
	v7 =	vand.u32 $0x3FF, v8  }
0xe2: {  	v16 =	vshrl.u32 v29, $0xA;
	v8 =	vshra.s32 v25, $0x14;
	v12 =	vshra.s32 v15, $0x14;
	[tilespmem:v18+s11+$0x0] =	vst.idx.add.s32.msk vm0, v1  }
0xe3: {  	v17 =	vshrl.u32 v25, $0xA;
	vm1 =	veq.s32 v8, v6;
	v18 =	vand.u32 $0x3FF, v16;
	v21 =	vld [tilespmem:s19+$0xFFFFFFE0]  }
.Ltmp4:
0xe4: {  	v8 =	vand.u32 $0x3FF, v17;
	vm2 =	veq.s32 v12, v6;
	v16 =	vshra.s32 v29, $0x14;
	v22 =	vld [tilespmem:s19+$0xFFFFFFF0];
	(pc) =	sbr.rel @p1 .LBB2_11-.Ltmp4, $4  }
0xe5: {  	v17 =	vshrl.u32 v15, $0xA;
	v12 =	vshrl.u32 v27, $0xA;
	vm7 =	veq.s32 v16, v6;
	v16 =	vld [tilespmem:s19+$0x50]  }
0xe6: {  	v24 =	vshrl.u32 v19, $0xA;
	vm3 =	veq.s32 v10, v6;
	v15 =	vshra.s32 v27, $0x14;
	v19 =	vld [tilespmem:s19+$0x70]  }
0xe7: {  	vm6 =	veq.s32 v14, v6;
	v20 =	vand.u32 $0x3FF, v13;
	v10 =	vand.u32 $0x3FF, v17;
	v23 =	vld [tilespmem:s19+$0x60]  }
0xe8: {  	v17 =	vand.u32 $0x3FF, v28;
	v13 =	vshrl.u32 v21, $0xA;
	v14 =	vshra.s32 v21, $0x14;
	v21 =	vld [tilespmem:s19+$0x10];
	s19 =	sadd.s32 $0x100, s19  }
0xe9: {  	_ =	sdelay $0x4  }
0xea: {  	v25 =	vshra.s32 v22, $0x14;
	v50 =	vshrl.u32 v22, $0xA;
	[tilespmem:v18+s11+$0x0] =	vst.idx.add.s32.msk vm7, v1  }
0xeb: {  	v24 =	vand.u32 $0x3FF, v24;
	[tilespmem:v20+s11+$0x0] =	vst.idx.add.s32.msk vm5, v1;
	vm14 =	veq.s32 v9, v6;
	v11 =	vand.u32 $0x3FF, v11  }
0xec: {  	vm12 =	veq.s32 v14, v6;
	[tilespmem:v17+s11+$0x0] =	vst.idx.add.s32.msk vm6, v1;
	v13 =	vand.u32 $0x3FF, v13;
	vm13 =	veq.s32 v15, v6  }
0xed: {  	v12 =	vand.u32 $0x3FF, v12;
	[tilespmem:v8+s11+$0x0] =	vst.idx.add.s32.msk vm1, v1;
	vm0 =	veq.s32 v25, v6;
	v22 =	vand.u32 $0x3FF, v50  }
0xee: {  	[tilespmem:v10+s11+$0x0] =	vst.idx.add.s32.msk vm2, v1;
	v59 =	vshra.s32 v16, $0x14;
	v60 =	vshrl.u32 v16, $0xA;
	v56 =	vshra.s32 v19, $0x14  }
0xef: {  	[tilespmem:v7+s11+$0x0] =	vst.idx.add.s32.msk vm3, v1;
	v58 =	vshrl.u32 v19, $0xA;
	v51 =	vshra.s32 v23, $0x14;
	vm15 =	veq.s32 v56, v6  }
0xf0: {  	v52 =	vshrl.u32 v23, $0xA;
	v19 =	vand.u32 $0x3FF, v58;
	vm8 =	veq.s32 v51, v6;
	[tilespmem:v24+s11+$0x0] =	vst.idx.add.s32.msk vm4, v1  }
0xf1: {  	vm9 =	veq.s32 v59, v6;
	v53 =	vshra.s32 v21, $0x14;
	v54 =	vand.u32 $0x3FF, v52;
	[tilespmem:v11+s11+$0x0] =	vst.idx.add.s32.msk vm14, v1  }
0xf2: {  	v55 =	vshrl.u32 v21, $0xA;
	vm7 =	veq.s32 v53, v6;
	v6 =	vand.u32 $0x3FF, v60;
	[tilespmem:v13+s11+$0x0] =	vst.idx.add.s32.msk vm12, v1  }
0xf3: {  	v57 =	vand.u32 $0x3FF, v55;
	[tilespmem:v12+s11+$0x0] =	vst.idx.add.s32.msk vm13, v1  }
0xf4: {  	[tilespmem:v22+s11+$0x0] =	vst.idx.add.s32.msk vm0, v1  }
0xf5: {  	[tilespmem:v19+s11+$0x0] =	vst.idx.add.s32.msk vm15, v1  }
0xf6: {  	[tilespmem:v54+s11+$0x0] =	vst.idx.add.s32.msk vm8, v1  }
0xf7: {  	[tilespmem:v6+s11+$0x0] =	vst.idx.add.s32.msk vm9, v1  }
0xf8: {  	s19 =	simm.s32 $0x10000;
	[tilespmem:v57+s11+$0x0] =	vst.idx.add.s32.msk vm7, v1  }
0xf9: {  	v7 =	vld [tilespmem:s19+$0x0];
	_ =	sdelay $0x4  }
0xfa: {  	(xrf0) =	vadd.scan.msk.s32 $0xffff, v7;
	_ =	sdelay $0x5  }
0xfb: {  	s17 =	ssub.s32 $0x7333, s17;
	s18 =	simm.s32 $0x0;
	v8, _, _ =	vpop (xrf0)  }
0xfc: {  	p1 =	por $0x1, $0x1;
	vm0 =	vmmov vm10;
	v6 =	vmov s17;
	v61 =	vadd.s32 s18, v8  }
0xfd: {  	vm0 =	vmneg @p1 vm0;
	vm14 =	vge.s32 v61, v6  }
0xfe: {  	vm0 =	vmand vm0, vm14  }
0xff: {  	v62 =	vmctz.xlane vm0;
	_ =	sdelay $0x1  }
0x100: {  	v9 =	vxor.u32 $0x80000000, v62  }
0x101: {  	(xrf0) =	vmax.scan.msk.u32 $0xffff, v9;
	_ =	sdelay $0x5  }
0x102: {  	v9, _, _ =	vpop (xrf0)  }
0x103: {  	(v2sf) =	vpush v9, $0xF;
	_ =	sdelay $0xe  }
0x104: {  	s20 =	spop (v2sf)  }
0x105: {  	s25 =	sxor.u32 $0x80000000, s20  }
0x106: {  	v63 =	vmov s25  }
0x107: {  	vm15 =	vgt.s32 v63, v2  }
0x108: {  	v7 =	vnsel vm15, $0x0, v7  }
0x109: {  	(xrf0) =	vadd.scan.msk.s32 $0xffff, v7;
	_ =	sdelay $0x5  }
0x10a: {  	(v2sf) =	vpush v8, $0xF;
	v7, _, _ =	vpop (xrf0)  }
0x10b: {  	(v2sf) =	vpush v7, $0xF;
	_ =	sdelay $0x5  }
0x10c: {  	s22 =	simm.s32 $0x10010;
	s23 =	simm.s32 $0x80000020;
	s21 =	simm.s32 $0x0  }
0x10d: {  	s19 =	simm.s32 $0x80000010;
	s24 =	sadd.s32 $0x80000000, s20;
	s20 =	simm.s32 $0x0;
	v7 =	vld [tilespmem:s22+$0x0]  }
.LBB2_13:
0x10e: {  	p2 =	sne.s32 s23, $0x800003F0;
	_ =	sdelay $0x3  }
0x10f: {  	(xrf0) =	vadd.scan.msk.s32 $0xffff, v7;
	_ =	sdelay $0x1  }
0x110: {  	s26 =	spop (v2sf)  }
0x111: {  	p3 =	slt.s32 s25, $0x10;
	s25 =	spop (v2sf)  }
0x112: {  	p4 =	por !p1, !p3;
	s26 =	smov.u32 @p3 s25  }
0x113: {  	p3 =	por !p4, !p4;
	s26 =	simm.s32 @!p1 $0x0  }
0x114: {  	s18 =	smov.u32 @p3 s24;
	s20 =	simm.s32 @p3 $0x1;
	v8, _, _ =	vpop (xrf0);
	s21 =	sadd.s32 s21, s26  }
0x115: {  	vm1 =	vmmov vm10;
	p1 =	seq.s32 s20, $0x0;
	v9 =	vadd.s32 s21, v8  }
0x116: {  	vm1 =	vmneg @p1 vm1;
	vm0 =	vge.s32 v9, v6  }
0x117: {  	vm0 =	vmand vm1, vm0  }
0x118: {  	v9 =	vmctz.xlane vm0;
	_ =	sdelay $0x1  }
0x119: {  	v9 =	vxor.u32 $0x80000000, v9  }
0x11a: {  	(xrf0) =	vmax.scan.msk.u32 $0xffff, v9;
	_ =	sdelay $0x5  }
0x11b: {  	v9, _, _ =	vpop (xrf0)  }
0x11c: {  	(v2sf) =	vpush v9, $0xF;
	_ =	sdelay $0xe  }
0x11d: {  	s24 =	spop (v2sf)  }
0x11e: {  	s25 =	sxor.u32 $0x80000000, s24;
	s24 =	sadd.s32 s19, s24;
	s19 =	smov.u32 s23  }
0x11f: {  	v9 =	vmov s25  }
0x120: {  	vm0 =	vgt.s32 v9, v2  }
0x121: {  	v7 =	vnsel vm0, $0x0, v7  }
0x122: {  	(xrf0) =	vadd.scan.msk.s32 $0xffff, v7;
	_ =	sdelay $0x5  }
0x123: {  	(v2sf) =	vpush v8, $0xF;
	v7, _, _ =	vpop (xrf0)  }
0x124: {  	(v2sf) =	vpush v7, $0xF;
	_ =	sdelay $0x2  }
.Ltmp5:
0x125: {  	(pc) =	sbr.rel @p2 .LBB2_13-.Ltmp5, $3  }
0x126: {  	_ =	sdelay $0x1  }
0x127: {  	s22 =	sadd.s32 $0x10, s22  }
0x128: {  	s23 =	sadd.s32 $0x10, s23;
	v7 =	vld [tilespmem:s22+$0x0]  }
0x129: {  	_ =	sdelay $0x3  }
0x12a: {  	(xrf0) =	vadd.scan.msk.s32 $0xffff, v7;
	_ =	sdelay $0x1  }
0x12b: {  	s22 =	spop (v2sf)  }
0x12c: {  	p2 =	slt.s32 s25, $0x10;
	s23 =	spop (v2sf)  }
0x12d: {  	p3 =	por !p1, !p2;
	s22 =	smov.u32 @p2 s23  }
0x12e: {  	p2 =	por !p3, !p3;
	s22 =	simm.s32 @!p1 $0x0  }
0x12f: {  	s20 =	simm.s32 @p2 $0x1;
	v8, _, _ =	vpop (xrf0);
	s21 =	sadd.s32 s21, s22  }
0x130: {  	vm0 =	vmmov vm10;
	p1 =	seq.s32 s20, $0x0;
	v9 =	vadd.s32 s21, v8  }
0x131: {  	vm0 =	vmneg @p1 vm0;
	vm1 =	vge.s32 v9, v6  }
0x132: {  	vm0 =	vmand vm0, vm1  }
0x133: {  	v6 =	vmctz.xlane vm0;
	_ =	sdelay $0x1  }
0x134: {  	v6 =	vxor.u32 $0x80000000, v6  }
0x135: {  	(xrf0) =	vmax.scan.msk.u32 $0xffff, v6;
	_ =	sdelay $0x5  }
0x136: {  	v6, _, _ =	vpop (xrf0)  }
0x137: {  	(v2sf) =	vpush v6, $0xF;
	_ =	sdelay $0xe  }
0x138: {  	s30 =	spop (v2sf)  }
0x139: {  	s31 =	sxor.u32 $0x80000000, s30  }
0x13a: {  	v6 =	vmov s31  }
0x13b: {  	vm15 =	vgt.s32 v6, v2  }
0x13c: {  	v6 =	vnsel vm15, $0x0, v7  }
0x13d: {  	(xrf0) =	vadd.scan.msk.s32 $0xffff, v6;
	_ =	sdelay $0x5  }
0x13e: {  	(v2sf) =	vpush v8, $0xF;
	v6, _, _ =	vpop (xrf0)  }
0x13f: {  	(v2sf) =	vpush v6, $0xF;
	_ =	sdelay $0xd  }
0x140: {  	s23 =	spop (v2sf)  }
0x141: {  	s20 =	simm.s32 $0x10020;
	p3 =	slt.s32 s31, $0x10;
	s25 =	spop (v2sf)  }
0x142: {  	s18 =	smov.u32 @p2 s24;
	[tilespmem:s20+$0xFFFFFFE0] =	vst v0;
	p6 =	por !p1, !p3;
	s23 =	smov.u32 @p3 s25  }
0x143: {  	[tilespmem:s20+$0x10] =	vst v0;
	s19 =	sadd.s32 s19, s30;
	p2 =	por !p6, !p6;
	s23 =	simm.s32 @!p1 $0x0  }
0x144: {  	[tilespmem:s20+$0x0] =	vst v0;
	s18 =	smov.u32 @p2 s19;
	s19 =	sadd.s32 s21, s23;
	s21 =	simm.s32 $0x0  }
.LBB2_15:
0x145: {  	s21 =	sadd.s32 $0x4, s21  }
0x146: {  	[tilespmem:s20+$0xFFFFFFF0] =	vst v0;
	s20 =	sadd.s32 $0x40, s20;
	p1 =	slt.u32 s21, $0x3C  }
.Ltmp6:
0x147: {  	[tilespmem:s20+$0xFFFFFFE0] =	vst v0;
	(pc) =	sbr.rel @p1 .LBB2_15-.Ltmp6, $3  }
0x148: {  	_ =	sdelay $0x1  }
0x149: {  	[tilespmem:s20+$0x10] =	vst v0  }
0x14a: {  	[tilespmem:s20+$0x0] =	vst v0  }
0x14b: {  	s16 =	sshll.u32 s16, $0xA  }
0x14c: {  	[tilespmem:s20+$0xFFFFFFF0] =	vst v0;
	s18 =	sor.u32 s16, s18;
	s16 =	simm.s32 $0x80  }
0x14d: {  	v8 =	vld [tilespmem:s16+$0xFFFFFF80]  }
0x14e: {  	v7 =	vld [tilespmem:s16+$0xFFFFFFD0]  }
0x14f: {  	v9 =	vld [tilespmem:s16+$0xFFFFFFB0]  }
0x150: {  	v10 =	vld [tilespmem:s16+$0x70]  }
0x151: {  	v11 =	vld [tilespmem:s16+$0x60]  }
0x152: {  	v6 =	vmov s18;
	v14 =	vld [tilespmem:s16+$0x40];
	v13 =	vshra.s32 v8, $0xA  }
0x153: {  	v12 =	vld [tilespmem:s16+$0x50];
	vm0 =	veq.s32 v13, v6  }
0x154: {  	v50 =	vld [tilespmem:s16+$0x30];
	v8 =	vand.u32 $0x3FF, v8  }
0x155: {  	v15 =	vld [tilespmem:s16+$0x20]  }
0x156: {  	v17 =	vld [tilespmem:s16+$0x10];
	v16 =	vshra.s32 v10, $0xA  }
0x157: {  	v18 =	vld [tilespmem:s16+$0xFFFFFFF0];
	v19 =	vshra.s32 v14, $0xA;
	vm1 =	veq.s32 v16, v6  }
0x158: {  	v20 =	vld [tilespmem:s16+$0xFFFFFFE0];
	v10 =	vand.u32 $0x3FF, v10;
	vm2 =	veq.s32 v19, v6  }
0x159: {  	v21 =	vshra.s32 v50, $0xA;
	v52 =	vshra.s32 v12, $0xA;
	[tilespmem:v8+s11+$0x0] =	vst.idx.add.s32.msk vm0, v1;
	v8 =	vand.u32 $0x3FF, v14  }
0x15a: {  	v51 =	vld [tilespmem:s16+$0x0];
	v54 =	vshra.s32 v15, $0xA;
	v12 =	vand.u32 $0x3FF, v12;
	vm0 =	veq.s32 v21, v6  }
0x15b: {  	v53 =	vld [tilespmem:s16+$0xFFFFFFC0];
	v15 =	vand.u32 $0x3FF, v15;
	vm3 =	veq.s32 v52, v6;
	v13 =	vand.u32 $0x3FF, v50  }
0x15c: {  	v56 =	vld [tilespmem:s16+$0xFFFFFFA0];
	v57 =	vshra.s32 v18, $0xA;
	v22 =	vshra.s32 v17, $0xA;
	vm4 =	veq.s32 v54, v6  }
0x15d: {  	v58 =	vshra.s32 v20, $0xA;
	v61 =	vshra.s32 v7, $0xA;
	vm6 =	veq.s32 v57, v6;
	[tilespmem:v10+s11+$0x0] =	vst.idx.add.s32.msk vm1, v1  }
0x15e: {  	v10 =	vshra.s32 v11, $0xA;
	[tilespmem:v8+s11+$0x0] =	vst.idx.add.s32.msk vm2, v1;
	v8 =	vand.u32 $0x3FF, v18;
	vm2 =	veq.s32 v22, v6  }
0x15f: {  	v17 =	vand.u32 $0x3FF, v17;
	vm7 =	veq.s32 v61, v6;
	vm5 =	veq.s32 v10, v6;
	v10 =	vld [tilespmem:s16+$0xFFFFFF90]  }
0x160: {  	v55 =	vshra.s32 v51, $0xA;
	v63 =	vand.u32 $0x3FF, v7;
	[tilespmem:v13+s11+$0x0] =	vst.idx.add.s32.msk vm0, v1;
	vm0 =	veq.s32 v58, v6  }
0x161: {  	v59 =	vshra.s32 v53, $0xA;
	v60 =	vand.u32 $0x3FF, v20;
	vm1 =	veq.s32 v55, v6;
	[tilespmem:v12+s11+$0x0] =	vst.idx.add.s32.msk vm3, v1  }
0x162: {  	v16 =	vand.u32 $0x3FF, v51;
	vm3 =	veq.s32 v59, v6;
	[tilespmem:v15+s11+$0x0] =	vst.idx.add.s32.msk vm4, v1  }
0x163: {  	v62 =	vand.u32 $0x3FF, v53;
	v7 =	vshra.s32 v9, $0xA;
	[tilespmem:v8+s11+$0x0] =	vst.idx.add.s32.msk vm6, v1  }
0x164: {  	v11 =	vand.u32 $0x3FF, v11;
	v8 =	vshra.s32 v56, $0xA;
	[tilespmem:v17+s11+$0x0] =	vst.idx.add.s32.msk vm2, v1;
	vm2 =	veq.s32 v7, v6  }
0x165: {  	v9 =	vand.u32 $0x3FF, v9;
	[tilespmem:v63+s11+$0x0] =	vst.idx.add.s32.msk vm7, v1;
	v7 =	vshra.s32 v10, $0xA;
	vm4 =	veq.s32 v8, v6  }
0x166: {  	[tilespmem:v60+s11+$0x0] =	vst.idx.add.s32.msk vm0, v1;
	vm0 =	veq.s32 v7, v6;
	v7 =	vand.u32 $0x3FF, v56  }
0x167: {  	[tilespmem:v16+s11+$0x0] =	vst.idx.add.s32.msk vm1, v1;
	v8 =	vand.u32 $0x3FF, v10  }
0x168: {  	[tilespmem:v62+s11+$0x0] =	vst.idx.add.s32.msk vm3, v1  }
0x169: {  	s20 =	simm.s32 $0x0;
	[tilespmem:v11+s11+$0x0] =	vst.idx.add.s32.msk vm5, v1  }
.LBB2_17:
0x16a: {  	s20 =	sadd.s32 $0x10, s20;
	[tilespmem:v9+s11+$0x0] =	vst.idx.add.s32.msk vm2, v1;
	s16 =	sadd.s32 $0x100, s16  }
0x16b: {  	p1 =	slt.u32 s20, $0x7F0;
	[tilespmem:v7+s11+$0x0] =	vst.idx.add.s32.msk vm4, v1  }
0x16c: {  	[tilespmem:v8+s11+$0x0] =	vst.idx.add.s32.msk vm0, v1  }
0x16d: {  	v7 =	vld [tilespmem:s16+$0xFFFFFFD0]  }
0x16e: {  	v8 =	vld [tilespmem:s16+$0xFFFFFF80]  }
0x16f: {  	v9 =	vld [tilespmem:s16+$0xFFFFFFB0]  }
0x170: {  	v10 =	vld [tilespmem:s16+$0x70]  }
0x171: {  	v11 =	vld [tilespmem:s16+$0x60]  }
0x172: {  	v12 =	vld [tilespmem:s16+$0x50]  }
0x173: {  	v13 =	vshra.s32 v8, $0xA;
	v14 =	vld [tilespmem:s16+$0x40]  }
0x174: {  	vm0 =	veq.s32 v13, v6;
	v13 =	vld [tilespmem:s16+$0x30]  }
0x175: {  	v8 =	vand.u32 $0x3FF, v8;
	v15 =	vld [tilespmem:s16+$0x20];
	v16 =	vshra.s32 v10, $0xA  }
0x176: {  	v17 =	vld [tilespmem:s16+$0x10];
	v18 =	vshra.s32 v11, $0xA;
	vm3 =	veq.s32 v16, v6  }
0x177: {  	v10 =	vand.u32 $0x3FF, v10;
	v16 =	vld [tilespmem:s16+$0x0];
	v19 =	vshra.s32 v12, $0xA  }
0x178: {  	v11 =	vand.u32 $0x3FF, v11;
	vm1 =	veq.s32 v18, v6;
	v20 =	vld [tilespmem:s16+$0xFFFFFFF0];
	v21 =	vshra.s32 v14, $0xA  }
0x179: {  	vm2 =	veq.s32 v19, v6;
	v18 =	vld [tilespmem:s16+$0xFFFFFFE0];
	v22 =	vshra.s32 v13, $0xA;
	vm4 =	veq.s32 v21, v6  }
0x17a: {  	v14 =	vand.u32 $0x3FF, v14;
	[tilespmem:v8+s11+$0x0] =	vst.idx.add.s32.msk vm0, v1;
	v8 =	vand.u32 $0x3FF, v15;
	vm0 =	veq.s32 v22, v6  }
0x17b: {  	v13 =	vand.u32 $0x3FF, v13;
	v15 =	vshra.s32 v15, $0xA;
	v19 =	vld [tilespmem:s16+$0xFFFFFFC0];
	v21 =	vshra.s32 v17, $0xA  }
0x17c: {  	v12 =	vand.u32 $0x3FF, v12;
	vm5 =	veq.s32 v15, v6;
	v22 =	vshra.s32 v16, $0xA;
	[tilespmem:v10+s11+$0x0] =	vst.idx.add.s32.msk vm3, v1  }
0x17d: {  	vm3 =	veq.s32 v21, v6;
	v10 =	vld [tilespmem:s16+$0xFFFFFFA0];
	v15 =	vand.u32 $0x3FF, v20;
	vm6 =	veq.s32 v22, v6  }
0x17e: {  	v16 =	vand.u32 $0x3FF, v16;
	v20 =	vshra.s32 v20, $0xA;
	v21 =	vld [tilespmem:s16+$0xFFFFFF90];
	v22 =	vand.u32 $0x3FF, v18  }
0x17f: {  	v23 =	vand.u32 $0x3FF, v7;
	v18 =	vshra.s32 v18, $0xA;
	vm7 =	veq.s32 v20, v6;
	[tilespmem:v14+s11+$0x0] =	vst.idx.add.s32.msk vm4, v1  }
0x180: {  	v7 =	vshra.s32 v7, $0xA;
	v17 =	vand.u32 $0x3FF, v17;
	v14 =	vshra.s32 v19, $0xA;
	[tilespmem:v13+s11+$0x0] =	vst.idx.add.s32.msk vm0, v1  }
0x181: {  	vm9 =	veq.s32 v18, v6;
	v13 =	vshra.s32 v9, $0xA;
	vm8 =	veq.s32 v14, v6;
	[tilespmem:v12+s11+$0x0] =	vst.idx.add.s32.msk vm2, v1  }
0x182: {  	vm2 =	veq.s32 v13, v6;
	v13 =	vand.u32 $0x3FF, v19;
	v12 =	vshra.s32 v10, $0xA;
	[tilespmem:v8+s11+$0x0] =	vst.idx.add.s32.msk vm5, v1  }
0x183: {  	vm5 =	veq.s32 v7, v6;
	v8 =	vshra.s32 v21, $0xA;
	vm4 =	veq.s32 v12, v6;
	[tilespmem:v16+s11+$0x0] =	vst.idx.add.s32.msk vm6, v1  }
0x184: {  	v9 =	vand.u32 $0x3FF, v9;
	v7 =	vand.u32 $0x3FF, v10;
	vm0 =	veq.s32 v8, v6;
	[tilespmem:v11+s11+$0x0] =	vst.idx.add.s32.msk vm1, v1  }
.Ltmp7:
0x185: {  	v8 =	vand.u32 $0x3FF, v21;
	[tilespmem:v15+s11+$0x0] =	vst.idx.add.s32.msk vm7, v1;
	(pc) =	sbr.rel @p1 .LBB2_17-.Ltmp7, $4  }
0x186: {  	[tilespmem:v17+s11+$0x0] =	vst.idx.add.s32.msk vm3, v1  }
0x187: {  	[tilespmem:v22+s11+$0x0] =	vst.idx.add.s32.msk vm9, v1  }
0x188: {  	[tilespmem:v13+s11+$0x0] =	vst.idx.add.s32.msk vm8, v1  }
0x189: {  	[tilespmem:v23+s11+$0x0] =	vst.idx.add.s32.msk vm5, v1  }
0x18a: {  	_ =	sdelay $0x4  }
0x18b: {  	[tilespmem:v9+s11+$0x0] =	vst.idx.add.s32.msk vm2, v1  }
0x18c: {  	[tilespmem:v7+s11+$0x0] =	vst.idx.add.s32.msk vm4, v1  }
0x18d: {  	[tilespmem:v8+s11+$0x0] =	vst.idx.add.s32.msk vm0, v1;
	s31 =	simm.s32 $0x10000  }
0x18e: {  	v7 =	vld [tilespmem:s31+$0x0];
	_ =	sdelay $0x4  }
0x18f: {  	(xrf0) =	vadd.scan.msk.s32 $0xffff, v7;
	_ =	sdelay $0x5  }
0x190: {  	s16 =	ssub.s32 s17, s19;
	s17 =	simm.s32 $0x0;
	v8, _, _ =	vpop (xrf0)  }
0x191: {  	p1 =	por $0x1, $0x1;
	vm0 =	vmmov vm10;
	v6 =	vmov s16;
	v60 =	vadd.s32 s17, v8  }
0x192: {  	vm0 =	vmneg @p1 vm0;
	vm1 =	vge.s32 v60, v6  }
0x193: {  	vm0 =	vmand vm0, vm1  }
0x194: {  	v61 =	vmctz.xlane vm0;
	_ =	sdelay $0x1  }
0x195: {  	v9 =	vxor.u32 $0x80000000, v61  }
0x196: {  	(xrf0) =	vmax.scan.msk.u32 $0xffff, v9;
	_ =	sdelay $0x5  }
0x197: {  	v9, _, _ =	vpop (xrf0)  }
0x198: {  	(v2sf) =	vpush v9, $0xF;
	_ =	sdelay $0xe  }
0x199: {  	s20 =	spop (v2sf)  }
0x19a: {  	s26 =	sxor.u32 $0x80000000, s20  }
0x19b: {  	v62 =	vmov s26  }
0x19c: {  	vm14 =	vgt.s32 v62, v2  }
0x19d: {  	vm15 =	veq.s32 v62, v2;
	v63 =	vnsel vm14, $0x0, v7  }
0x19e: {  	v7 =	vnsel vm15, $0x0, v7;
	(xrf0) =	vadd.scan.msk.s32 $0xffff, v63  }
0x19f: {  	(xrf0) =	vadd.scan.msk.s32 $0xffff, v7;
	_ =	sdelay $0x4  }
0x1a0: {  	(v2sf) =	vpush v8, $0xF;
	v7, _, _ =	vpop (xrf0)  }
0x1a1: {  	(v2sf) =	vpush v7, $0xF;
	v7, _, _ =	vpop (xrf0)  }
0x1a2: {  	(v2sf) =	vpush v7, $0xF;
	_ =	sdelay $0x3  }
0x1a3: {  	s19 =	simm.s32 $0x80000010  }
0x1a4: {  	s23 =	simm.s32 $0x10010;
	s24 =	simm.s32 $0x80000020;
	s22 =	simm.s32 $0x0  }
0x1a5: {  	s21 =	simm.s32 $0x0;
	s25 =	sadd.s32 $0x80000000, s20;
	s20 =	simm.s32 $0x0;
	v7 =	vld [tilespmem:s23+$0x0]  }
.LBB2_19:
0x1a6: {  	p2 =	sne.s32 s24, $0x800003F0;
	_ =	sdelay $0x3  }
0x1a7: {  	(xrf0) =	vadd.scan.msk.s32 $0xffff, v7;
	_ =	sdelay $0x1  }
0x1a8: {  	s28 =	spop (v2sf)  }
0x1a9: {  	p3 =	slt.s32 s26, $0x10;
	s26 =	spop (v2sf)  }
0x1aa: {  	p4 =	por !p1, !p3;
	s28 =	smov.u32 @p3 s26;
	s26 =	spop (v2sf)  }
0x1ab: {  	p3 =	por !p4, !p4;
	s28 =	simm.s32 @!p1 $0x0  }
0x1ac: {  	s17 =	smov.u32 @p3 s26;
	s21 =	simm.s32 @p3 $0x1;
	v8, _, _ =	vpop (xrf0);
	s22 =	sadd.s32 s22, s28  }
0x1ad: {  	vm1 =	vmmov vm10;
	s20 =	smov.u32 @p3 s25;
	p1 =	seq.s32 s21, $0x0;
	v9 =	vadd.s32 s22, v8  }
0x1ae: {  	vm1 =	vmneg @p1 vm1;
	vm0 =	vge.s32 v9, v6  }
0x1af: {  	vm0 =	vmand vm1, vm0  }
0x1b0: {  	v9 =	vmctz.xlane vm0;
	_ =	sdelay $0x1  }
0x1b1: {  	v9 =	vxor.u32 $0x80000000, v9  }
0x1b2: {  	(xrf0) =	vmax.scan.msk.u32 $0xffff, v9;
	_ =	sdelay $0x5  }
0x1b3: {  	v9, _, _ =	vpop (xrf0)  }
0x1b4: {  	(v2sf) =	vpush v9, $0xF;
	_ =	sdelay $0xe  }
0x1b5: {  	s25 =	spop (v2sf)  }
0x1b6: {  	s26 =	sxor.u32 $0x80000000, s25;
	s25 =	sadd.s32 s19, s25;
	s19 =	smov.u32 s24  }
0x1b7: {  	v9 =	vmov s26  }
0x1b8: {  	vm0 =	vgt.s32 v9, v2;
	vm1 =	veq.s32 v9, v2  }
0x1b9: {  	v9 =	vnsel vm0, $0x0, v7;
	v7 =	vnsel vm1, $0x0, v7  }
0x1ba: {  	(xrf0) =	vadd.scan.msk.s32 $0xffff, v9  }
0x1bb: {  	(xrf0) =	vadd.scan.msk.s32 $0xffff, v7;
	_ =	sdelay $0x4  }
0x1bc: {  	(v2sf) =	vpush v8, $0xF;
	v7, _, _ =	vpop (xrf0)  }
0x1bd: {  	(v2sf) =	vpush v7, $0xF;
	v7, _, _ =	vpop (xrf0)  }
0x1be: {  	(v2sf) =	vpush v7, $0xF;
	_ =	sdelay $0x1  }
.Ltmp8:
0x1bf: {  	(pc) =	sbr.rel @p2 .LBB2_19-.Ltmp8, $3  }
0x1c0: {  	_ =	sdelay $0x1  }
0x1c1: {  	s23 =	sadd.s32 $0x10, s23  }
0x1c2: {  	s24 =	sadd.s32 $0x10, s24;
	v7 =	vld [tilespmem:s23+$0x0]  }
0x1c3: {  	_ =	sdelay $0x3  }
0x1c4: {  	(xrf0) =	vadd.scan.msk.s32 $0xffff, v7;
	_ =	sdelay $0x1  }
0x1c5: {  	s23 =	spop (v2sf)  }
0x1c6: {  	p2 =	slt.s32 s26, $0x10;
	s24 =	spop (v2sf)  }
0x1c7: {  	p3 =	por !p1, !p2;
	s23 =	smov.u32 @p2 s24  }
0x1c8: {  	p2 =	por !p3, !p3;
	s23 =	simm.s32 @!p1 $0x0  }
0x1c9: {  	s21 =	simm.s32 @p2 $0x1;
	v8, _, _ =	vpop (xrf0);
	s22 =	sadd.s32 s22, s23  }
0x1ca: {  	vm0 =	vmmov vm10;
	p1 =	seq.s32 s21, $0x0;
	v9 =	vadd.s32 s22, v8  }
0x1cb: {  	vm0 =	vmneg @p1 vm0;
	vm1 =	vge.s32 v9, v6  }
0x1cc: {  	vm0 =	vmand vm0, vm1  }
0x1cd: {  	v6 =	vmctz.xlane vm0;
	_ =	sdelay $0x1  }
0x1ce: {  	v6 =	vxor.u32 $0x80000000, v6  }
0x1cf: {  	(xrf0) =	vmax.scan.msk.u32 $0xffff, v6;
	_ =	sdelay $0x5  }
0x1d0: {  	v6, _, _ =	vpop (xrf0)  }
0x1d1: {  	(v2sf) =	vpush v6, $0xF;
	_ =	sdelay $0xd  }
0x1d2: {  	s23 =	spop (v2sf)  }
0x1d3: {  	s29 =	spop (v2sf)  }
0x1d4: {  	s30 =	sxor.u32 $0x80000000, s29  }
0x1d5: {  	s31 =	simm.s32 $0x80;
	p4 =	slt.s32 s30, $0x10  }
0x1d6: {  	v9 =	vld [tilespmem:s31+$0xFFFFFF80];
	p6 =	por !p1, !p4  }
0x1d7: {  	s20 =	smov.u32 @p2 s25;
	s19 =	sadd.s32 s19, s29;
	v10 =	vmov s30;
	p3 =	por !p6, !p6  }
0x1d8: {  	s18 =	sshll.u32 s18, $0xA;
	v11 =	vld [tilespmem:s31+$0xFFFFFF90];
	vm0 =	vgt.s32 v10, v2;
	s20 =	smov.u32 @p3 s19  }
0x1d9: {  	v12 =	vnsel vm0, $0x0, v7;
	s18 =	sor.u32 s18, s20  }
0x1da: {  	v13 =	vld [tilespmem:s31+$0xFFFFFFA0];
	(xrf0) =	vadd.scan.msk.s32 $0xffff, v12;
	v6 =	vmov s18  }
0x1db: {  	v62 =	vld [tilespmem:s31+$0xFFFFFFB0];
	vm0 =	vgt.s32 v9, v6  }
0x1dc: {  	vm1 =	veq.s32 v10, v2;
	v10 =	vimm.s32 $0x7F7FFFFF;
	v9 =	vnsel vm0, $0x7F7FFFFF, v9  }
0x1dd: {  	v7 =	vnsel vm1, $0x0, v7;
	vm1 =	vgt.s32 v11, v6;
	vm0 =	vlt.s32 v10, v9  }
0x1de: {  	(xrf0) =	vadd.scan.msk.s32 $0xffff, v7;
	v7 =	vsel vm0, v10, v9;
	v9 =	vnsel vm1, $0x7F7FFFFF, v11;
	v10 =	vld [tilespmem:s31+$0xFFFFFFC0]  }
0x1df: {  	(v2sf) =	vpush v8, $0xF;
	vm1 =	vgt.s32 v13, v6;
	vm0 =	vlt.s32 v7, v9  }
0x1e0: {  	v11 =	vld [tilespmem:s31+$0xFFFFFFD0];
	v8, _, _ =	vpop (xrf0);
	v7 =	vsel vm0, v7, v9;
	v9 =	vnsel vm1, $0x7F7FFFFF, v13;
	vm1 =	vgt.s32 v62, v6  }
0x1e1: {  	(v2sf) =	vpush v8, $0xF;
	vm0 =	vlt.s32 v7, v9;
	v8 =	vnsel vm1, $0x7F7FFFFF, v62  }
0x1e2: {  	v7 =	vsel vm0, v7, v9;
	v9 =	vld [tilespmem:s31+$0xFFFFFFE0]  }
0x1e3: {  	vm0 =	vlt.s32 v7, v8;
	vm1 =	vgt.s32 v10, v6  }
0x1e4: {  	v63 =	vld [tilespmem:s31+$0xFFFFFFF0];
	v7 =	vsel vm0, v7, v8;
	v8, _, _ =	vpop (xrf0);
	v10 =	vnsel vm1, $0x7F7FFFFF, v10  }
0x1e5: {  	vm1 =	vgt.s32 v11, v6;
	(v2sf) =	vpush v8, $0xF;
	vm0 =	vlt.s32 v7, v10  }
0x1e6: {  	v8 =	vnsel vm1, $0x7F7FFFFF, v11;
	v7 =	vsel vm0, v7, v10;
	v10 =	vld [tilespmem:s31+$0x0]  }
0x1e7: {  	vm0 =	vlt.s32 v7, v8;
	vm1 =	vgt.s32 v9, v6  }
0x1e8: {  	v7 =	vsel vm0, v7, v8;
	v8 =	vnsel vm1, $0x7F7FFFFF, v9;
	v9 =	vld [tilespmem:s31+$0x10]  }
0x1e9: {  	vm1 =	vgt.s32 v63, v6;
	vm0 =	vlt.s32 v7, v8  }
0x1ea: {  	v11 =	vld [tilespmem:s31+$0x20];
	v7 =	vsel vm0, v7, v8;
	v8 =	vnsel vm1, $0x7F7FFFFF, v63  }
0x1eb: {  	vm0 =	vlt.s32 v7, v8;
	vm1 =	vgt.s32 v10, v6  }
0x1ec: {  	v7 =	vsel vm0, v7, v8;
	v8 =	vnsel vm1, $0x7F7FFFFF, v10;
	v10 =	vld [tilespmem:s31+$0x30]  }
0x1ed: {  	vm0 =	vlt.s32 v7, v8;
	vm1 =	vgt.s32 v9, v6  }
0x1ee: {  	v7 =	vsel vm0, v7, v8;
	v8 =	vnsel vm1, $0x7F7FFFFF, v9;
	v9 =	vld [tilespmem:s31+$0x40]  }
0x1ef: {  	vm1 =	vgt.s32 v11, v6;
	vm0 =	vlt.s32 v7, v8  }
0x1f0: {  	v11 =	vnsel vm1, $0x7F7FFFFF, v11;
	v8 =	vsel vm0, v7, v8;
	v7 =	vld [tilespmem:s31+$0x50]  }
0x1f1: {  	s19 =	spop (v2sf);
	vm0 =	vlt.s32 v8, v11;
	vm1 =	vgt.s32 v10, v6  }
0x1f2: {  	s20 =	spop (v2sf);
	v11 =	vsel vm0, v8, v11;
	v10 =	vnsel vm1, $0x7F7FFFFF, v10;
	v8 =	vld [tilespmem:s31+$0x60]  }
0x1f3: {  	s21 =	simm.s32 $0x180;
	s19 =	smov.u32 @p4 s20;
	vm0 =	vlt.s32 v11, v10;
	vm1 =	vgt.s32 v9, v6  }
0x1f4: {  	s17 =	smov.u32 @p2 s23;
	s19 =	simm.s32 @!p1 $0x0;
	s20 =	spop (v2sf);
	v10 =	vsel vm0, v11, v10;
	v11 =	vnsel vm1, $0x7F7FFFFF, v9;
	v9 =	vld [tilespmem:s31+$0x70]  }
0x1f5: {  	s19 =	sadd.s32 s22, s19;
	s17 =	smov.u32 @p3 s20;
	s20 =	simm.s32 $0x0;
	vm0 =	vlt.s32 v10, v11;
	vm1 =	vgt.s32 v7, v6  }
.LBB2_21:
0x1f6: {  	v12 =	vld [tilespmem:s21+$0xFFFFFF80];
	s20 =	sadd.s32 $0x10, s20;
	v10 =	vsel vm0, v10, v11;
	v7 =	vnsel vm1, $0x7F7FFFFF, v7  }
0x1f7: {  	p1 =	slt.u32 s20, $0x7F0;
	vm0 =	vlt.s32 v10, v7;
	vm1 =	vgt.s32 v8, v6  }
0x1f8: {  	v11 =	vld [tilespmem:s21+$0xFFFFFF90];
	v7 =	vsel vm0, v10, v7;
	v8 =	vnsel vm1, $0x7F7FFFFF, v8  }
0x1f9: {  	vm0 =	vlt.s32 v7, v8;
	vm1 =	vgt.s32 v9, v6  }
0x1fa: {  	v10 =	vld [tilespmem:s21+$0xFFFFFFA0];
	v7 =	vsel vm0, v7, v8;
	v8 =	vnsel vm1, $0x7F7FFFFF, v9  }
0x1fb: {  	vm0 =	vgt.s32 v12, v6;
	vm1 =	vlt.s32 v7, v8  }
0x1fc: {  	v9 =	vnsel vm0, $0x7F7FFFFF, v12;
	v12 =	vld [tilespmem:s21+$0xFFFFFFB0];
	v7 =	vsel vm1, v7, v8  }
0x1fd: {  	vm0 =	vlt.s32 v7, v9;
	vm1 =	vgt.s32 v11, v6  }
0x1fe: {  	v7 =	vsel vm0, v7, v9;
	v8 =	vnsel vm1, $0x7F7FFFFF, v11;
	v9 =	vld [tilespmem:s21+$0xFFFFFFC0]  }
0x1ff: {  	vm0 =	vlt.s32 v7, v8;
	vm1 =	vgt.s32 v10, v6  }
0x200: {  	v7 =	vsel vm0, v7, v8;
	v8 =	vnsel vm1, $0x7F7FFFFF, v10;
	v10 =	vld [tilespmem:s21+$0xFFFFFFD0]  }
0x201: {  	vm0 =	vlt.s32 v7, v8;
	vm1 =	vgt.s32 v12, v6  }
0x202: {  	v7 =	vsel vm0, v7, v8;
	v8 =	vnsel vm1, $0x7F7FFFFF, v12;
	v11 =	vld [tilespmem:s21+$0xFFFFFFE0]  }
0x203: {  	vm0 =	vlt.s32 v7, v8;
	vm1 =	vgt.s32 v9, v6  }
0x204: {  	v7 =	vsel vm0, v7, v8;
	v8 =	vnsel vm1, $0x7F7FFFFF, v9;
	v9 =	vld [tilespmem:s21+$0xFFFFFFF0]  }
0x205: {  	vm0 =	vlt.s32 v7, v8;
	vm1 =	vgt.s32 v10, v6  }
0x206: {  	v7 =	vsel vm0, v7, v8;
	v8 =	vnsel vm1, $0x7F7FFFFF, v10;
	v10 =	vld [tilespmem:s21+$0x0]  }
0x207: {  	vm0 =	vlt.s32 v7, v8;
	vm1 =	vgt.s32 v11, v6  }
0x208: {  	v7 =	vsel vm0, v7, v8;
	v8 =	vnsel vm1, $0x7F7FFFFF, v11;
	v11 =	vld [tilespmem:s21+$0x10]  }
0x209: {  	vm0 =	vlt.s32 v7, v8;
	vm1 =	vgt.s32 v9, v6  }
0x20a: {  	v7 =	vsel vm0, v7, v8;
	v8 =	vnsel vm1, $0x7F7FFFFF, v9;
	v9 =	vld [tilespmem:s21+$0x20]  }
0x20b: {  	vm0 =	vlt.s32 v7, v8;
	vm1 =	vgt.s32 v10, v6  }
0x20c: {  	v7 =	vsel vm0, v7, v8;
	v8 =	vnsel vm1, $0x7F7FFFFF, v10;
	v10 =	vld [tilespmem:s21+$0x30]  }
0x20d: {  	vm0 =	vlt.s32 v7, v8;
	vm1 =	vgt.s32 v11, v6  }
0x20e: {  	v7 =	vsel vm0, v7, v8;
	v8 =	vnsel vm1, $0x7F7FFFFF, v11;
	v11 =	vld [tilespmem:s21+$0x40]  }
0x20f: {  	vm0 =	vlt.s32 v7, v8;
	vm1 =	vgt.s32 v9, v6  }
0x210: {  	v8 =	vsel vm0, v7, v8;
	v9 =	vnsel vm1, $0x7F7FFFFF, v9;
	v7 =	vld [tilespmem:s21+$0x50]  }
.Ltmp9:
0x211: {  	vm0 =	vlt.s32 v8, v9;
	vm1 =	vgt.s32 v10, v6;
	(pc) =	sbr.rel @p1 .LBB2_21-.Ltmp9, $4  }
0x212: {  	v9 =	vsel vm0, v8, v9;
	v10 =	vnsel vm1, $0x7F7FFFFF, v10;
	v8 =	vld [tilespmem:s21+$0x60]  }
0x213: {  	vm0 =	vlt.s32 v9, v10;
	vm1 =	vgt.s32 v11, v6  }
0x214: {  	v10 =	vsel vm0, v9, v10;
	v11 =	vnsel vm1, $0x7F7FFFFF, v11;
	v9 =	vld [tilespmem:s21+$0x70]  }
0x215: {  	s21 =	sadd.s32 $0x100, s21;
	vm0 =	vlt.s32 v10, v11;
	vm1 =	vgt.s32 v7, v6  }
0x216: {  	v10 =	vsel vm0, v10, v11;
	v7 =	vnsel vm1, $0x7F7FFFFF, v7  }
0x217: {  	vm0 =	vlt.s32 v10, v7;
	vm14 =	vgt.s32 v8, v6  }
0x218: {  	v7 =	vsel vm0, v10, v7;
	v8 =	vnsel vm14, $0x7F7FFFFF, v8  }
0x219: {  	s21 =	simm.s32 $0x10020;
	vm0 =	vlt.s32 v7, v8;
	vm15 =	vgt.s32 v9, v6  }
0x21a: {  	[tilespmem:s21+$0xFFFFFFE0] =	vst v0;
	v7 =	vsel vm0, v7, v8;
	v8 =	vnsel vm15, $0x7F7FFFFF, v9  }
0x21b: {  	[tilespmem:s21+$0x10] =	vst v0;
	vm0 =	vlt.s32 v7, v8  }
0x21c: {  	s22 =	simm.s32 $0x0;
	s20 =	simm.s32 $0x8080;
	[tilespmem:s21+$0x0] =	vst v0;
	v7 =	vsel vm0, v7, v8  }
.LBB2_23:
0x21d: {  	s22 =	sadd.s32 $0x4, s22  }
0x21e: {  	[tilespmem:s21+$0xFFFFFFF0] =	vst v0;
	s21 =	sadd.s32 $0x40, s21;
	p1 =	slt.u32 s22, $0x3C  }
.Ltmp10:
0x21f: {  	[tilespmem:s21+$0xFFFFFFE0] =	vst v0;
	(pc) =	sbr.rel @p1 .LBB2_23-.Ltmp10, $3  }
0x220: {  	_ =	sdelay $0x1  }
0x221: {  	[tilespmem:s21+$0x10] =	vst v0  }
0x222: {  	[tilespmem:s21+$0x0] =	vst v0  }
0x223: {  	[tilespmem:s21+$0xFFFFFFF0] =	vst v0  }
0x224: {  	v8 =	vld [tilespmem:s20+$0x0]  }
0x225: {  	v9 =	vld [tilespmem:s20+$0xFFFFFFF0]  }
0x226: {  	v10 =	vld [tilespmem:s20+$0xFFFFFF80]  }
0x227: {  	v11 =	vld [tilespmem:s20+$0x70]  }
0x228: {  	v12 =	vld [tilespmem:s20+$0xFFFFFF90]  }
0x229: {  	v13 =	vld [tilespmem:s20+$0xFFFFFFA0]  }
0x22a: {  	v15 =	vld [tilespmem:s20+$0x60]  }
0x22b: {  	v17 =	vld [tilespmem:s20+$0x40]  }
0x22c: {  	v18 =	vld [tilespmem:s20+$0x30]  }
0x22d: {  	v19 =	vld [tilespmem:s20+$0x20];
	v10 =	vshrl.u32 v10, $0x14  }
0x22e: {  	v20 =	vld [tilespmem:s20+$0x10];
	v11 =	vshrl.u32 v11, $0x14;
	v10 =	vand.u32 $0x3FF, v10  }
0x22f: {  	v14 =	vld [tilespmem:s20+$0xFFFFFFB0];
	v11 =	vand.u32 $0x3FF, v11  }
0x230: {  	v16 =	vld [tilespmem:s20+$0x50];
	v15 =	vshrl.u32 v15, $0x14  }
0x231: {  	v62 =	vld [tilespmem:s20+$0xFFFFFFD0];
	v61 =	vshrl.u32 v18, $0x14;
	v15 =	vand.u32 $0x3FF, v15  }
0x232: {  	s21 =	simm.s32 $0x10000;
	v21 =	vld [tilespmem:s20+$0xFFFFFFC0];
	v60 =	vshrl.u32 v17, $0x14;
	v19 =	vshrl.u32 v19, $0x14;
	v17 =	vand.u32 $0x3FF, v61  }
0x233: {  	v20 =	vshrl.u32 v20, $0x14;
	v19 =	vand.u32 $0x3FF, v19;
	[tilespmem:v10+s21+$0x0] =	vst.idx.add.s32.msk $0xffff, v1  }
0x234: {  	v8 =	vshrl.u32 v8, $0x14;
	v20 =	vand.u32 $0x3FF, v20;
	[tilespmem:v11+s21+$0x0] =	vst.idx.add.s32.msk $0xffff, v1  }
0x235: {  	v8 =	vand.u32 $0x3FF, v8;
	v10 =	vshrl.u32 v16, $0x14;
	v11 =	vld [tilespmem:s20+$0xFFFFFFE0]  }
0x236: {  	v9 =	vshrl.u32 v9, $0x14;
	[tilespmem:v15+s21+$0x0] =	vst.idx.add.s32.msk $0xffff, v1;
	v10 =	vand.u32 $0x3FF, v10  }
0x237: {  	v14 =	vshrl.u32 v14, $0x14;
	v9 =	vand.u32 $0x3FF, v9;
	[tilespmem:v17+s21+$0x0] =	vst.idx.add.s32.msk $0xffff, v1  }
0x238: {  	v13 =	vshrl.u32 v13, $0x14;
	v14 =	vand.u32 $0x3FF, v14;
	[tilespmem:v19+s21+$0x0] =	vst.idx.add.s32.msk $0xffff, v1  }
0x239: {  	v13 =	vand.u32 $0x3FF, v13;
	[tilespmem:v20+s21+$0x0] =	vst.idx.add.s32.msk $0xffff, v1  }
0x23a: {  	v63 =	vshrl.u32 v21, $0x14;
	v16 =	vand.u32 $0x3FF, v60;
	[tilespmem:v8+s21+$0x0] =	vst.idx.add.s32.msk $0xffff, v1  }
0x23b: {  	v15 =	vand.u32 $0x3FF, v63;
	[tilespmem:v10+s21+$0x0] =	vst.idx.add.s32.msk $0xffff, v1;
	v10 =	vshrl.u32 v11, $0x14  }
0x23c: {  	[tilespmem:v9+s21+$0x0] =	vst.idx.add.s32.msk $0xffff, v1;
	v11 =	vshrl.u32 v62, $0x14;
	v10 =	vand.u32 $0x3FF, v10  }
0x23d: {  	v8 =	vshrl.u32 v12, $0x14;
	[tilespmem:v14+s21+$0x0] =	vst.idx.add.s32.msk $0xffff, v1;
	v11 =	vand.u32 $0x3FF, v11  }
0x23e: {  	[tilespmem:v13+s21+$0x0] =	vst.idx.add.s32.msk $0xffff, v1;
	v8 =	vand.u32 $0x3FF, v8  }
0x23f: {  	[tilespmem:v16+s21+$0x0] =	vst.idx.add.s32.msk $0xffff, v1  }
0x240: {  	[tilespmem:v15+s21+$0x0] =	vst.idx.add.s32.msk $0xffff, v1  }
0x241: {  	[tilespmem:v10+s21+$0x0] =	vst.idx.add.s32.msk $0xffff, v1  }
0x242: {  	s22 =	simm.s32 $0x0;
	[tilespmem:v11+s21+$0x0] =	vst.idx.add.s32.msk $0xffff, v1  }
.LBB2_25:
0x243: {  	s22 =	sadd.s32 $0x10, s22;
	[tilespmem:v8+s21+$0x0] =	vst.idx.add.s32.msk $0xffff, v1;
	s20 =	sadd.s32 $0x100, s20  }
0x244: {  	v8 =	vld [tilespmem:s20+$0x0];
	p1 =	slt.u32 s22, $0x7F0  }
0x245: {  	v9 =	vld [tilespmem:s20+$0xFFFFFFF0]  }
0x246: {  	v10 =	vld [tilespmem:s20+$0xFFFFFF80]  }
0x247: {  	v11 =	vld [tilespmem:s20+$0x70]  }
0x248: {  	v12 =	vld [tilespmem:s20+$0xFFFFFF90]  }
0x249: {  	v13 =	vld [tilespmem:s20+$0xFFFFFFA0]  }
0x24a: {  	v14 =	vld [tilespmem:s20+$0xFFFFFFB0]  }
0x24b: {  	v10 =	vshrl.u32 v10, $0x14;
	v15 =	vld [tilespmem:s20+$0x60]  }
0x24c: {  	v10 =	vand.u32 $0x3FF, v10;
	v16 =	vld [tilespmem:s20+$0x50];
	v11 =	vshrl.u32 v11, $0x14  }
0x24d: {  	v17 =	vld [tilespmem:s20+$0x40];
	v11 =	vand.u32 $0x3FF, v11  }
0x24e: {  	v18 =	vld [tilespmem:s20+$0x30]  }
0x24f: {  	v19 =	vld [tilespmem:s20+$0x20]  }
0x250: {  	v20 =	vld [tilespmem:s20+$0x10];
	v15 =	vshrl.u32 v15, $0x14  }
0x251: {  	[tilespmem:v10+s21+$0x0] =	vst.idx.add.s32.msk $0xffff, v1;
	v10 =	vshrl.u32 v16, $0x14;
	v15 =	vand.u32 $0x3FF, v15  }
0x252: {  	v16 =	vshrl.u32 v17, $0x14;
	v10 =	vand.u32 $0x3FF, v10;
	[tilespmem:v11+s21+$0x0] =	vst.idx.add.s32.msk $0xffff, v1  }
0x253: {  	v11 =	vld [tilespmem:s20+$0xFFFFFFE0];
	v17 =	vshrl.u32 v18, $0x14;
	v16 =	vand.u32 $0x3FF, v16  }
0x254: {  	v18 =	vld [tilespmem:s20+$0xFFFFFFD0];
	v19 =	vshrl.u32 v19, $0x14;
	v17 =	vand.u32 $0x3FF, v17  }
0x255: {  	v21 =	vld [tilespmem:s20+$0xFFFFFFC0];
	v20 =	vshrl.u32 v20, $0x14;
	v19 =	vand.u32 $0x3FF, v19  }
0x256: {  	v8 =	vshrl.u32 v8, $0x14;
	v20 =	vand.u32 $0x3FF, v20;
	[tilespmem:v15+s21+$0x0] =	vst.idx.add.s32.msk $0xffff, v1  }
0x257: {  	v9 =	vshrl.u32 v9, $0x14;
	v8 =	vand.u32 $0x3FF, v8;
	[tilespmem:v10+s21+$0x0] =	vst.idx.add.s32.msk $0xffff, v1  }
0x258: {  	v9 =	vand.u32 $0x3FF, v9;
	v10 =	vshrl.u32 v11, $0x14;
	[tilespmem:v16+s21+$0x0] =	vst.idx.add.s32.msk $0xffff, v1  }
0x259: {  	v11 =	vshrl.u32 v18, $0x14;
	v10 =	vand.u32 $0x3FF, v10;
	[tilespmem:v17+s21+$0x0] =	vst.idx.add.s32.msk $0xffff, v1  }
0x25a: {  	v15 =	vshrl.u32 v21, $0x14;
	v11 =	vand.u32 $0x3FF, v11;
	[tilespmem:v19+s21+$0x0] =	vst.idx.add.s32.msk $0xffff, v1  }
0x25b: {  	v14 =	vshrl.u32 v14, $0x14;
	v15 =	vand.u32 $0x3FF, v15;
	[tilespmem:v20+s21+$0x0] =	vst.idx.add.s32.msk $0xffff, v1  }
0x25c: {  	v13 =	vshrl.u32 v13, $0x14;
	v14 =	vand.u32 $0x3FF, v14;
	[tilespmem:v8+s21+$0x0] =	vst.idx.add.s32.msk $0xffff, v1  }
0x25d: {  	v8 =	vshrl.u32 v12, $0x14;
	v12 =	vand.u32 $0x3FF, v13;
	[tilespmem:v9+s21+$0x0] =	vst.idx.add.s32.msk $0xffff, v1  }
.Ltmp11:
0x25e: {  	v8 =	vand.u32 $0x3FF, v8;
	[tilespmem:v10+s21+$0x0] =	vst.idx.add.s32.msk $0xffff, v1;
	(pc) =	sbr.rel @p1 .LBB2_25-.Ltmp11, $4  }
0x25f: {  	[tilespmem:v11+s21+$0x0] =	vst.idx.add.s32.msk $0xffff, v1  }
0x260: {  	[tilespmem:v15+s21+$0x0] =	vst.idx.add.s32.msk $0xffff, v1  }
0x261: {  	[tilespmem:v14+s21+$0x0] =	vst.idx.add.s32.msk $0xffff, v1  }
0x262: {  	[tilespmem:v12+s21+$0x0] =	vst.idx.add.s32.msk $0xffff, v1  }
0x263: {  	_ =	sdelay $0x3  }
0x264: {  	[tilespmem:v8+s21+$0x0] =	vst.idx.add.s32.msk $0xffff, v1  }
0x265: {  	v8 =	vld [tilespmem:s21+$0x0];
	_ =	sdelay $0x4  }
0x266: {  	(xrf0) =	vadd.scan.msk.s32 $0xffff, v8;
	_ =	sdelay $0x5  }
0x267: {  	s20 =	simm.s32 $0x0;
	v9, _, _ =	vpop (xrf0)  }
0x268: {  	p1 =	por $0x1, $0x1;
	vm0 =	vmmov vm10;
	v10 =	vadd.s32 s20, v9  }
0x269: {  	vm0 =	vmneg @p1 vm0;
	vm1 =	vgt.s32 v10, $0x7332  }
0x26a: {  	vm0 =	vmand vm0, vm1  }
0x26b: {  	v10 =	vmctz.xlane vm0;
	_ =	sdelay $0x1  }
0x26c: {  	v10 =	vxor.u32 $0x80000000, v10  }
0x26d: {  	(xrf0) =	vmax.scan.msk.u32 $0xffff, v10;
	_ =	sdelay $0x5  }
0x26e: {  	v10, _, _ =	vpop (xrf0)  }
0x26f: {  	(v2sf) =	vpush v10, $0xF;
	_ =	sdelay $0xe  }
0x270: {  	s22 =	spop (v2sf)  }
0x271: {  	s28 =	sxor.u32 $0x80000000, s22  }
0x272: {  	v10 =	vmov s28  }
0x273: {  	vm15 =	vgt.s32 v10, v2  }
0x274: {  	v8 =	vnsel vm15, $0x0, v8  }
0x275: {  	(xrf0) =	vadd.scan.msk.s32 $0xffff, v8;
	_ =	sdelay $0x5  }
0x276: {  	(v2sf) =	vpush v9, $0xF;
	v8, _, _ =	vpop (xrf0)  }
0x277: {  	(v2sf) =	vpush v8, $0xF;
	_ =	sdelay $0x5  }
0x278: {  	s24 =	simm.s32 $0x10010;
	s25 =	simm.s32 $0x80000020;
	s23 =	simm.s32 $0x0  }
0x279: {  	s21 =	simm.s32 $0x80000010;
	s26 =	sadd.s32 $0x80000000, s22;
	s22 =	simm.s32 $0x0;
	v8 =	vld [tilespmem:s24+$0x0]  }
.LBB2_27:
0x27a: {  	p2 =	sne.s32 s25, $0x800003F0;
	_ =	sdelay $0x3  }
0x27b: {  	(xrf0) =	vadd.scan.msk.s32 $0xffff, v8;
	_ =	sdelay $0x1  }
0x27c: {  	s29 =	spop (v2sf)  }
0x27d: {  	p3 =	slt.s32 s28, $0x10;
	s28 =	spop (v2sf)  }
0x27e: {  	p4 =	por !p1, !p3;
	s29 =	smov.u32 @p3 s28  }
0x27f: {  	p3 =	por !p4, !p4;
	s29 =	simm.s32 @!p1 $0x0  }
0x280: {  	s20 =	smov.u32 @p3 s26;
	s22 =	simm.s32 @p3 $0x1;
	v9, _, _ =	vpop (xrf0);
	s23 =	sadd.s32 s23, s29  }
0x281: {  	vm1 =	vmmov vm10;
	p1 =	seq.s32 s22, $0x0;
	v10 =	vadd.s32 s23, v9  }
0x282: {  	vm1 =	vmneg @p1 vm1;
	vm0 =	vgt.s32 v10, $0x7332  }
0x283: {  	vm0 =	vmand vm1, vm0  }
0x284: {  	v10 =	vmctz.xlane vm0;
	_ =	sdelay $0x1  }
0x285: {  	v10 =	vxor.u32 $0x80000000, v10  }
0x286: {  	(xrf0) =	vmax.scan.msk.u32 $0xffff, v10;
	_ =	sdelay $0x5  }
0x287: {  	v10, _, _ =	vpop (xrf0)  }
0x288: {  	(v2sf) =	vpush v10, $0xF;
	_ =	sdelay $0xe  }
0x289: {  	s26 =	spop (v2sf)  }
0x28a: {  	s28 =	sxor.u32 $0x80000000, s26;
	s26 =	sadd.s32 s21, s26;
	s21 =	smov.u32 s25  }
0x28b: {  	v10 =	vmov s28  }
0x28c: {  	vm0 =	vgt.s32 v10, v2  }
0x28d: {  	v8 =	vnsel vm0, $0x0, v8  }
0x28e: {  	(xrf0) =	vadd.scan.msk.s32 $0xffff, v8;
	_ =	sdelay $0x5  }
0x28f: {  	(v2sf) =	vpush v9, $0xF;
	v8, _, _ =	vpop (xrf0)  }
0x290: {  	(v2sf) =	vpush v8, $0xF;
	_ =	sdelay $0x2  }
.Ltmp12:
0x291: {  	(pc) =	sbr.rel @p2 .LBB2_27-.Ltmp12, $3  }
0x292: {  	_ =	sdelay $0x1  }
0x293: {  	s24 =	sadd.s32 $0x10, s24  }
0x294: {  	s25 =	sadd.s32 $0x10, s25;
	v8 =	vld [tilespmem:s24+$0x0]  }
0x295: {  	_ =	sdelay $0x3  }
0x296: {  	(xrf0) =	vadd.scan.msk.s32 $0xffff, v8;
	_ =	sdelay $0x1  }
0x297: {  	s24 =	spop (v2sf)  }
0x298: {  	p2 =	slt.s32 s28, $0x10;
	s25 =	spop (v2sf)  }
0x299: {  	p3 =	por !p1, !p2;
	s24 =	smov.u32 @p2 s25  }
0x29a: {  	p2 =	por !p3, !p3;
	s24 =	simm.s32 @!p1 $0x0  }
0x29b: {  	s22 =	simm.s32 @p2 $0x1;
	v9, _, _ =	vpop (xrf0);
	s23 =	sadd.s32 s23, s24  }
0x29c: {  	vm0 =	vmmov vm10;
	p1 =	seq.s32 s22, $0x0;
	v10 =	vadd.s32 s23, v9  }
0x29d: {  	vm0 =	vmneg @p1 vm0;
	vm1 =	vgt.s32 v10, $0x7332  }
0x29e: {  	vm0 =	vmand vm0, vm1  }
0x29f: {  	v62 =	vmctz.xlane vm0;
	_ =	sdelay $0x1  }
0x2a0: {  	v10 =	vxor.u32 $0x80000000, v62  }
0x2a1: {  	(xrf0) =	vmax.scan.msk.u32 $0xffff, v10;
	_ =	sdelay $0x5  }
0x2a2: {  	v10, _, _ =	vpop (xrf0)  }
0x2a3: {  	(v2sf) =	vpush v10, $0xF;
	_ =	sdelay $0xe  }
0x2a4: {  	s30 =	spop (v2sf)  }
0x2a5: {  	s31 =	sxor.u32 $0x80000000, s30  }
0x2a6: {  	v63 =	vmov s31  }
0x2a7: {  	vm15 =	vgt.s32 v63, v2  }
0x2a8: {  	v8 =	vnsel vm15, $0x0, v8  }
0x2a9: {  	(xrf0) =	vadd.scan.msk.s32 $0xffff, v8;
	_ =	sdelay $0x5  }
0x2aa: {  	(v2sf) =	vpush v9, $0xF;
	v8, _, _ =	vpop (xrf0)  }
0x2ab: {  	(v2sf) =	vpush v8, $0xF;
	_ =	sdelay $0xd  }
0x2ac: {  	s25 =	spop (v2sf)  }
0x2ad: {  	s22 =	simm.s32 $0x10020;
	p3 =	slt.s32 s31, $0x10;
	s28 =	spop (v2sf)  }
0x2ae: {  	s20 =	smov.u32 @p2 s26;
	[tilespmem:s22+$0xFFFFFFE0] =	vst v0;
	p6 =	por !p1, !p3;
	s25 =	smov.u32 @p3 s28  }
0x2af: {  	[tilespmem:s22+$0x10] =	vst v0;
	s21 =	sadd.s32 s21, s30;
	p2 =	por !p6, !p6;
	s25 =	simm.s32 @!p1 $0x0  }
0x2b0: {  	[tilespmem:s22+$0x0] =	vst v0;
	s20 =	smov.u32 @p2 s21;
	s21 =	sadd.s32 s23, s25;
	s23 =	simm.s32 $0x0  }
.LBB2_29:
0x2b1: {  	s23 =	sadd.s32 $0x4, s23  }
0x2b2: {  	[tilespmem:s22+$0xFFFFFFF0] =	vst v0;
	s22 =	sadd.s32 $0x40, s22;
	p1 =	slt.u32 s23, $0x3C  }
.Ltmp13:
0x2b3: {  	[tilespmem:s22+$0xFFFFFFE0] =	vst v0;
	(pc) =	sbr.rel @p1 .LBB2_29-.Ltmp13, $3  }
0x2b4: {  	_ =	sdelay $0x1  }
0x2b5: {  	[tilespmem:s22+$0x10] =	vst v0  }
0x2b6: {  	[tilespmem:s22+$0x0] =	vst v0  }
0x2b7: {  	[tilespmem:s22+$0xFFFFFFF0] =	vst v0;
	s23 =	simm.s32 $0x8080  }
0x2b8: {  	v9 =	vld [tilespmem:s23+$0xFFFFFF80]  }
0x2b9: {  	v12 =	vld [tilespmem:s23+$0x20]  }
0x2ba: {  	v14 =	vld [tilespmem:s23+$0xFFFFFFB0]  }
0x2bb: {  	v15 =	vld [tilespmem:s23+$0xFFFFFFC0]  }
0x2bc: {  	v16 =	vld [tilespmem:s23+$0x30]  }
0x2bd: {  	v10 =	vld [tilespmem:s23+$0xFFFFFF90]  }
0x2be: {  	v28 =	vld [tilespmem:s23+$0xFFFFFFE0]  }
0x2bf: {  	v8 =	vmov s20;
	v13 =	vld [tilespmem:s23+$0x0];
	v11 =	vshra.s32 v9, $0x14  }
0x2c0: {  	v9 =	vshrl.u32 v9, $0xA;
	v27 =	vshrl.u32 v12, $0xA;
	v22 =	vshrl.u32 v15, $0xA  }
0x2c1: {  	v20 =	vshrl.u32 v14, $0xA;
	v21 =	vshra.s32 v16, $0x14;
	v23 =	vshra.s32 v14, $0x14  }
0x2c2: {  	v17 =	vld [tilespmem:s23+$0x40];
	v14 =	vshra.s32 v10, $0x14;
	v10 =	vshrl.u32 v10, $0xA;
	v26 =	vshrl.u32 v16, $0xA  }
0x2c3: {  	v16 =	vshra.s32 v28, $0x14;
	vm0 =	veq.s32 v11, v8;
	v19 =	vand.u32 $0x3FF, v9  }
0x2c4: {  	v18 =	vld [tilespmem:s23+$0xFFFFFFA0];
	v11 =	vshra.s32 v13, $0x14;
	v13 =	vshrl.u32 v13, $0xA;
	v9 =	vshra.s32 v15, $0x14  }
0x2c5: {  	v15 =	vshra.s32 v12, $0x14;
	v12 =	vld [tilespmem:s23+$0xFFFFFFD0];
	vm4 =	veq.s32 v21, v8;
	vm1 =	veq.s32 v14, v8  }
0x2c6: {  	v24 =	vld [tilespmem:s23+$0xFFFFFFF0];
	v10 =	vand.u32 $0x3FF, v10;
	vm3 =	veq.s32 v23, v8;
	v22 =	vand.u32 $0x3FF, v22  }
0x2c7: {  	v25 =	vld [tilespmem:s23+$0x60];
	vm5 =	veq.s32 v9, v8;
	v9 =	vand.u32 $0x3FF, v20;
	v20 =	vshrl.u32 v17, $0xA  }
0x2c8: {  	v21 =	vld [tilespmem:s23+$0x70];
	v17 =	vshra.s32 v17, $0x14;
	vm6 =	veq.s32 v15, v8;
	v15 =	vshrl.u32 v28, $0xA  }
0x2c9: {  	v20 =	vand.u32 $0x3FF, v20;
	vm7 =	veq.s32 v17, v8;
	[tilespmem:v19+s11+$0x0] =	vst.idx.add.s32.msk vm0, v1;
	v19 =	vshra.s32 v18, $0x14  }
0x2ca: {  	v23 =	vld [tilespmem:s23+$0x10];
	v14 =	vshrl.u32 v12, $0xA;
	vm2 =	veq.s32 v19, v8;
	v19 =	vshrl.u32 v18, $0xA  }
0x2cb: {  	s22 =	simm.s32 $0x0;
	v17 =	vshra.s32 v12, $0x14;
	v18 =	vld [tilespmem:s23+$0x50];
	s23 =	simm.s32 $0x8180;
	v12 =	vand.u32 $0x3FF, v19;
	v19 =	vand.u32 $0x3FF, v27  }
.LBB2_31:
0x2cc: {  	v27 =	vld [tilespmem:s23+$0xFFFFFF90];
	s22 =	sadd.s32 $0x10, s22;
	v28 =	vshra.s32 v24, $0x14  }
0x2cd: {  	v24 =	vshrl.u32 v24, $0xA;
	v26 =	vand.u32 $0x3FF, v26;
	v29 =	vld [tilespmem:s23+$0xFFFFFFD0];
	p1 =	slt.u32 s22, $0x7F0;
	vm0 =	veq.s32 v28, v8  }
0x2ce: {  	v13 =	vand.u32 $0x3FF, v13;
	v24 =	vand.u32 $0x3FF, v24;
	v28 =	vld [tilespmem:s23+$0x20]  }
0x2cf: {  	v30 =	vshrl.u32 v21, $0xA;
	v21 =	vshra.s32 v21, $0x14;
	[tilespmem:v20+s11+$0x0] =	vst.idx.add.s32.msk vm7, v1;
	v20 =	vshrl.u32 v25, $0xA  }
0x2d0: {  	v32 =	vshrl.u32 v18, $0xA;
	v18 =	vshra.s32 v18, $0x14;
	v31 =	vld [tilespmem:s23+$0x40];
	v20 =	vand.u32 $0x3FF, v20  }
0x2d1: {  	vm7 =	veq.s32 v18, v8;
	[tilespmem:v22+s11+$0x0] =	vst.idx.add.s32.msk vm5, v1;
	vm5 =	veq.s32 v17, v8;
	v17 =	vshra.s32 v25, $0x14  }
0x2d2: {  	v14 =	vand.u32 $0x3FF, v14;
	v18 =	vand.u32 $0x3FF, v32;
	[tilespmem:v26+s11+$0x0] =	vst.idx.add.s32.msk vm4, v1;
	vm4 =	veq.s32 v17, v8  }
0x2d3: {  	vm8 =	veq.s32 v21, v8;
	v22 =	vshrl.u32 v23, $0xA;
	v23 =	vshra.s32 v23, $0x14;
	v17 =	vld [tilespmem:s23+$0xFFFFFFA0]  }
0x2d4: {  	v21 =	vand.u32 $0x3FF, v30;
	[tilespmem:v24+s11+$0x0] =	vst.idx.add.s32.msk vm0, v1;
	vm0 =	veq.s32 v23, v8  }
0x2d5: {  	vm9 =	veq.s32 v11, v8;
	v11 =	vand.u32 $0x3FF, v22;
	[tilespmem:v19+s11+$0x0] =	vst.idx.add.s32.msk vm6, v1  }
0x2d6: {  	v19 =	vld [tilespmem:s23+$0xFFFFFFB0]  }
0x2d7: {  	v22 =	vld [tilespmem:s23+$0xFFFFFFC0]  }
0x2d8: {  	v23 =	vld [tilespmem:s23+$0xFFFFFF80]  }
0x2d9: {  	vm6 =	veq.s32 v16, v8;
	[tilespmem:v20+s11+$0x0] =	vst.idx.add.s32.msk vm4, v1  }
0x2da: {  	v15 =	vand.u32 $0x3FF, v15;
	v16 =	vld [tilespmem:s23+$0x0]  }
0x2db: {  	[tilespmem:v11+s11+$0x0] =	vst.idx.add.s32.msk vm0, v1  }
0x2dc: {  	[tilespmem:v13+s11+$0x0] =	vst.idx.add.s32.msk vm9, v1  }
0x2dd: {  	v11 =	vshra.s32 v23, $0x14;
	[tilespmem:v21+s11+$0x0] =	vst.idx.add.s32.msk vm8, v1  }
0x2de: {  	v13 =	vshrl.u32 v23, $0xA;
	vm0 =	veq.s32 v11, v8;
	v21 =	vld [tilespmem:s23+$0x30]  }
0x2df: {  	v20 =	vand.u32 $0x3FF, v13;
	v11 =	vshra.s32 v16, $0x14;
	[tilespmem:v15+s11+$0x0] =	vst.idx.add.s32.msk vm6, v1  }
0x2e0: {  	v13 =	vshrl.u32 v16, $0xA;
	[tilespmem:v18+s11+$0x0] =	vst.idx.add.s32.msk vm7, v1  }
0x2e1: {  	v30 =	vshrl.u32 v28, $0xA;
	[tilespmem:v14+s11+$0x0] =	vst.idx.add.s32.msk vm5, v1  }
0x2e2: {  	v15 =	vshrl.u32 v22, $0xA;
	v16 =	vshra.s32 v28, $0x14;
	v14 =	vshra.s32 v22, $0x14;
	[tilespmem:v10+s11+$0x0] =	vst.idx.add.s32.msk vm1, v1  }
0x2e3: {  	v10 =	vshrl.u32 v19, $0xA;
	vm5 =	veq.s32 v14, v8;
	v14 =	vshra.s32 v21, $0x14;
	[tilespmem:v12+s11+$0x0] =	vst.idx.add.s32.msk vm2, v1  }
0x2e4: {  	v12 =	vshra.s32 v19, $0x14;
	vm4 =	veq.s32 v14, v8;
	[tilespmem:v9+s11+$0x0] =	vst.idx.add.s32.msk vm3, v1;
	v9 =	vand.u32 $0x3FF, v10  }
0x2e5: {  	v18 =	vshrl.u32 v31, $0xA;
	v10 =	vshra.s32 v27, $0x14;
	v14 =	vshra.s32 v17, $0x14;
	[tilespmem:v20+s11+$0x0] =	vst.idx.add.s32.msk vm0, v1  }
0x2e6: {  	v19 =	vshrl.u32 v27, $0xA;
	vm1 =	veq.s32 v10, v8;
	v20 =	vand.u32 $0x3FF, v18;
	v23 =	vld [tilespmem:s23+$0xFFFFFFE0]  }
.Ltmp14:
0x2e7: {  	v10 =	vand.u32 $0x3FF, v19;
	vm2 =	veq.s32 v14, v8;
	v18 =	vshra.s32 v31, $0x14;
	v24 =	vld [tilespmem:s23+$0xFFFFFFF0];
	(pc) =	sbr.rel @p1 .LBB2_31-.Ltmp14, $4  }
0x2e8: {  	v19 =	vshrl.u32 v17, $0xA;
	v14 =	vshrl.u32 v29, $0xA;
	vm7 =	veq.s32 v18, v8;
	v18 =	vld [tilespmem:s23+$0x50]  }
0x2e9: {  	v26 =	vshrl.u32 v21, $0xA;
	vm3 =	veq.s32 v12, v8;
	v17 =	vshra.s32 v29, $0x14;
	v21 =	vld [tilespmem:s23+$0x70]  }
0x2ea: {  	vm6 =	veq.s32 v16, v8;
	v22 =	vand.u32 $0x3FF, v15;
	v12 =	vand.u32 $0x3FF, v19;
	v25 =	vld [tilespmem:s23+$0x60]  }
0x2eb: {  	v19 =	vand.u32 $0x3FF, v30;
	v15 =	vshrl.u32 v23, $0xA;
	v16 =	vshra.s32 v23, $0x14;
	v23 =	vld [tilespmem:s23+$0x10];
	s23 =	sadd.s32 $0x100, s23  }
0x2ec: {  	_ =	sdelay $0x4  }
0x2ed: {  	v27 =	vshra.s32 v24, $0x14;
	v54 =	vshrl.u32 v24, $0xA;
	[tilespmem:v20+s11+$0x0] =	vst.idx.add.s32.msk vm7, v1  }
0x2ee: {  	v26 =	vand.u32 $0x3FF, v26;
	[tilespmem:v22+s11+$0x0] =	vst.idx.add.s32.msk vm5, v1;
	vm14 =	veq.s32 v11, v8;
	v13 =	vand.u32 $0x3FF, v13  }
0x2ef: {  	vm12 =	veq.s32 v16, v8;
	[tilespmem:v19+s11+$0x0] =	vst.idx.add.s32.msk vm6, v1;
	v15 =	vand.u32 $0x3FF, v15;
	vm13 =	veq.s32 v17, v8  }
0x2f0: {  	v14 =	vand.u32 $0x3FF, v14;
	[tilespmem:v10+s11+$0x0] =	vst.idx.add.s32.msk vm1, v1;
	vm0 =	veq.s32 v27, v8;
	v24 =	vand.u32 $0x3FF, v54  }
0x2f1: {  	[tilespmem:v12+s11+$0x0] =	vst.idx.add.s32.msk vm2, v1;
	v62 =	vshra.s32 v18, $0x14;
	v63 =	vshrl.u32 v18, $0xA;
	v60 =	vshra.s32 v21, $0x14  }
0x2f2: {  	[tilespmem:v9+s11+$0x0] =	vst.idx.add.s32.msk vm3, v1;
	v61 =	vshrl.u32 v21, $0xA;
	v55 =	vshra.s32 v25, $0x14;
	vm15 =	veq.s32 v60, v8  }
0x2f3: {  	v56 =	vshrl.u32 v25, $0xA;
	v21 =	vand.u32 $0x3FF, v61;
	vm8 =	veq.s32 v55, v8;
	[tilespmem:v26+s11+$0x0] =	vst.idx.add.s32.msk vm4, v1  }
0x2f4: {  	vm9 =	veq.s32 v62, v8;
	v57 =	vshra.s32 v23, $0x14;
	v58 =	vand.u32 $0x3FF, v56;
	[tilespmem:v13+s11+$0x0] =	vst.idx.add.s32.msk vm14, v1  }
0x2f5: {  	v59 =	vshrl.u32 v23, $0xA;
	vm7 =	veq.s32 v57, v8;
	v8 =	vand.u32 $0x3FF, v63;
	[tilespmem:v15+s11+$0x0] =	vst.idx.add.s32.msk vm12, v1  }
0x2f6: {  	v11 =	vand.u32 $0x3FF, v59;
	[tilespmem:v14+s11+$0x0] =	vst.idx.add.s32.msk vm13, v1  }
0x2f7: {  	[tilespmem:v24+s11+$0x0] =	vst.idx.add.s32.msk vm0, v1  }
0x2f8: {  	[tilespmem:v21+s11+$0x0] =	vst.idx.add.s32.msk vm15, v1  }
0x2f9: {  	[tilespmem:v58+s11+$0x0] =	vst.idx.add.s32.msk vm8, v1  }
0x2fa: {  	[tilespmem:v8+s11+$0x0] =	vst.idx.add.s32.msk vm9, v1  }
0x2fb: {  	s23 =	simm.s32 $0x10000;
	[tilespmem:v11+s11+$0x0] =	vst.idx.add.s32.msk vm7, v1  }
0x2fc: {  	v9 =	vld [tilespmem:s23+$0x0];
	_ =	sdelay $0x4  }
0x2fd: {  	(xrf0) =	vadd.scan.msk.s32 $0xffff, v9;
	_ =	sdelay $0x5  }
0x2fe: {  	s21 =	ssub.s32 $0x7333, s21;
	s22 =	simm.s32 $0x0;
	v10, _, _ =	vpop (xrf0)  }
0x2ff: {  	p1 =	por $0x1, $0x1;
	vm0 =	vmmov vm10;
	v8 =	vmov s21;
	v11 =	vadd.s32 s22, v10  }
0x300: {  	vm0 =	vmneg @p1 vm0;
	vm14 =	vge.s32 v11, v8  }
0x301: {  	vm0 =	vmand vm0, vm14  }
0x302: {  	v11 =	vmctz.xlane vm0;
	_ =	sdelay $0x1  }
0x303: {  	v11 =	vxor.u32 $0x80000000, v11  }
0x304: {  	(xrf0) =	vmax.scan.msk.u32 $0xffff, v11;
	_ =	sdelay $0x5  }
0x305: {  	v11, _, _ =	vpop (xrf0)  }
0x306: {  	(v2sf) =	vpush v11, $0xF;
	_ =	sdelay $0xe  }
0x307: {  	s24 =	spop (v2sf)  }
0x308: {  	s30 =	sxor.u32 $0x80000000, s24  }
0x309: {  	v11 =	vmov s30  }
0x30a: {  	vm15 =	vgt.s32 v11, v2  }
0x30b: {  	v9 =	vnsel vm15, $0x0, v9  }
0x30c: {  	(xrf0) =	vadd.scan.msk.s32 $0xffff, v9;
	_ =	sdelay $0x5  }
0x30d: {  	(v2sf) =	vpush v10, $0xF;
	v9, _, _ =	vpop (xrf0)  }
0x30e: {  	(v2sf) =	vpush v9, $0xF;
	_ =	sdelay $0x5  }
0x30f: {  	s26 =	simm.s32 $0x10010;
	s28 =	simm.s32 $0x80000020;
	s25 =	simm.s32 $0x0  }
0x310: {  	s23 =	simm.s32 $0x80000010;
	s29 =	sadd.s32 $0x80000000, s24;
	s24 =	simm.s32 $0x0;
	v9 =	vld [tilespmem:s26+$0x0]  }
.LBB2_33:
0x311: {  	p2 =	sne.s32 s28, $0x800003F0;
	_ =	sdelay $0x3  }
0x312: {  	(xrf0) =	vadd.scan.msk.s32 $0xffff, v9;
	_ =	sdelay $0x1  }
0x313: {  	s31 =	spop (v2sf)  }
0x314: {  	p3 =	slt.s32 s30, $0x10;
	s30 =	spop (v2sf)  }
0x315: {  	p4 =	por !p1, !p3;
	s31 =	smov.u32 @p3 s30  }
0x316: {  	p3 =	por !p4, !p4;
	s31 =	simm.s32 @!p1 $0x0  }
0x317: {  	s22 =	smov.u32 @p3 s29;
	s24 =	simm.s32 @p3 $0x1;
	v10, _, _ =	vpop (xrf0);
	s25 =	sadd.s32 s25, s31  }
0x318: {  	vm1 =	vmmov vm10;
	p1 =	seq.s32 s24, $0x0;
	v11 =	vadd.s32 s25, v10  }
0x319: {  	vm1 =	vmneg @p1 vm1;
	vm0 =	vge.s32 v11, v8  }
0x31a: {  	vm0 =	vmand vm1, vm0  }
0x31b: {  	v11 =	vmctz.xlane vm0;
	_ =	sdelay $0x1  }
0x31c: {  	v11 =	vxor.u32 $0x80000000, v11  }
0x31d: {  	(xrf0) =	vmax.scan.msk.u32 $0xffff, v11;
	_ =	sdelay $0x5  }
0x31e: {  	v11, _, _ =	vpop (xrf0)  }
0x31f: {  	(v2sf) =	vpush v11, $0xF;
	_ =	sdelay $0xe  }
0x320: {  	s29 =	spop (v2sf)  }
0x321: {  	s30 =	sxor.u32 $0x80000000, s29;
	s29 =	sadd.s32 s23, s29;
	s23 =	smov.u32 s28  }
0x322: {  	v11 =	vmov s30  }
0x323: {  	vm0 =	vgt.s32 v11, v2  }
0x324: {  	v9 =	vnsel vm0, $0x0, v9  }
0x325: {  	(xrf0) =	vadd.scan.msk.s32 $0xffff, v9;
	_ =	sdelay $0x5  }
0x326: {  	(v2sf) =	vpush v10, $0xF;
	v9, _, _ =	vpop (xrf0)  }
0x327: {  	(v2sf) =	vpush v9, $0xF;
	_ =	sdelay $0x2  }
.Ltmp15:
0x328: {  	(pc) =	sbr.rel @p2 .LBB2_33-.Ltmp15, $3  }
0x329: {  	_ =	sdelay $0x1  }
0x32a: {  	s26 =	sadd.s32 $0x10, s26  }
0x32b: {  	s28 =	sadd.s32 $0x10, s28;
	v9 =	vld [tilespmem:s26+$0x0]  }
0x32c: {  	_ =	sdelay $0x3  }
0x32d: {  	(xrf0) =	vadd.scan.msk.s32 $0xffff, v9;
	_ =	sdelay $0x1  }
0x32e: {  	s26 =	spop (v2sf)  }
0x32f: {  	p2 =	slt.s32 s30, $0x10;
	s28 =	spop (v2sf)  }
0x330: {  	p3 =	por !p1, !p2;
	s26 =	smov.u32 @p2 s28  }
0x331: {  	p2 =	por !p3, !p3;
	s26 =	simm.s32 @!p1 $0x0  }
0x332: {  	s24 =	simm.s32 @p2 $0x1;
	v10, _, _ =	vpop (xrf0);
	s25 =	sadd.s32 s25, s26  }
0x333: {  	vm0 =	vmmov vm10;
	p1 =	seq.s32 s24, $0x0;
	v11 =	vadd.s32 s25, v10  }
0x334: {  	vm0 =	vmneg @p1 vm0;
	vm1 =	vge.s32 v11, v8  }
0x335: {  	vm0 =	vmand vm0, vm1  }
0x336: {  	v8 =	vmctz.xlane vm0;
	_ =	sdelay $0x1  }
0x337: {  	v8 =	vxor.u32 $0x80000000, v8  }
0x338: {  	(xrf0) =	vmax.scan.msk.u32 $0xffff, v8;
	_ =	sdelay $0x5  }
0x339: {  	v8, _, _ =	vpop (xrf0)  }
0x33a: {  	(v2sf) =	vpush v8, $0xF;
	_ =	sdelay $0xe  }
0x33b: {  	s0 =	spop (v2sf)  }
0x33c: {  	s31 =	sxor.u32 $0x80000000, s0  }
0x33d: {  	v8 =	vmov s31  }
0x33e: {  	vm15 =	vgt.s32 v8, v2  }
0x33f: {  	v8 =	vnsel vm15, $0x0, v9  }
0x340: {  	(xrf0) =	vadd.scan.msk.s32 $0xffff, v8;
	_ =	sdelay $0x5  }
0x341: {  	(v2sf) =	vpush v10, $0xF;
	v8, _, _ =	vpop (xrf0)  }
0x342: {  	(v2sf) =	vpush v8, $0xF;
	_ =	sdelay $0xd  }
0x343: {  	s28 =	spop (v2sf)  }
0x344: {  	s24 =	simm.s32 $0x10020;
	p3 =	slt.s32 s31, $0x10;
	s30 =	spop (v2sf)  }
0x345: {  	s22 =	smov.u32 @p2 s29;
	[tilespmem:s24+$0xFFFFFFE0] =	vst v0;
	p6 =	por !p1, !p3;
	s28 =	smov.u32 @p3 s30  }
0x346: {  	[tilespmem:s24+$0x10] =	vst v0;
	s23 =	sadd.s32 s23, s0;
	p2 =	por !p6, !p6;
	s28 =	simm.s32 @!p1 $0x0  }
0x347: {  	[tilespmem:s24+$0x0] =	vst v0;
	s22 =	smov.u32 @p2 s23;
	s23 =	sadd.s32 s25, s28;
	s25 =	simm.s32 $0x0  }
.LBB2_35:
0x348: {  	s25 =	sadd.s32 $0x4, s25  }
0x349: {  	[tilespmem:s24+$0xFFFFFFF0] =	vst v0;
	s24 =	sadd.s32 $0x40, s24;
	p1 =	slt.u32 s25, $0x3C  }
.Ltmp16:
0x34a: {  	[tilespmem:s24+$0xFFFFFFE0] =	vst v0;
	(pc) =	sbr.rel @p1 .LBB2_35-.Ltmp16, $3  }
0x34b: {  	_ =	sdelay $0x1  }
0x34c: {  	[tilespmem:s24+$0x10] =	vst v0  }
0x34d: {  	[tilespmem:s24+$0x0] =	vst v0  }
0x34e: {  	s20 =	sshll.u32 s20, $0xA  }
0x34f: {  	[tilespmem:s24+$0xFFFFFFF0] =	vst v0;
	s22 =	sor.u32 s20, s22;
	s20 =	simm.s32 $0x8080  }
0x350: {  	v10 =	vld [tilespmem:s20+$0xFFFFFF80]  }
0x351: {  	v9 =	vld [tilespmem:s20+$0xFFFFFFD0]  }
0x352: {  	v11 =	vld [tilespmem:s20+$0xFFFFFFB0]  }
0x353: {  	v12 =	vld [tilespmem:s20+$0x70]  }
0x354: {  	v13 =	vld [tilespmem:s20+$0x60]  }
0x355: {  	v8 =	vmov s22;
	v16 =	vld [tilespmem:s20+$0x40];
	v15 =	vshra.s32 v10, $0xA  }
0x356: {  	v14 =	vld [tilespmem:s20+$0x50];
	vm0 =	veq.s32 v15, v8  }
0x357: {  	v48 =	vld [tilespmem:s20+$0x30];
	v10 =	vand.u32 $0x3FF, v10  }
0x358: {  	v17 =	vld [tilespmem:s20+$0x20]  }
0x359: {  	v19 =	vld [tilespmem:s20+$0x10]  }
0x35a: {  	v20 =	vld [tilespmem:s20+$0xFFFFFFF0];
	v21 =	vshra.s32 v16, $0xA  }
0x35b: {  	v49 =	vld [tilespmem:s20+$0x0];
	v18 =	vshra.s32 v12, $0xA;
	vm2 =	veq.s32 v21, v8  }
0x35c: {  	v23 =	vshra.s32 v48, $0xA;
	vm1 =	veq.s32 v18, v8;
	[tilespmem:v10+s11+$0x0] =	vst.idx.add.s32.msk vm0, v1;
	v10 =	vand.u32 $0x3FF, v16  }
0x35d: {  	v22 =	vld [tilespmem:s20+$0xFFFFFFE0];
	v12 =	vand.u32 $0x3FF, v12;
	v50 =	vshra.s32 v14, $0xA;
	vm0 =	veq.s32 v23, v8  }
0x35e: {  	v51 =	vld [tilespmem:s20+$0xFFFFFFC0];
	v52 =	vshra.s32 v17, $0xA;
	vm3 =	veq.s32 v50, v8;
	v15 =	vand.u32 $0x3FF, v48  }
0x35f: {  	v55 =	vld [tilespmem:s20+$0xFFFFFFA0];
	v14 =	vand.u32 $0x3FF, v14;
	v57 =	vshra.s32 v20, $0xA;
	vm4 =	veq.s32 v52, v8  }
0x360: {  	v56 =	vld [tilespmem:s20+$0xFFFFFF90];
	v17 =	vand.u32 $0x3FF, v17;
	v24 =	vshra.s32 v19, $0xA;
	vm6 =	veq.s32 v57, v8  }
0x361: {  	v54 =	vshra.s32 v13, $0xA;
	[tilespmem:v10+s11+$0x0] =	vst.idx.add.s32.msk vm2, v1;
	v10 =	vand.u32 $0x3FF, v20;
	vm2 =	veq.s32 v24, v8  }
0x362: {  	v58 =	vshra.s32 v22, $0xA;
	v19 =	vand.u32 $0x3FF, v19;
	vm5 =	veq.s32 v54, v8;
	[tilespmem:v12+s11+$0x0] =	vst.idx.add.s32.msk vm1, v1  }
0x363: {  	v13 =	vand.u32 $0x3FF, v13;
	v61 =	vshra.s32 v9, $0xA;
	[tilespmem:v15+s11+$0x0] =	vst.idx.add.s32.msk vm0, v1;
	vm0 =	veq.s32 v58, v8  }
0x364: {  	v53 =	vshra.s32 v49, $0xA;
	v60 =	vand.u32 $0x3FF, v22;
	vm7 =	veq.s32 v61, v8;
	[tilespmem:v14+s11+$0x0] =	vst.idx.add.s32.msk vm3, v1  }
0x365: {  	v59 =	vshra.s32 v51, $0xA;
	v63 =	vand.u32 $0x3FF, v9;
	vm1 =	veq.s32 v53, v8;
	[tilespmem:v17+s11+$0x0] =	vst.idx.add.s32.msk vm4, v1  }
0x366: {  	v9 =	vshra.s32 v11, $0xA;
	v18 =	vand.u32 $0x3FF, v49;
	vm3 =	veq.s32 v59, v8;
	[tilespmem:v10+s11+$0x0] =	vst.idx.add.s32.msk vm6, v1  }
0x367: {  	v62 =	vand.u32 $0x3FF, v51;
	v10 =	vshra.s32 v55, $0xA;
	[tilespmem:v19+s11+$0x0] =	vst.idx.add.s32.msk vm2, v1;
	vm2 =	veq.s32 v9, v8  }
0x368: {  	v11 =	vand.u32 $0x3FF, v11;
	[tilespmem:v13+s11+$0x0] =	vst.idx.add.s32.msk vm5, v1;
	v9 =	vshra.s32 v56, $0xA;
	vm4 =	veq.s32 v10, v8  }
0x369: {  	[tilespmem:v60+s11+$0x0] =	vst.idx.add.s32.msk vm0, v1;
	vm0 =	veq.s32 v9, v8;
	v9 =	vand.u32 $0x3FF, v55  }
0x36a: {  	[tilespmem:v63+s11+$0x0] =	vst.idx.add.s32.msk vm7, v1;
	v10 =	vand.u32 $0x3FF, v56  }
0x36b: {  	[tilespmem:v18+s11+$0x0] =	vst.idx.add.s32.msk vm1, v1  }
0x36c: {  	s24 =	simm.s32 $0x0;
	[tilespmem:v62+s11+$0x0] =	vst.idx.add.s32.msk vm3, v1  }
.LBB2_37:
0x36d: {  	s24 =	sadd.s32 $0x10, s24;
	[tilespmem:v11+s11+$0x0] =	vst.idx.add.s32.msk vm2, v1;
	s20 =	sadd.s32 $0x100, s20  }
0x36e: {  	p1 =	slt.u32 s24, $0x7F0;
	[tilespmem:v9+s11+$0x0] =	vst.idx.add.s32.msk vm4, v1  }
0x36f: {  	[tilespmem:v10+s11+$0x0] =	vst.idx.add.s32.msk vm0, v1  }
0x370: {  	v9 =	vld [tilespmem:s20+$0xFFFFFFD0]  }
0x371: {  	v10 =	vld [tilespmem:s20+$0xFFFFFF80]  }
0x372: {  	v11 =	vld [tilespmem:s20+$0xFFFFFFB0]  }
0x373: {  	v12 =	vld [tilespmem:s20+$0x70]  }
0x374: {  	v13 =	vld [tilespmem:s20+$0x60]  }
0x375: {  	v14 =	vld [tilespmem:s20+$0x50]  }
0x376: {  	v15 =	vshra.s32 v10, $0xA;
	v16 =	vld [tilespmem:s20+$0x40]  }
0x377: {  	vm0 =	veq.s32 v15, v8;
	v15 =	vld [tilespmem:s20+$0x30]  }
0x378: {  	v10 =	vand.u32 $0x3FF, v10;
	v17 =	vld [tilespmem:s20+$0x20];
	v18 =	vshra.s32 v12, $0xA  }
0x379: {  	v19 =	vld [tilespmem:s20+$0x10];
	v20 =	vshra.s32 v13, $0xA;
	vm3 =	veq.s32 v18, v8  }
0x37a: {  	v12 =	vand.u32 $0x3FF, v12;
	v18 =	vld [tilespmem:s20+$0x0];
	v21 =	vshra.s32 v14, $0xA  }
0x37b: {  	v13 =	vand.u32 $0x3FF, v13;
	vm1 =	veq.s32 v20, v8;
	v22 =	vld [tilespmem:s20+$0xFFFFFFF0];
	v23 =	vshra.s32 v16, $0xA  }
0x37c: {  	vm2 =	veq.s32 v21, v8;
	v20 =	vld [tilespmem:s20+$0xFFFFFFE0];
	v24 =	vshra.s32 v15, $0xA;
	vm4 =	veq.s32 v23, v8  }
0x37d: {  	v16 =	vand.u32 $0x3FF, v16;
	[tilespmem:v10+s11+$0x0] =	vst.idx.add.s32.msk vm0, v1;
	v10 =	vand.u32 $0x3FF, v17;
	vm0 =	veq.s32 v24, v8  }
0x37e: {  	v15 =	vand.u32 $0x3FF, v15;
	v17 =	vshra.s32 v17, $0xA;
	v21 =	vld [tilespmem:s20+$0xFFFFFFC0];
	v23 =	vshra.s32 v19, $0xA  }
0x37f: {  	v14 =	vand.u32 $0x3FF, v14;
	vm5 =	veq.s32 v17, v8;
	v24 =	vshra.s32 v18, $0xA;
	[tilespmem:v12+s11+$0x0] =	vst.idx.add.s32.msk vm3, v1  }
0x380: {  	vm3 =	veq.s32 v23, v8;
	v12 =	vld [tilespmem:s20+$0xFFFFFFA0];
	v17 =	vand.u32 $0x3FF, v22;
	vm6 =	veq.s32 v24, v8  }
0x381: {  	v18 =	vand.u32 $0x3FF, v18;
	v22 =	vshra.s32 v22, $0xA;
	v23 =	vld [tilespmem:s20+$0xFFFFFF90];
	v24 =	vand.u32 $0x3FF, v20  }
0x382: {  	v25 =	vand.u32 $0x3FF, v9;
	v20 =	vshra.s32 v20, $0xA;
	vm7 =	veq.s32 v22, v8;
	[tilespmem:v16+s11+$0x0] =	vst.idx.add.s32.msk vm4, v1  }
0x383: {  	v9 =	vshra.s32 v9, $0xA;
	v19 =	vand.u32 $0x3FF, v19;
	v16 =	vshra.s32 v21, $0xA;
	[tilespmem:v15+s11+$0x0] =	vst.idx.add.s32.msk vm0, v1  }
0x384: {  	vm9 =	veq.s32 v20, v8;
	v15 =	vshra.s32 v11, $0xA;
	vm8 =	veq.s32 v16, v8;
	[tilespmem:v14+s11+$0x0] =	vst.idx.add.s32.msk vm2, v1  }
0x385: {  	vm2 =	veq.s32 v15, v8;
	v15 =	vand.u32 $0x3FF, v21;
	v14 =	vshra.s32 v12, $0xA;
	[tilespmem:v10+s11+$0x0] =	vst.idx.add.s32.msk vm5, v1  }
0x386: {  	vm5 =	veq.s32 v9, v8;
	v10 =	vshra.s32 v23, $0xA;
	vm4 =	veq.s32 v14, v8;
	[tilespmem:v18+s11+$0x0] =	vst.idx.add.s32.msk vm6, v1  }
0x387: {  	v11 =	vand.u32 $0x3FF, v11;
	v9 =	vand.u32 $0x3FF, v12;
	vm0 =	veq.s32 v10, v8;
	[tilespmem:v13+s11+$0x0] =	vst.idx.add.s32.msk vm1, v1  }
.Ltmp17:
0x388: {  	v10 =	vand.u32 $0x3FF, v23;
	[tilespmem:v17+s11+$0x0] =	vst.idx.add.s32.msk vm7, v1;
	(pc) =	sbr.rel @p1 .LBB2_37-.Ltmp17, $4  }
0x389: {  	[tilespmem:v19+s11+$0x0] =	vst.idx.add.s32.msk vm3, v1  }
0x38a: {  	[tilespmem:v24+s11+$0x0] =	vst.idx.add.s32.msk vm9, v1  }
0x38b: {  	[tilespmem:v15+s11+$0x0] =	vst.idx.add.s32.msk vm8, v1  }
0x38c: {  	[tilespmem:v25+s11+$0x0] =	vst.idx.add.s32.msk vm5, v1  }
0x38d: {  	_ =	sdelay $0x4  }
0x38e: {  	[tilespmem:v11+s11+$0x0] =	vst.idx.add.s32.msk vm2, v1  }
0x38f: {  	[tilespmem:v9+s11+$0x0] =	vst.idx.add.s32.msk vm4, v1  }
0x390: {  	[tilespmem:v10+s11+$0x0] =	vst.idx.add.s32.msk vm0, v1;
	s26 =	simm.s32 $0x10000  }
0x391: {  	v9 =	vld [tilespmem:s26+$0x0];
	_ =	sdelay $0x4  }
0x392: {  	(xrf0) =	vadd.scan.msk.s32 $0xffff, v9;
	_ =	sdelay $0x5  }
0x393: {  	s21 =	ssub.s32 s21, s23;
	s20 =	simm.s32 $0x0;
	v10, _, _ =	vpop (xrf0)  }
0x394: {  	p1 =	por $0x1, $0x1;
	vm0 =	vmmov vm10;
	v8 =	vmov s21;
	v11 =	vadd.s32 s20, v10  }
0x395: {  	vm0 =	vmneg @p1 vm0;
	vm1 =	vge.s32 v11, v8  }
0x396: {  	vm0 =	vmand vm0, vm1  }
0x397: {  	v11 =	vmctz.xlane vm0;
	_ =	sdelay $0x1  }
0x398: {  	v11 =	vxor.u32 $0x80000000, v11  }
0x399: {  	(xrf0) =	vmax.scan.msk.u32 $0xffff, v11;
	_ =	sdelay $0x5  }
0x39a: {  	v11, _, _ =	vpop (xrf0)  }
0x39b: {  	(v2sf) =	vpush v11, $0xF;
	_ =	sdelay $0xe  }
0x39c: {  	s24 =	spop (v2sf)  }
0x39d: {  	s31 =	sxor.u32 $0x80000000, s24  }
0x39e: {  	v11 =	vmov s31  }
0x39f: {  	vm14 =	vgt.s32 v11, v2  }
0x3a0: {  	vm15 =	veq.s32 v11, v2;
	v11 =	vnsel vm14, $0x0, v9  }
0x3a1: {  	v9 =	vnsel vm15, $0x0, v9;
	(xrf0) =	vadd.scan.msk.s32 $0xffff, v11  }
0x3a2: {  	(xrf0) =	vadd.scan.msk.s32 $0xffff, v9;
	_ =	sdelay $0x4  }
0x3a3: {  	(v2sf) =	vpush v10, $0xF;
	v9, _, _ =	vpop (xrf0)  }
0x3a4: {  	(v2sf) =	vpush v9, $0xF;
	v9, _, _ =	vpop (xrf0)  }
0x3a5: {  	(v2sf) =	vpush v9, $0xF;
	_ =	sdelay $0x3  }
0x3a6: {  	s23 =	simm.s32 $0x80000010  }
0x3a7: {  	s28 =	simm.s32 $0x10010;
	s29 =	simm.s32 $0x80000020;
	s25 =	simm.s32 $0x0  }
0x3a8: {  	s26 =	simm.s32 $0x0;
	s30 =	sadd.s32 $0x80000000, s24;
	s24 =	simm.s32 $0x0;
	v9 =	vld [tilespmem:s28+$0x0]  }
.LBB2_39:
0x3a9: {  	p2 =	sne.s32 s29, $0x800003F0;
	_ =	sdelay $0x3  }
0x3aa: {  	(xrf0) =	vadd.scan.msk.s32 $0xffff, v9;
	_ =	sdelay $0x1  }
0x3ab: {  	s0 =	spop (v2sf)  }
0x3ac: {  	p3 =	slt.s32 s31, $0x10;
	s31 =	spop (v2sf)  }
0x3ad: {  	p4 =	por !p1, !p3;
	s0 =	smov.u32 @p3 s31;
	s31 =	spop (v2sf)  }
0x3ae: {  	p3 =	por !p4, !p4;
	s0 =	simm.s32 @!p1 $0x0  }
0x3af: {  	s20 =	smov.u32 @p3 s31;
	s25 =	simm.s32 @p3 $0x1;
	v10, _, _ =	vpop (xrf0);
	s26 =	sadd.s32 s26, s0  }
0x3b0: {  	vm1 =	vmmov vm10;
	s24 =	smov.u32 @p3 s30;
	p1 =	seq.s32 s25, $0x0;
	v11 =	vadd.s32 s26, v10  }
0x3b1: {  	vm1 =	vmneg @p1 vm1;
	vm0 =	vge.s32 v11, v8  }
0x3b2: {  	vm0 =	vmand vm1, vm0  }
0x3b3: {  	v11 =	vmctz.xlane vm0;
	_ =	sdelay $0x1  }
0x3b4: {  	v11 =	vxor.u32 $0x80000000, v11  }
0x3b5: {  	(xrf0) =	vmax.scan.msk.u32 $0xffff, v11;
	_ =	sdelay $0x5  }
0x3b6: {  	v11, _, _ =	vpop (xrf0)  }
0x3b7: {  	(v2sf) =	vpush v11, $0xF;
	_ =	sdelay $0xe  }
0x3b8: {  	s0 =	spop (v2sf)  }
0x3b9: {  	s31 =	sxor.u32 $0x80000000, s0;
	s30 =	sadd.s32 s23, s0;
	s23 =	smov.u32 s29  }
0x3ba: {  	v11 =	vmov s31  }
0x3bb: {  	vm0 =	vgt.s32 v11, v2;
	vm1 =	veq.s32 v11, v2  }
0x3bc: {  	v11 =	vnsel vm0, $0x0, v9;
	v9 =	vnsel vm1, $0x0, v9  }
0x3bd: {  	(xrf0) =	vadd.scan.msk.s32 $0xffff, v11  }
0x3be: {  	(xrf0) =	vadd.scan.msk.s32 $0xffff, v9;
	_ =	sdelay $0x4  }
0x3bf: {  	(v2sf) =	vpush v10, $0xF;
	v9, _, _ =	vpop (xrf0)  }
0x3c0: {  	(v2sf) =	vpush v9, $0xF;
	v9, _, _ =	vpop (xrf0)  }
0x3c1: {  	(v2sf) =	vpush v9, $0xF;
	_ =	sdelay $0x1  }
.Ltmp18:
0x3c2: {  	(pc) =	sbr.rel @p2 .LBB2_39-.Ltmp18, $3  }
0x3c3: {  	_ =	sdelay $0x1  }
0x3c4: {  	s28 =	sadd.s32 $0x10, s28  }
0x3c5: {  	s29 =	sadd.s32 $0x10, s29;
	v9 =	vld [tilespmem:s28+$0x0]  }
0x3c6: {  	_ =	sdelay $0x3  }
0x3c7: {  	(xrf0) =	vadd.scan.msk.s32 $0xffff, v9;
	_ =	sdelay $0x1  }
0x3c8: {  	s0 =	spop (v2sf)  }
0x3c9: {  	p2 =	slt.s32 s31, $0x10;
	s28 =	spop (v2sf)  }
0x3ca: {  	p3 =	por !p1, !p2;
	s0 =	smov.u32 @p2 s28  }
0x3cb: {  	p2 =	por !p3, !p3;
	s0 =	simm.s32 @!p1 $0x0  }
0x3cc: {  	s25 =	simm.s32 @p2 $0x1;
	v10, _, _ =	vpop (xrf0);
	s26 =	sadd.s32 s26, s0  }
0x3cd: {  	vm0 =	vmmov vm10;
	p1 =	seq.s32 s25, $0x0;
	v11 =	vadd.s32 s26, v10  }
0x3ce: {  	vm0 =	vmneg @p1 vm0;
	vm1 =	vge.s32 v11, v8  }
0x3cf: {  	vm0 =	vmand vm0, vm1  }
0x3d0: {  	v8 =	vmctz.xlane vm0;
	_ =	sdelay $0x1  }
0x3d1: {  	v8 =	vxor.u32 $0x80000000, v8  }
0x3d2: {  	(xrf0) =	vmax.scan.msk.u32 $0xffff, v8;
	_ =	sdelay $0x5  }
0x3d3: {  	v8, _, _ =	vpop (xrf0)  }
0x3d4: {  	(v2sf) =	vpush v8, $0xF;
	_ =	sdelay $0xd  }
0x3d5: {  	s28 =	spop (v2sf)  }
0x3d6: {  	s31 =	spop (v2sf)  }
0x3d7: {  	s29 =	sxor.u32 $0x80000000, s31  }
0x3d8: {  	s25 =	simm.s32 $0x8080;
	p4 =	slt.s32 s29, $0x10  }
0x3d9: {  	v8 =	vld [tilespmem:s25+$0xFFFFFF80];
	p6 =	por !p1, !p4  }
0x3da: {  	s24 =	smov.u32 @p2 s30;
	s0 =	sadd.s32 s23, s31;
	p3 =	por !p6, !p6  }
0x3db: {  	v12 =	vld [tilespmem:s25+$0xFFFFFF90];
	s31 =	sshll.u32 s22, $0xA;
	s24 =	smov.u32 @p3 s0  }
0x3dc: {  	v11 =	vmov s29;
	s22 =	sor.u32 s31, s24  }
0x3dd: {  	v15 =	vld [tilespmem:s25+$0xFFFFFFA0];
	vm0 =	vgt.s32 v11, v2;
	v13 =	vmov s22  }
0x3de: {  	v14 =	vnsel vm0, $0x0, v9;
	vm0 =	vgt.s32 v8, v13  }
0x3df: {  	vm1 =	veq.s32 v11, v2;
	v11 =	vimm.s32 $0x7F7FFFFF;
	(xrf0) =	vadd.scan.msk.s32 $0xffff, v14;
	v14 =	vld [tilespmem:s25+$0xFFFFFFB0];
	v8 =	vnsel vm0, $0x7F7FFFFF, v8  }
0x3e0: {  	v9 =	vnsel vm1, $0x0, v9;
	vm1 =	vgt.s32 v12, v13;
	vm0 =	vlt.s32 v11, v8  }
0x3e1: {  	(xrf0) =	vadd.scan.msk.s32 $0xffff, v9;
	v9 =	vnsel vm1, $0x7F7FFFFF, v12;
	v8 =	vsel vm0, v11, v8  }
0x3e2: {  	vm1 =	vgt.s32 v15, v13;
	v11 =	vld [tilespmem:s25+$0xFFFFFFC0];
	vm0 =	vlt.s32 v8, v9  }
0x3e3: {  	v8 =	vsel vm0, v8, v9;
	v9 =	vnsel vm1, $0x7F7FFFFF, v15  }
0x3e4: {  	v12 =	vld [tilespmem:s25+$0xFFFFFFD0];
	vm1 =	vgt.s32 v14, v13;
	vm0 =	vlt.s32 v8, v9  }
0x3e5: {  	(v2sf) =	vpush v10, $0xF;
	v10, _, _ =	vpop (xrf0);
	v8 =	vsel vm0, v8, v9;
	v9 =	vnsel vm1, $0x7F7FFFFF, v14  }
0x3e6: {  	(v2sf) =	vpush v10, $0xF;
	v10 =	vld [tilespmem:s25+$0xFFFFFFE0]  }
0x3e7: {  	vm0 =	vlt.s32 v8, v9;
	vm1 =	vgt.s32 v11, v13  }
0x3e8: {  	v14 =	vld [tilespmem:s25+$0xFFFFFFF0];
	v8 =	vsel vm0, v8, v9;
	v11 =	vnsel vm1, $0x7F7FFFFF, v11;
	v9, _, _ =	vpop (xrf0)  }
0x3e9: {  	vm1 =	vgt.s32 v12, v13;
	vm0 =	vlt.s32 v8, v11;
	(v2sf) =	vpush v9, $0xF  }
0x3ea: {  	v8 =	vsel vm0, v8, v11;
	v9 =	vnsel vm1, $0x7F7FFFFF, v12;
	v11 =	vld [tilespmem:s25+$0x0]  }
0x3eb: {  	vm1 =	vgt.s32 v10, v13;
	vm0 =	vlt.s32 v8, v9  }
0x3ec: {  	v8 =	vsel vm0, v8, v9;
	v9 =	vnsel vm1, $0x7F7FFFFF, v10;
	v10 =	vld [tilespmem:s25+$0x10]  }
0x3ed: {  	vm1 =	vgt.s32 v14, v13;
	vm0 =	vlt.s32 v8, v9  }
0x3ee: {  	v12 =	vld [tilespmem:s25+$0x20];
	v8 =	vsel vm0, v8, v9;
	v9 =	vnsel vm1, $0x7F7FFFFF, v14  }
0x3ef: {  	vm0 =	vlt.s32 v8, v9;
	vm1 =	vgt.s32 v11, v13  }
0x3f0: {  	v8 =	vsel vm0, v8, v9;
	v9 =	vnsel vm1, $0x7F7FFFFF, v11;
	v11 =	vld [tilespmem:s25+$0x30]  }
0x3f1: {  	vm0 =	vlt.s32 v8, v9;
	vm1 =	vgt.s32 v10, v13  }
0x3f2: {  	v8 =	vsel vm0, v8, v9;
	v9 =	vnsel vm1, $0x7F7FFFFF, v10;
	v10 =	vld [tilespmem:s25+$0x40]  }
0x3f3: {  	vm1 =	vgt.s32 v12, v13;
	vm0 =	vlt.s32 v8, v9  }
0x3f4: {  	s0 =	spop (v2sf);
	v12 =	vnsel vm1, $0x7F7FFFFF, v12;
	v9 =	vsel vm0, v8, v9;
	v8 =	vld [tilespmem:s25+$0x50]  }
0x3f5: {  	s23 =	spop (v2sf);
	vm0 =	vlt.s32 v9, v12;
	vm1 =	vgt.s32 v11, v13  }
0x3f6: {  	s0 =	smov.u32 @p4 s23;
	v12 =	vsel vm0, v9, v12;
	v11 =	vnsel vm1, $0x7F7FFFFF, v11;
	v9 =	vld [tilespmem:s25+$0x60]  }
0x3f7: {  	s0 =	simm.s32 @!p1 $0x0;
	vm0 =	vlt.s32 v12, v11;
	vm1 =	vgt.s32 v10, v13  }
0x3f8: {  	s20 =	smov.u32 @p2 s28;
	s23 =	sadd.s32 s26, s0;
	v11 =	vsel vm0, v12, v11;
	v12 =	vnsel vm1, $0x7F7FFFFF, v10;
	v10 =	vld [tilespmem:s25+$0x70];
	s24 =	spop (v2sf)  }
0x3f9: {  	s25 =	simm.s32 $0x8180;
	vm0 =	vlt.s32 v11, v12;
	vm1 =	vgt.s32 v8, v13;
	s20 =	smov.u32 @p3 s24;
	s24 =	simm.s32 $0x0  }
.LBB2_41:
0x3fa: {  	v14 =	vld [tilespmem:s25+$0xFFFFFF80];
	s24 =	sadd.s32 $0x10, s24;
	v11 =	vsel vm0, v11, v12;
	v8 =	vnsel vm1, $0x7F7FFFFF, v8  }
0x3fb: {  	p1 =	slt.u32 s24, $0x7F0;
	vm0 =	vlt.s32 v11, v8;
	vm1 =	vgt.s32 v9, v13  }
0x3fc: {  	v12 =	vld [tilespmem:s25+$0xFFFFFF90];
	v8 =	vsel vm0, v11, v8;
	v9 =	vnsel vm1, $0x7F7FFFFF, v9  }
0x3fd: {  	vm0 =	vlt.s32 v8, v9;
	vm1 =	vgt.s32 v10, v13  }
0x3fe: {  	v11 =	vld [tilespmem:s25+$0xFFFFFFA0];
	v8 =	vsel vm0, v8, v9;
	v9 =	vnsel vm1, $0x7F7FFFFF, v10  }
0x3ff: {  	vm0 =	vgt.s32 v14, v13;
	vm1 =	vlt.s32 v8, v9  }
0x400: {  	v10 =	vnsel vm0, $0x7F7FFFFF, v14;
	v14 =	vld [tilespmem:s25+$0xFFFFFFB0];
	v8 =	vsel vm1, v8, v9  }
0x401: {  	vm0 =	vlt.s32 v8, v10;
	vm1 =	vgt.s32 v12, v13  }
0x402: {  	v8 =	vsel vm0, v8, v10;
	v9 =	vnsel vm1, $0x7F7FFFFF, v12;
	v10 =	vld [tilespmem:s25+$0xFFFFFFC0]  }
0x403: {  	vm0 =	vlt.s32 v8, v9;
	vm1 =	vgt.s32 v11, v13  }
0x404: {  	v8 =	vsel vm0, v8, v9;
	v9 =	vnsel vm1, $0x7F7FFFFF, v11;
	v11 =	vld [tilespmem:s25+$0xFFFFFFD0]  }
0x405: {  	vm0 =	vlt.s32 v8, v9;
	vm1 =	vgt.s32 v14, v13  }
0x406: {  	v8 =	vsel vm0, v8, v9;
	v9 =	vnsel vm1, $0x7F7FFFFF, v14;
	v12 =	vld [tilespmem:s25+$0xFFFFFFE0]  }
0x407: {  	vm0 =	vlt.s32 v8, v9;
	vm1 =	vgt.s32 v10, v13  }
0x408: {  	v8 =	vsel vm0, v8, v9;
	v9 =	vnsel vm1, $0x7F7FFFFF, v10;
	v10 =	vld [tilespmem:s25+$0xFFFFFFF0]  }
0x409: {  	vm0 =	vlt.s32 v8, v9;
	vm1 =	vgt.s32 v11, v13  }
0x40a: {  	v8 =	vsel vm0, v8, v9;
	v9 =	vnsel vm1, $0x7F7FFFFF, v11;
	v11 =	vld [tilespmem:s25+$0x0]  }
0x40b: {  	vm0 =	vlt.s32 v8, v9;
	vm1 =	vgt.s32 v12, v13  }
0x40c: {  	v8 =	vsel vm0, v8, v9;
	v9 =	vnsel vm1, $0x7F7FFFFF, v12;
	v12 =	vld [tilespmem:s25+$0x10]  }
0x40d: {  	vm0 =	vlt.s32 v8, v9;
	vm1 =	vgt.s32 v10, v13  }
0x40e: {  	v8 =	vsel vm0, v8, v9;
	v9 =	vnsel vm1, $0x7F7FFFFF, v10;
	v10 =	vld [tilespmem:s25+$0x20]  }
0x40f: {  	vm0 =	vlt.s32 v8, v9;
	vm1 =	vgt.s32 v11, v13  }
0x410: {  	v8 =	vsel vm0, v8, v9;
	v9 =	vnsel vm1, $0x7F7FFFFF, v11;
	v11 =	vld [tilespmem:s25+$0x30]  }
0x411: {  	vm0 =	vlt.s32 v8, v9;
	vm1 =	vgt.s32 v12, v13  }
0x412: {  	v8 =	vsel vm0, v8, v9;
	v9 =	vnsel vm1, $0x7F7FFFFF, v12;
	v12 =	vld [tilespmem:s25+$0x40]  }
0x413: {  	vm0 =	vlt.s32 v8, v9;
	vm1 =	vgt.s32 v10, v13  }
0x414: {  	v9 =	vsel vm0, v8, v9;
	v10 =	vnsel vm1, $0x7F7FFFFF, v10;
	v8 =	vld [tilespmem:s25+$0x50]  }
.Ltmp19:
0x415: {  	vm0 =	vlt.s32 v9, v10;
	vm1 =	vgt.s32 v11, v13;
	(pc) =	sbr.rel @p1 .LBB2_41-.Ltmp19, $4  }
0x416: {  	v10 =	vsel vm0, v9, v10;
	v11 =	vnsel vm1, $0x7F7FFFFF, v11;
	v9 =	vld [tilespmem:s25+$0x60]  }
0x417: {  	vm0 =	vlt.s32 v10, v11;
	vm1 =	vgt.s32 v12, v13  }
0x418: {  	v11 =	vsel vm0, v10, v11;
	v12 =	vnsel vm1, $0x7F7FFFFF, v12;
	v10 =	vld [tilespmem:s25+$0x70]  }
0x419: {  	s25 =	sadd.s32 $0x100, s25;
	vm0 =	vlt.s32 v11, v12;
	vm1 =	vgt.s32 v8, v13  }
0x41a: {  	v11 =	vsel vm0, v11, v12;
	v8 =	vnsel vm1, $0x7F7FFFFF, v8  }
0x41b: {  	vm0 =	vlt.s32 v11, v8;
	vm1 =	vgt.s32 v9, v13  }
0x41c: {  	v8 =	vsel vm0, v11, v8;
	v9 =	vnsel vm1, $0x7F7FFFFF, v9  }
0x41d: {  	vm0 =	vlt.s32 v8, v9;
	vm1 =	vgt.s32 v10, v13  }
0x41e: {  	v8 =	vsel vm0, v8, v9;
	v9 =	vnsel vm1, $0x7F7FFFFF, v10  }
0x41f: {  	vm0 =	vlt.s32 v8, v9  }
0x420: {  	v7 =	vxor.u32 $0x80000000, v7;
	v8 =	vsel vm0, v8, v9  }
0x421: {  	(xrf0) =	vmin.scan.msk.u32 $0xffff, v7;
	v7 =	vxor.u32 $0x80000000, v8  }
0x422: {  	(xrf0) =	vmin.scan.msk.u32 $0xffff, v7;
	_ =	sdelay $0x4  }
0x423: {  	v7, _, _ =	vpop (xrf0)  }
0x424: {  	(v2sf) =	vpush v7, $0xF;
	v7, _, _ =	vpop (xrf0)  }
0x425: {  	(v2sf) =	vpush v7, $0xF;
	_ =	sdelay $0x5  }
0x426: {  	v7 =	vmul.u32 $0x4, v2;
	_ =	sdelay $0x1  }
0x427: {  	s0 =	simm.s32 $0xC0;
	v8 =	vor.u32 $0x43, v7  }
0x428: {  	v9 =	vor.u32 $0x42, v7;
	v12 =	vor.u32 s0, v8  }
0x429: {  	v14 =	vor.u32 s0, v9;
	_ =	sdelay $0x1  }
0x42a: {  	v11 =	vor.u32 $0x40, v7  }
0x42b: {  	v16 =	vor.u32 s0, v11  }
0x42c: {  	s16 =	ssub.s32 s16, s19;
	s28 =	ssub.s32 s21, s23;
	v10 =	vor.u32 $0x41, v7;
	v17 =	vld.idx.msk [tilespmem:v12+s10+$0x0], $0xffff;
	s26 =	spop (v2sf)  }
0x42d: {  	p1 =	slt.s32 s16, s17;
	v15 =	vor.u32 s0, v10;
	v18 =	vld.idx.msk [tilespmem:v14+s10+$0x0], $0xffff;
	s16 =	sxor.u32 $0x80000000, s26;
	s29 =	spop (v2sf)  }
0x42e: {  	v20 =	vld.idx.msk [tilespmem:v12+s3+$0x0], $0xffff;
	s16 =	smov.u32 @p1 s18;
	p1 =	slt.s32 s28, s20;
	s0 =	sxor.u32 $0x80000000, s29  }
0x42f: {  	v24 =	vld.idx.msk [tilespmem:v14+s3+$0x0], $0xffff;
	v19 =	vmov s16;
	s0 =	smov.u32 @p1 s22  }
0x430: {  	v6 =	vmul.f32 $7.011718750e-01, v6;
	v25 =	vld.idx.msk [tilespmem:v16+s10+$0x0], $0xffff;
	v19 =	vmul.f32 $2.988281250e-01, v19;
	v12 =	vmov s0  }
0x431: {  	s30 =	simm.s32 $0x40;
	s31 =	simm.s32 $0x80;
	v60 =	vimm.s32 $0x0;
	v13 =	vmul.f32 $7.011718750e-01, v13;
	v16 =	vld.idx.msk [tilespmem:v16+s3+$0x0], $0xffff;
	v22 =	vmul.f32 $2.988281250e-01, v12  }
0x432: {  	v28 =	vor.u32 s31, v7;
	v23 =	vor.u32 s30, v11;
	v21 =	vld.idx.msk [tilespmem:v15+s10+$0x0], $0xffff;
	v14 =	vbroadcast v19, $0x0  }
0x433: {  	v26 =	vor.u32 s30, v10;
	v15 =	vld.idx.msk [tilespmem:v15+s3+$0x0], $0xffff;
	s16 =	simm.s32 $0x0;
	v12 =	vor.u32 $0x1, v7;
	v22 =	vbroadcast v22, $0x0  }
0x434: {  	v32 =	vor.u32 s30, v8;
	v6 =	vadd.f32 v14, v6;
	v59 =	vor.u32 s16, v12  }
0x435: {  	v27 =	vor.u32 s16, v7;
	v14 =	vor.u32 $0x2, v7;
	v13 =	vadd.f32 v22, v13  }
0x436: {  	vm0 =	vgt.f32 v20, v6;
	vm1 =	vgt.f32 v16, v6;
	vm2 =	vgt.f32 v24, v6  }
0x437: {  	vm7 =	vmneg vm1;
	v22 =	vor.u32 s31, v12;
	vm10 =	vgt.f32 v18, v13  }
0x438: {  	v29 =	vld.idx.msk [tilespmem:v23+s3+$0x0], $0xffff;
	vm1 =	vgt.f32 v15, v6;
	vm9 =	vmneg vm0;
	v18 =	vsel vm10, $0xFFFFFFFF, v60  }
0x439: {  	vm6 =	vmneg vm1;
	v30 =	vld.idx.msk [tilespmem:v59+s3+$0x0], $0xffff;
	vm3 =	vgt.f32 v17, v13;
	vm8 =	vgt.f32 v25, v13;
	[tilespmem:$0x1FFF0] =	vst v18  }
0x43a: {  	vm5 =	vgt.f32 v21, v13;
	v25 =	vor.u32 s31, v14;
	vm4 =	vmor vm7, vm8;
	v17 =	vld.idx.msk [tilespmem:v23+s10+$0x0], $0xffff  }
0x43b: {  	vm1 =	vmor vm6, vm5;
	vm7 =	vmand vm7, vm8;
	v16 =	vld.idx.msk [tilespmem:v26+s3+$0x0], $0xffff;
	v23 =	vimm.s32 $0x0  }
0x43c: {  	vm6 =	vmand vm6, vm5;
	vm0 =	vmneg vm4;
	v15 =	vld.idx.msk [tilespmem:v22+s3+$0x0], $0xffff;
	v23 =	vsel vm3, $0xFFFFFFFF, v23  }
0x43d: {  	vm4 =	vmneg vm2;
	v20 =	vsel vm1, $0x0, v3;
	v18 =	vld.idx.msk [tilespmem:v59+s10+$0x0], $0xffff;
	[tilespmem:$0x1FFD0] =	vst v23;
	v23 =	vimm.s32 $0x0  }
0x43e: {  	vm1 =	vgt.f32 v29, v6;
	v37 =	vsel vm7, $0x1, v0;
	v23 =	vsel vm9, $0xFFFFFFFF, v23  }
0x43f: {  	v38 =	vsel vm6, $0x100, v0;
	v61 =	vsel vm0, $0x1, v0;
	vm0 =	vmor vm4, vm10;
	[tilespmem:$0x1FFE0] =	vst v23  }
0x440: {  	vm1 =	vmneg vm1;
	v21 =	vsel vm0, $0x0, v4;
	vm0 =	vmor vm9, vm3;
	v23 =	vld.idx.msk [tilespmem:v26+s10+$0x0], $0xffff  }
0x441: {  	v19 =	vor.u32 v61, v20;
	v24 =	vsel vm0, $0x0, v5;
	vm2 =	vgt.f32 v30, v6;
	v22 =	vld.idx.msk [tilespmem:v22+s10+$0x0], $0xffff  }
0x442: {  	v19 =	vor.u32 v21, v19;
	vm2 =	vmneg vm2;
	vm11 =	vgt.f32 v15, v6;
	v15 =	vld.idx.msk [tilespmem:v27+s3+$0x0], $0xffff  }
0x443: {  	v19 =	vor.u32 v24, v19;
	vm9 =	vgt.f32 v17, v13;
	vm10 =	vgt.f32 v16, v6;
	v17 =	vld.idx.msk [tilespmem:v28+s3+$0x0], $0xffff  }
0x444: {  	vm12 =	vgt.f32 v18, v13;
	v62 =	vld.idx.msk [tilespmem:v28+s10+$0x0], $0xffff;
	vm3 =	vmor vm1, vm9;
	vm10 =	vmneg vm10  }
0x445: {  	v28 =	vld.idx.msk [tilespmem:v25+s3+$0x0], $0xffff;
	vm11 =	vmneg vm11;
	vm13 =	vmor vm2, vm12;
	vm2 =	vmand vm2, vm12  }
0x446: {  	vm14 =	vmand vm1, vm9;
	v63 =	vsel vm13, $0x0, v3;
	vm3 =	vmneg vm3  }
0x447: {  	v16 =	vld.idx.msk [tilespmem:v27+s10+$0x0], $0xffff;
	v29 =	vsel vm2, $0x100, v0;
	v33 =	vsel vm14, $0x1, v0;
	v27 =	vsel vm3, $0x1, v0  }
0x448: {  	vm12 =	vgt.f32 v23, v13;
	vm9 =	vgt.f32 v22, v13;
	v22 =	vor.u32 s16, v14  }
0x449: {  	v23 =	vor.u32 s30, v9;
	vm8 =	vgt.f32 v15, v6;
	v15 =	vor.u32 $0x3, v7  }
0x44a: {  	vm2 =	vgt.f32 v28, v6;
	vm15 =	vmor vm10, vm12;
	vm1 =	vmand vm10, vm12  }
0x44b: {  	vm10 =	vmor vm11, vm9;
	vm9 =	vmand vm11, vm9;
	vm8 =	vmneg vm8  }
0x44c: {  	v25 =	vld.idx.msk [tilespmem:v25+s10+$0x0], $0xffff;
	vm11 =	vgt.f32 v16, v13;
	v30 =	vor.u32 s16, v15;
	v35 =	vor.u32 s31, v15  }
0x44d: {  	vm2 =	vmneg vm2;
	vm12 =	vmor vm8, vm11;
	vm8 =	vmand vm8, vm11;
	v16 =	vld.idx.msk [tilespmem:v22+s3+$0x0], $0xffff  }
0x44e: {  	vm11 =	vgt.f32 v17, v6;
	v31 =	vsel vm15, $0x0, v3;
	v34 =	vsel vm1, $0x100, v0;
	v26 =	vld.idx.msk [tilespmem:v23+s3+$0x0], $0xffff  }
0x44f: {  	v36 =	vsel vm9, $0x100, v0;
	vm5 =	vmneg vm11;
	vm11 =	vgt.f32 v62, v13;
	v22 =	vld.idx.msk [tilespmem:v22+s10+$0x0], $0xffff  }
0x450: {  	v39 =	vsel vm8, $0x1, v0;
	v31 =	vor.u32 v27, v31;
	v27 =	vor.u32 v33, v34;
	v23 =	vld.idx.msk [tilespmem:v23+s10+$0x0], $0xffff  }
0x451: {  	v21 =	vld.idx.msk [tilespmem:v32+s10+$0x0], $0xffff;
	vm0 =	vmor vm5, vm11;
	vm5 =	vmand vm5, vm11;
	vm11 =	vmneg vm12  }
0x452: {  	v28 =	vld.idx.msk [tilespmem:v32+s3+$0x0], $0xffff;
	v29 =	vor.u32 v39, v29;
	v17 =	vsel vm11, $0x1, v0;
	vm0 =	vmneg vm0  }
0x453: {  	v40 =	vsel vm5, $0x1, v0;
	v20 =	vsel vm0, $0x1, v0;
	vm1 =	vgt.f32 v26, v6;
	v26 =	vld.idx.msk [tilespmem:v30+s3+$0x0], $0xffff  }
0x454: {  	vm0 =	vgt.f32 v16, v6;
	v16 =	vsel vm10, $0x0, v3;
	vm3 =	vgt.f32 v22, v13;
	v22 =	vld.idx.msk [tilespmem:v35+s3+$0x0], $0xffff  }
0x455: {  	vm6 =	vgt.f32 v23, v13;
	v23 =	vld [tilespmem:$0x1FFF0];
	vm0 =	vmneg vm0;
	vm1 =	vmneg vm1  }
0x456: {  	v30 =	vld.idx.msk [tilespmem:v30+s10+$0x0], $0xffff;
	vm9 =	vmor vm0, vm3;
	vm0 =	vmand vm0, vm3;
	vm11 =	vmor vm1, vm6  }
0x457: {  	vm1 =	vmand vm1, vm6;
	vm3 =	vgt.f32 v25, v13;
	vm6 =	vgt.f32 v21, v13  }
0x458: {  	v21 =	vor.u32 v37, v38;
	vm5 =	vmor vm2, vm3;
	vm7 =	vmand vm2, vm3  }
0x459: {  	v25 =	vld.idx.msk [tilespmem:v35+s10+$0x0], $0xffff;
	v24 =	vsel vm9, $0x0, v4;
	vm3 =	vgt.f32 v28, v6;
	v32 =	vsel vm11, $0x0, v4  }
0x45a: {  	v28 =	vsel vm1, $0x10000, v0;
	vm2 =	vnez.u8 v23;
	v23 =	vsel vm0, $0x10000, v0  }
0x45b: {  	vm0 =	vgt.f32 v22, v6;
	vm11 =	vgt.f32 v30, v13;
	v30 =	vor.u32 v17, v63  }
0x45c: {  	v22 =	vor.u32 v40, v36;
	vm8 =	vmand vm4, vm2;
	vm2 =	vgt.f32 v26, v6  }
0x45d: {  	s17 =	simm.s32 $0x0;
	vm4 =	vmneg vm3;
	vm3 =	vmneg vm0;
	v26 =	vsel vm5, $0x0, v4  }
0x45e: {  	s18 =	simm.s32 $0x0;
	[tilespmem:s17+$0x10430] =	vst v19;
	vm10 =	vmneg vm2;
	vm5 =	vgt.f32 v25, v13;
	v25 =	vor.u32 v20, v16  }
.LBB2_43:
0x45f: {  	s16 =	sadd.s32 $0x100, s16  }
0x460: {  	v35 =	vor.u32 s16, v7  }
0x461: {  	s20 =	sadd.s32 $0xC0, s16;
	v38 =	vor.u32 s16, v12  }
0x462: {  	v33 =	vsel vm7, $0x10000, v0;
	v34 =	vsel vm8, $0x10000, v0;
	v37 =	vor.u32 s20, v8  }
0x463: {  	vm9 =	vmor vm10, vm11;
	vm7 =	vmand vm10, vm11;
	v49 =	vld [tilespmem:$0x1FFD0];
	v40 =	vor.u32 s20, v9  }
0x464: {  	vm8 =	vmor vm4, vm6;
	vm0 =	vmand vm4, vm6;
	vm1 =	vmor vm3, vm5;
	v60 =	vld [tilespmem:$0x1FFE0]  }
0x465: {  	vm2 =	vmand vm3, vm5;
	v24 =	vor.u32 v24, v30;
	v43 =	vor.u32 s20, v10;
	v44 =	vld.idx.msk [tilespmem:v35+s3+$0x0], $0xffff  }
0x466: {  	v23 =	vor.u32 v23, v29;
	v29 =	vor.u32 v32, v31;
	v27 =	vor.u32 v28, v27;
	v56 =	vld.idx.msk [tilespmem:v38+s3+$0x0], $0xffff  }
0x467: {  	v25 =	vor.u32 v26, v25;
	v31 =	vimm.s32 $0x0;
	s19 =	sadd.s32 $0x80, s16;
	v46 =	vor.u32 s20, v11;
	v47 =	vld.idx.msk [tilespmem:v37+s10+$0x0], $0xffff  }
0x468: {  	v57 =	vimm.s32 $0x0;
	v58 =	vimm.s32 $0x0;
	v36 =	vor.u32 s19, v7;
	v48 =	vld.idx.msk [tilespmem:v40+s10+$0x0], $0xffff  }
0x469: {  	v41 =	vor.u32 s16, v14;
	v22 =	vor.u32 v33, v22;
	v28 =	vsel vm9, $0x0, v5;
	v37 =	vld.idx.msk [tilespmem:v37+s3+$0x0], $0xffff  }
0x46a: {  	v21 =	vor.u32 v34, v21;
	v62 =	vsel vm7, $0x1000000, v0;
	v63 =	vsel vm8, $0x0, v5;
	v61 =	vld.idx.msk [tilespmem:v43+s10+$0x0], $0xffff  }
0x46b: {  	s0 =	sadd.s32 $0x40, s16;
	v51 =	vsel vm0, $0x1000000, v0;
	v52 =	vsel vm1, $0x0, v5;
	v39 =	vor.u32 s19, v12;
	v30 =	vld.idx.msk [tilespmem:v40+s3+$0x0], $0xffff  }
0x46c: {  	v53 =	vsel vm2, $0x1000000, v0;
	v42 =	vor.u32 s0, v10;
	v24 =	vor.u32 v28, v24;
	v26 =	vld.idx.msk [tilespmem:v46+s10+$0x0], $0xffff  }
0x46d: {  	v19 =	vor.u32 s19, v14;
	v45 =	vor.u32 s0, v11;
	v28 =	vor.u32 v63, v29;
	[tilespmem:s17+$0x10400] =	vst v24;
	v55 =	vld.idx.msk [tilespmem:v36+s3+$0x0], $0xffff  }
0x46e: {  	v23 =	vor.u32 v62, v23;
	vm3 =	vnez.u8 v49;
	vm4 =	vnez.u8 v60;
	v24 =	vld.idx.msk [tilespmem:v35+s10+$0x0], $0xffff  }
0x46f: {  	v27 =	vor.u32 v51, v27;
	vm3 =	vmand vm4, vm3;
	[tilespmem:s17+$0x12400] =	vst v23;
	v23 =	vld.idx.msk [tilespmem:v36+s10+$0x0], $0xffff;
	vm4 =	vgt.f32 v44, v6  }
0x470: {  	v25 =	vor.u32 v52, v25;
	vm9 =	vmneg vm4;
	vm2 =	vgt.f32 v30, v6;
	v30 =	vld.idx.msk [tilespmem:v39+s3+$0x0], $0xffff  }
0x471: {  	v22 =	vor.u32 v53, v22;
	v29 =	vsel vm3, $0x1000000, v0;
	[tilespmem:s17+$0x10420] =	vst v25;
	v25 =	vld.idx.msk [tilespmem:v41+s3+$0x0], $0xffff;
	v31 =	vsel vm9, $0xFFFFFFFF, v31  }
0x472: {  	v21 =	vor.u32 v29, v21;
	v29 =	vimm.s32 $0x0;
	vm6 =	vgt.f32 v48, v13;
	[tilespmem:$0x1FF00] =	vst v31;
	v31 =	vld.idx.msk [tilespmem:v46+s3+$0x0], $0xffff  }
0x473: {  	v50 =	vld.idx.msk [tilespmem:v43+s3+$0x0], $0xffff;
	vm0 =	vgt.f32 v37, v6;
	vm4 =	vgt.f32 v47, v13;
	vm7 =	vgt.f32 v61, v13  }
0x474: {  	vm3 =	vgt.f32 v26, v13;
	v26 =	vimm.s32 $0x0;
	vm11 =	vgt.f32 v24, v13  }
0x475: {  	v54 =	vld.idx.msk [tilespmem:v45+s3+$0x0], $0xffff;
	[tilespmem:s17+$0x10410] =	vst v28;
	v29 =	vsel vm6, $0xFFFFFFFF, v29;
	v26 =	vsel vm3, $0xFFFFFFFF, v26;
	vm2 =	vmneg vm2  }
0x476: {  	v34 =	vsel vm4, $0xFFFFFFFF, v57;
	vm15 =	vmor vm9, vm11;
	[tilespmem:$0x1FEE0] =	vst v26;
	v26 =	vimm.s32 $0x0  }
0x477: {  	[tilespmem:s17+$0x12420] =	vst v22;
	vm9 =	vgt.f32 v25, v6;
	vm1 =	vgt.f32 v31, v6;
	v31 =	vimm.s32 $0x0  }
0x478: {  	[tilespmem:$0x1FFB0] =	vst v29;
	v31 =	vsel vm7, $0xFFFFFFFF, v31;
	vm5 =	vmneg vm1;
	vm1 =	vgt.f32 v50, v6  }
0x479: {  	v28 =	vld.idx.msk [tilespmem:v45+s10+$0x0], $0xffff;
	v25 =	vimm.s32 $0x0;
	[tilespmem:$0x1FF20] =	vst v31;
	v31 =	vimm.s32 $0x0;
	vm1 =	vmneg vm1  }
0x47a: {  	v29 =	vld.idx.msk [tilespmem:v42+s3+$0x0], $0xffff;
	[tilespmem:s17+$0x12410] =	vst v27;
	vm3 =	vmor vm5, vm3;
	v31 =	vsel vm5, $0xFFFFFFFF, v31;
	v26 =	vsel vm1, $0xFFFFFFFF, v26  }
0x47b: {  	vm5 =	vmneg vm0;
	vm0 =	vmneg vm3;
	vm1 =	vmor vm1, vm7;
	[tilespmem:$0x1FEF0] =	vst v31  }
0x47c: {  	[tilespmem:$0x1FF10] =	vst v26;
	v26 =	vimm.s32 $0x0;
	v27 =	vsel vm0, $0x1, v0;
	v31 =	vsel vm1, $0x0, v3  }
0x47d: {  	[tilespmem:$0x1FFD0] =	vst v34;
	v22 =	vld.idx.msk [tilespmem:v42+s10+$0x0], $0xffff;
	vm0 =	vmor vm2, vm6;
	v34 =	vsel vm5, $0xFFFFFFFF, v58;
	vm1 =	vgt.f32 v54, v6  }
0x47e: {  	vm6 =	vgt.f32 v28, v13;
	v26 =	vsel vm2, $0xFFFFFFFF, v26;
	v27 =	vor.u32 v27, v31  }
0x47f: {  	v31 =	vsel vm0, $0x0, v4;
	vm14 =	vmneg vm1;
	vm1 =	vgt.f32 v56, v6  }
0x480: {  	vm0 =	vmor vm5, vm4;
	vm2 =	vgt.f32 v30, v6;
	[tilespmem:$0x1FFA0] =	vst v26;
	v26 =	vld.idx.msk [tilespmem:v38+s10+$0x0], $0xffff;
	v27 =	vor.u32 v31, v27  }
0x481: {  	v31 =	vsel vm0, $0x0, v5;
	vm0 =	vgt.f32 v55, v6;
	vm12 =	vmor vm14, vm6  }
0x482: {  	vm5 =	vmneg vm1;
	vm3 =	vmneg vm2;
	vm2 =	vgt.f32 v22, v13  }
0x483: {  	v22 =	vimm.s32 $0x0;
	vm10 =	vmneg vm0;
	vm1 =	vmneg vm12  }
0x484: {  	v24 =	vld.idx.msk [tilespmem:v19+s3+$0x0], $0xffff;
	vm0 =	vgt.f32 v29, v6;
	v25 =	vsel vm1, $0xFFFFFFFF, v25;
	vm1 =	vmneg vm15  }
0x485: {  	vm4 =	vmneg vm0;
	v22 =	vsel vm1, $0xFFFFFFFF, v22;
	vm0 =	vgt.f32 v26, v13  }
0x486: {  	[tilespmem:$0x1FF30] =	vst v22;
	v22 =	vimm.s32 $0x0;
	vm1 =	vmor vm5, vm0  }
0x487: {  	v22 =	vsel vm1, $0xFFFFFFFF, v22  }
0x488: {  	vm0 =	vmand vm5, vm0;
	[tilespmem:$0x1FF40] =	vst v22;
	v22 =	vimm.s32 $0x0  }
0x489: {  	v22 =	vsel vm0, $0xFFFFFFFF, v22;
	vm0 =	vmand vm14, vm6;
	vm6 =	vgt.f32 v24, v6;
	v24 =	vld [tilespmem:$0x1FEE0];
	_ =	sdelay $0x3  }
0x48a: {  	v28 =	vld.idx.msk [tilespmem:v39+s10+$0x0], $0xffff;
	[tilespmem:$0x1FF60] =	vst v22;
	v22 =	vimm.s32 $0x0  }
0x48b: {  	v22 =	vsel vm0, $0xFFFFFFFF, v22;
	vm0 =	vnez.u8 v24;
	v24 =	vld [tilespmem:$0x1FEF0];
	_ =	sdelay $0x3  }
0x48c: {  	vm5 =	vmor vm4, vm2;
	vm1 =	vgt.f32 v28, v13;
	vm14 =	vmand vm4, vm2  }
0x48d: {  	vm4 =	vmor vm3, vm1;
	vm3 =	vmand vm3, vm1;
	vm1 =	vnez.u8 v24;
	v24 =	vld [tilespmem:$0x1FF00];
	_ =	sdelay $0x4  }
0x48e: {  	vm12 =	vmand vm1, vm0;
	vm0 =	vnez.u8 v24  }
0x48f: {  	v24 =	vimm.s32 $0x0;
	vm0 =	vmand vm0, vm11  }
0x490: {  	v24 =	vsel vm0, $0xFFFFFFFF, v24  }
0x491: {  	[tilespmem:$0x1FF80] =	vst v24;
	v24 =	vld [tilespmem:$0x1FF10];
	_ =	sdelay $0x3  }
0x492: {  	v17 =	vor.u32 s16, v15  }
0x493: {  	v20 =	vor.u32 s0, v9;
	vm0 =	vnez.u8 v24;
	v24 =	vld [tilespmem:$0x1FF20];
	_ =	sdelay $0x3  }
0x494: {  	vm13 =	vgt.f32 v23, v13;
	v23 =	vld.idx.msk [tilespmem:v17+s3+$0x0], $0xffff  }
0x495: {  	v18 =	vor.u32 s0, v8;
	[tilespmem:s17+$0x12430] =	vst v21;
	s17 =	sshra.s32 s16, $0x2;
	v21 =	vld.idx.msk [tilespmem:v20+s3+$0x0], $0xffff;
	v27 =	vor.u32 v31, v27;
	vm1 =	vnez.u8 v24  }
0x496: {  	[tilespmem:s17+$0x10430] =	vst v27;
	v27 =	vld.idx.msk [tilespmem:v41+s10+$0x0], $0xffff;
	v24 =	vimm.s32 $0x0;
	vm2 =	vmand vm0, vm1;
	vm0 =	vmand vm10, vm13  }
0x497: {  	v19 =	vld.idx.msk [tilespmem:v19+s10+$0x0], $0xffff;
	v24 =	vsel vm0, $0xFFFFFFFF, v24  }
0x498: {  	v20 =	vld.idx.msk [tilespmem:v20+s10+$0x0], $0xffff;
	[tilespmem:$0x1FF90] =	vst v24  }
0x499: {  	vm7 =	vmor vm10, vm13;
	v29 =	vld [tilespmem:$0x1FF90]  }
0x49a: {  	v16 =	vor.u32 s19, v15;
	vm8 =	vgt.f32 v21, v6;
	v21 =	vld.idx.msk [tilespmem:v18+s3+$0x0], $0xffff;
	vm15 =	vmneg vm7  }
0x49b: {  	vm7 =	vmneg vm9;
	vm9 =	vmneg vm8;
	vm8 =	vgt.f32 v27, v13;
	v27 =	vld [tilespmem:$0x1FF80]  }
0x49c: {  	v18 =	vld.idx.msk [tilespmem:v18+s10+$0x0], $0xffff  }
0x49d: {  	[tilespmem:$0x1FF50] =	vst v25;
	v59 =	vld [tilespmem:$0x1FF30];
	vm6 =	vmneg vm6;
	v25 =	vsel vm14, $0x100, v0;
	v60 =	vsel vm3, $0x100, v0  }
0x49e: {  	[tilespmem:$0x1FF70] =	vst v22;
	v61 =	vsel vm12, $0x1, v0;
	vm12 =	vmand vm7, vm8;
	vm3 =	vnez.u8 v29;
	v29 =	vld [tilespmem:$0x1FFA0]  }
0x49f: {  	v22 =	vld.idx.msk [tilespmem:v16+s3+$0x0], $0xffff;
	vm13 =	vgt.f32 v21, v6;
	vm1 =	vgt.f32 v19, v13;
	vm0 =	vgt.f32 v23, v6  }
0x4a0: {  	v16 =	vld.idx.msk [tilespmem:v16+s10+$0x0], $0xffff;
	v23 =	vimm.s32 $0x0;
	v62 =	vsel vm2, $0x100, v0;
	vm2 =	vnez.u8 v27  }
0x4a1: {  	v23 =	vsel vm0, $0xFFFFFFFF, v23;
	vm0 =	vgt.f32 v20, v13;
	v20 =	vld [tilespmem:$0x1FF40];
	v27 =	vsel vm2, $0x1, v0  }
0x4a2: {  	v21 =	vld [tilespmem:$0x1FF50];
	vm2 =	vmor vm7, vm8;
	vm7 =	vmand vm6, vm1;
	vm14 =	vmor vm9, vm0  }
0x4a3: {  	vm0 =	vmand vm9, vm0;
	vm9 =	vmor vm6, vm1;
	vm1 =	vnez.u8 v29;
	v29 =	vld [tilespmem:$0x1FFB0]  }
0x4a4: {  	v26 =	vsel vm15, $0x1, v0;
	vm11 =	vgt.f32 v22, v6;
	v22 =	vld [tilespmem:$0x1FF60];
	vm10 =	vnez.u8 v59  }
0x4a5: {  	v28 =	vsel vm4, $0x0, v3;
	v19 =	vsel vm10, $0x1, v0;
	vm4 =	vmneg vm13;
	[tilespmem:$0x1FFC0] =	vst v23;
	v23 =	vld [tilespmem:$0x1FF70]  }
0x4a6: {  	v24 =	vsel vm5, $0x0, v3;
	vm5 =	vgt.f32 v16, v13;
	vm10 =	vnez.u8 v20  }
0x4a7: {  	v17 =	vld.idx.msk [tilespmem:v17+s10+$0x0], $0xffff;
	vm6 =	vgt.f32 v18, v13;
	v32 =	vsel vm14, $0x0, v4;
	v20 =	vsel vm10, $0x0, v3  }
0x4a8: {  	vm10 =	vnez.u8 v21;
	v63 =	vsel vm3, $0x1, v0;
	vm3 =	vnez.u8 v29;
	v29 =	vld [tilespmem:$0x1FFC0]  }
0x4a9: {  	s18 =	sadd.s32 $0x4, s18;
	v21 =	vsel vm10, $0x1, v0;
	vm10 =	vnez.u8 v22;
	v30 =	vor.u32 v19, v20  }
0x4aa: {  	p1 =	slt.u32 s18, $0x1FC;
	v22 =	vsel vm10, $0x100, v0;
	vm10 =	vnez.u8 v23;
	v31 =	vor.u32 v21, v24  }
.Ltmp20:
0x4ab: {  	v24 =	vsel vm2, $0x0, v4;
	v21 =	vor.u32 v61, v62;
	v23 =	vsel vm10, $0x1, v0;
	(pc) =	sbr.rel @p1 .LBB2_43-.Ltmp20, $4  }
0x4ac: {  	vm8 =	vmand vm1, vm3;
	vm3 =	vmneg vm11;
	vm11 =	vgt.f32 v17, v13  }
0x4ad: {  	vm1 =	vnez.u8 v29;
	v29 =	vor.u32 v27, v22;
	v27 =	vor.u32 v23, v25  }
0x4ae: {  	v25 =	vor.u32 v26, v28;
	v22 =	vor.u32 v63, v60;
	v23 =	vsel vm12, $0x10000, v0  }
0x4af: {  	[tilespmem:$0x1FFE0] =	vst v34;
	v28 =	vsel vm0, $0x10000, v0;
	v26 =	vsel vm9, $0x0, v4;
	vm10 =	vmneg vm1  }
0x4b0: {  	v6 =	vsel vm7, $0x10000, v0  }
0x4b1: {  	v7 =	vsel vm8, $0x10000, v0;
	vm0 =	vmor vm10, vm11;
	vm1 =	vmand vm10, vm11  }
0x4b2: {  	vm2 =	vmor vm4, vm6;
	vm4 =	vmand vm4, vm6;
	vm12 =	vmor vm3, vm5;
	v8 =	vld [tilespmem:$0x1FFD0]  }
0x4b3: {  	vm13 =	vmand vm3, vm5;
	v55 =	vld [tilespmem:$0x1FFE0];
	v56 =	vor.u32 v32, v31;
	v10 =	vor.u32 v24, v30  }
0x4b4: {  	v57 =	vor.u32 v23, v29;
	v58 =	vor.u32 v28, v27;
	v11 =	vsel vm0, $0x0, v5  }
0x4b5: {  	v6 =	vor.u32 v6, v22;
	v62 =	vsel vm13, $0x1000000, v0;
	v10 =	vor.u32 v11, v10  }
0x4b6: {  	v60 =	vor.u32 v26, v25;
	v61 =	vsel vm12, $0x0, v5;
	v6 =	vor.u32 v62, v6;
	[tilespmem:s17+$0x10400] =	vst v10  }
0x4b7: {  	v9 =	vsel vm2, $0x0, v5;
	v12 =	vsel vm1, $0x1000000, v0;
	v10 =	vor.u32 v61, v60;
	[tilespmem:s17+$0x12420] =	vst v6  }
0x4b8: {  	[tilespmem:s17+$0x10420] =	vst v10;
	vm14 =	vnez.u8 v8;
	vm15 =	vnez.u8 v55;
	v8 =	vor.u32 v9, v56  }
0x4b9: {  	v59 =	vsel vm4, $0x1000000, v0;
	v9 =	vor.u32 v12, v57;
	vm5 =	vmand vm15, vm14;
	[tilespmem:s17+$0x10410] =	vst v8  }
0x4ba: {  	v7 =	vor.u32 v7, v21;
	v8 =	vor.u32 v59, v58;
	[tilespmem:s17+$0x12400] =	vst v9;
	v63 =	vsel vm5, $0x1000000, v0  }
0x4bb: {  	s0 =	sshll.u32 s15, $0xA;
	[tilespmem:s17+$0x12410] =	vst v8;
	v7 =	vor.u32 v63, v7  }
0x4bc: {  	s15 =	sadd.s32 s1, s0;
	[tilespmem:s17+$0x12430] =	vst v7  }
0x4bd: {  	[hbm4b:s15+s3] =	stream.linear.scatter [tilespmem:s12], [sflag:$0x1], $0x2000, $0x38;
	[tilespmem:$0x14400] =	vst v63  }
0x4be: {  	s15 =	simm.s32 $0x1  }
0x4bf: {  	_ =	swait.ge [sflag:s15], $0x2000  }
0x4c0: {  	[sflag:s15] =	ssyncset.done $0x0  }
.Ltmp21:
0x4c1: {  	s0 =	sadd.s32 s2, s0;
	[sflag:s15] =	ssyncadd.s32 $0xFFFFE000;
	(pc) =	sbr.rel @p0 .LBB2_2-.Ltmp21, $4  }
0x4c2: {  	[hbm4b:s0+s3] =	stream.linear.scatter [tilespmem:s13], [sflag:$0x1], $0x2000, $0x38;
	[tilespmem:$0x14400] =	vst v63  }
0x4c3: {  	_ =	swait.ge [sflag:s15], $0x2000  }
0x4c4: {  	[sflag:s15] =	ssyncset.done $0x0  }
0x4c5: {  	p1 =	por $0x0, $0x0;
	vm10 =	vmxor vm10, vm10;
	[sflag:s15] =	ssyncadd.s32 $0xFFFFE000  }
0x4c6: {  	s14 =	sadd.s32 $0x1, s14  }
0x4c7: {  	p0 =	sne.s32 s14, s8  }
.Ltmp22:
0x4c8: {  	_ = 	snop;
	(pc) =	sbr.rel @p0 .LBB2_1-.Ltmp22, $1  }
0x4c9: {  	_ =	sdelay $0x3  }
0x4ca: {  	_ =	sfence.sel $0x180000  }
0x4cb: {  	[bflag:$0x0] =	sbarrier.arrive $0xFFFF  }
0x4cc: {  	_ =	strace $0x90000047  }
0x4cd: {  	[bflag:$0x2] =	sbarrier.arrive $0xFFFF  }
0x4ce: {  	p0 =	sne.s32 s4, $0x0;
	s0 =	rddreg [dreg:$0x3]  }
0x4cf: {  	s0 =	sadd.s32 @!p0 $0x100000, s0  }
0x4d0: {  	[sflag:s0] =	ssyncadd.tile.s32 @!p0 $0x1;
	_ =	shalt  }
.Lfunc_end2:
_tile_overlayer_lowered:
.L_overlay_start_2:
0x4d1: {  	(tag) =	ssettag $0x2  }
0x4d2: {  	s0 =	rddreg [dreg:$0x0];
	s2 =	stileid.u32  }
0x4d3: {  	s1 =	rddreg [dreg:$0x1];
	p0 =	sne.s32 s2, $0x0  }
0x4d4: {  	s3 =	rddreg [dreg:$0x2];
	[bflag:$0x3] =	sbarrier.arrive $0xFFFF;
	s2 =	simm.s32 @!p0 $0x1C01  }
0x4d5: {  	[timem:s3], [sflag:s2] =	dma.local @!p0 [hbm:s0], s1  }
0x4d6: {  	s0 =	simm.s32 @!p0 $0x1  }
0x4d7: {  	_ =	swait.ge @!p0 [sflag:s0], s1  }
0x4d8: {  	s1 =	ssub.s32 @!p0 $0x0, s1;
	[sflag:s0] =	ssyncset.done @!p0 $0x0  }
0x4d9: {  	[sflag:s0] =	ssyncadd.s32 @!p0 s1  }
0x4da: {  	[bflag:$0x3] =	sbarrier.arrive $0xFFFF  }
0x4db: {  	_ =	shalt  }

</sc_bundles>
